<compile_context>
chip_gen: v7x
topology: tpu7x:2x2x1
jax: 0.10.2.dev20260603
libtpu: 0.0.44.dev20260713+nightly
codegen_flags: <defaults>
</compile_context>

<pallas_src>
import functools

import jax
import jax.numpy as jnp
from jax import lax
from jax.experimental import pallas as pl
from jax.experimental.pallas import tpu as pltpu
from jax.experimental.pallas import tpu_sc as plsc

N = 100000
B = 512
DIM = 128

NC = 2
NS = 16
NW = NC * NS

LANES = 16
SUB = DIM // LANES

BLK = 800
NBLOCKS = N // BLK
NBLK_MAX = -(-NBLOCKS // NW)
EXTRA = NBLOCKS - NW * (NBLK_MAX - 1)

RB = 5000
NTB = N // RB


def _worker_id():
    return lax.axis_index("s") * NC + lax.axis_index("c")


def _worker_blocks(wid):
    nblk = jnp.where(wid < EXTRA, NBLK_MAX, NBLK_MAX - 1)
    blk0 = (NBLK_MAX - 1) * wid + jnp.minimum(wid, EXTRA)
    return blk0, nblk


def _pool_kernel(h_hbm, seg_hbm, out_hbm, pool_sh, hblk, idx, zblk):
    cid = lax.axis_index("c")
    sid = lax.axis_index("s")
    wid = _worker_id()
    blk0, nblk = _worker_blocks(wid)

    rows_per_tile = B // NS
    for r in range(rows_per_tile):
        for t in range(SUB):
            zblk[r, pl.ds(t * LANES, LANES)] = jnp.zeros((LANES,), jnp.float32)
    pltpu.sync_copy(zblk, pool_sh.at[pl.ds(sid * rows_per_tile, rows_per_tile)])
    plsc.subcore_barrier()

    @pl.loop(0, NBLK_MAX)
    def _(j):
        @pl.when(j < nblk)
        def _():
            base = (blk0 + j) * BLK
            pltpu.sync_copy(seg_hbm.at[pl.ds(base, BLK)], idx)
            pltpu.sync_copy(h_hbm.at[pl.ds(base, BLK)], hblk)
            pltpu.sync_copy(hblk, pool_sh.at[idx], add=True)

    plsc.subcore_barrier()
    pltpu.sync_copy(
        pool_sh.at[pl.ds(sid * rows_per_tile, rows_per_tile)],
        out_hbm.at[cid, pl.ds(sid * rows_per_tile, rows_per_tile)],
    )


def _sc_pool(h, seg):
    mesh = plsc.VectorSubcoreMesh(core_axis_name="c", subcore_axis_name="s")
    kern = functools.partial(
        pl.kernel,
        mesh=mesh,
        out_type=jax.ShapeDtypeStruct((NC, B, DIM), jnp.float32),
        scratch_types=[
            pltpu.VMEM_SHARED((B, DIM), jnp.float32),
            pltpu.VMEM((BLK, DIM), jnp.float32),
            pltpu.VMEM((BLK,), jnp.int32),
            pltpu.VMEM((B // NS, DIM), jnp.float32),
        ],
    )(_pool_kernel)
    return kern(h, seg)


def _tc_main_body(pools_ref, vn_ref, w_ref, b_ref, seg_ref, h_ref,
                  vn_out_ref, hnew_ref, vhl_ref):
    i = pl.program_id(0)

    @pl.when(i == 0)
    def _():
        pool = pools_ref[0] + pools_ref[1]
        x = vn_ref[...] + pool
        y = (jnp.dot(x, w_ref[...], preferred_element_type=jnp.float32)
             + b_ref[...])
        vn_new = vn_ref[...] + jnp.maximum(y, 0.0)
        vn_out_ref[...] = vn_new
        vhl_ref[...] = vn_new.astype(jnp.bfloat16)

    seg = seg_ref[...]
    ids = lax.broadcasted_iota(jnp.int32, (RB, B), 1)
    onehot = (seg == ids).astype(jnp.bfloat16)
    acc = jnp.dot(onehot, vhl_ref[...], preferred_element_type=jnp.float32)
    hnew_ref[...] = h_ref[...] + acc


def _tc_main(pools, vn_h, W, b, h, seg):
    seg_col = seg.reshape(N, 1)
    return pl.pallas_call(
        _tc_main_body,
        grid=(NTB,),
        in_specs=[
            pl.BlockSpec((NC, B, DIM), lambda i: (0, 0, 0)),
            pl.BlockSpec((B, DIM), lambda i: (0, 0)),
            pl.BlockSpec((DIM, DIM), lambda i: (0, 0)),
            pl.BlockSpec((1, DIM), lambda i: (0, 0)),
            pl.BlockSpec((RB, 1), lambda i: (i, 0)),
            pl.BlockSpec((RB, DIM), lambda i: (i, 0)),
        ],
        out_specs=(
            pl.BlockSpec((B, DIM), lambda i: (0, 0)),
            pl.BlockSpec((RB, DIM), lambda i: (i, 0)),
        ),
        out_shape=(
            jax.ShapeDtypeStruct((B, DIM), jnp.float32),
            jax.ShapeDtypeStruct((N, DIM), jnp.float32),
        ),
        scratch_shapes=[pltpu.VMEM((B, DIM), jnp.bfloat16)],
    )(pools, vn_h, W, b.reshape(1, DIM), seg_col, h)


def kernel(h, vn_h, segment_ids, W, b):
    seg = segment_ids.astype(jnp.int32)
    pools = _sc_pool(h, seg)
    vn_new, h_new = _tc_main(pools, vn_h, W, b, h, seg)
    return (vn_new, h_new)

# --- scband reference (transcript-rebuilt; emitter-appended) ---
"""Pipeline reference for scband-virtual-node-21028159881544 (READ-ONLY COPY).

The authoritative reference and input builder live on the scoring server;
editing this copy changes nothing except your own understanding.
"""

import jax, jax.numpy as jnp
import numpy as np

N = 100000
B = 512
DIM = 128

def setup_inputs(seed: int = 0) -> dict:
    key = jax.random.key(seed)
    k1, k2, k3, k4 = jax.random.split(key, 4)
    h = jax.random.normal(k1, (N, DIM), dtype=jnp.float32)
    vn_h = jax.random.normal(k2, (B, DIM), dtype=jnp.float32)
    segment_ids = jnp.sort(jax.random.randint(k3, (N,), 0, B, dtype=jnp.int64))
    W = jax.random.normal(k4, (DIM, DIM), dtype=jnp.float32) * 0.05
    b = jnp.zeros((DIM,), dtype=jnp.float32)
    return {"h": h, "vn_h": vn_h, "segment_ids": segment_ids, "W": W, "b": b}

def reference(h, vn_h, segment_ids, W, b):
    # vn_type == 'sum': per-graph sum pooling over nodes (sum_nodes)
    pool = jax.ops.segment_sum(h, segment_ids, num_segments=B)
    # FCLayer: linear + relu (dropout=0.0 -> identity, batch_norm=False)
    vn_h_temp = jax.nn.relu((vn_h + pool) @ W + b)
    # residual=True
    vn_new = vn_h + vn_h_temp
    # broadcast virtual-node feature back to every node of its graph
    h_new = h + jnp.take(vn_new, segment_ids, axis=0)
    return (vn_new, h_new)

if __name__ == "__main__":
    import jax
    _d = setup_inputs()
    print(jax.jit(kernel)(*tuple(_d.values())))

</pallas_src>

<mosaic_0001>
#map = affine_map<(d0, d1) -> (0, 0)>
#map1 = affine_map<(d0, d1) -> (0)>
#map2 = affine_map<(d0, d1) -> (0, 0, 0)>
module attributes {stable_mosaic.version = 14 : i64} {
  func.func @_pool_kernel(%arg0: i32, %arg1: i32, %arg2: memref<100000x128xf32, #tpu.memory_space<hbm>>, %arg3: memref<100000xi32, #tpu.memory_space<hbm>>, %arg4: memref<2x512x128xf32, #tpu.memory_space<hbm>>, %arg5: memref<512x128xf32, #tpu.memory_space<vmem_shared>>, %arg6: memref<800x128xf32, #tpu.memory_space<vmem>>, %arg7: memref<800xi32, #tpu.memory_space<vmem>>, %arg8: memref<32x128xf32, #tpu.memory_space<vmem>>) attributes {dimension_semantics = [#tpu.dimension_semantics<core_parallel>, #tpu.dimension_semantics<subcore_parallel>], iteration_bounds = array<i64: 2, 16>, scalar_prefetch = 0 : i64, scratch_operands = 4 : i64, tpu.core_type = #tpu.core_type<sc_vector_subcore>, window_params = [{transform_indices = #map}, {transform_indices = #map1}, {transform_indices = #map2}]} {
    %mul3A = arith.constant 2 : i32
    %mul3A_0 = arith.muli %arg1, %mul3A : i32
    %add3A = arith.addi %mul3A_0, %arg0 : i32
    %lt3A = arith.constant 29 : i32
    %lt3A_1 = arith.cmpi slt, %add3A, %lt3A : i32
    %jit3A = arith.constant 4 : i32
    %jit3A_2 = arith.constant 3 : i32
    %select_n3A = arith.select %lt3A_1, %jit3A, %jit3A_2 : i32
    %mul3A_3 = arith.constant 3 : i32
    %mul3A_4 = arith.muli %mul3A_3, %add3A : i32
    %min3A = arith.constant 29 : i32
    %min3A_5 = arith.minsi %add3A, %min3A : i32
    %add3A_6 = arith.addi %mul3A_4, %min3A_5 : i32
    %broadcast_in_dim3A = arith.constant 0.000000e+00 : f32
    %broadcast_in_dim3A_7 = vector.broadcast %broadcast_in_dim3A : f32 to vector<16xf32>
    %swap3A = arith.constant 0 : i32
    %swap3A_8 = arith.index_cast %swap3A : i32 to index
    %swap3A_9 = arith.constant 0 : index
    %swap3A_10 = tpu.vector_load %arg8[%swap3A_8, %swap3A_9] {strides = array<i32>} : memref<32x128xf32, #tpu.memory_space<vmem>>, vector<1x16xf32>,
    %swap3A_11 = vector.shape_cast %swap3A_10 : vector<1x16xf32> to vector<16xf32>
    %swap3A_12 = vector.shape_cast %broadcast_in_dim3A_7 : vector<16xf32> to vector<1x16xf32>
    tpu.vector_store %arg8[%swap3A_8, %swap3A_9], %swap3A_12 {strides = array<i32>} : memref<32x128xf32, #tpu.memory_space<vmem>>, vector<1x16xf32>,
    %broadcast_in_dim3A_13 = arith.constant 0.000000e+00 : f32
    %broadcast_in_dim3A_14 = vector.broadcast %broadcast_in_dim3A_13 : f32 to vector<16xf32>
    %swap3A_15 = arith.constant 0 : i32
    %swap3A_16 = arith.index_cast %swap3A_15 : i32 to index
    %swap3A_17 = arith.constant 16 : index
    %swap3A_18 = tpu.vector_load %arg8[%swap3A_16, %swap3A_17] {strides = array<i32>} : memref<32x128xf32, #tpu.memory_space<vmem>>, vector<1x16xf32>,
    %swap3A_19 = vector.shape_cast %swap3A_18 : vector<1x16xf32> to vector<16xf32>
    %swap3A_20 = vector.shape_cast %broadcast_in_dim3A_14 : vector<16xf32> to vector<1x16xf32>
    tpu.vector_store %arg8[%swap3A_16, %swap3A_17], %swap3A_20 {strides = array<i32>} : memref<32x128xf32, #tpu.memory_space<vmem>>, vector<1x16xf32>,
    %broadcast_in_dim3A_21 = arith.constant 0.000000e+00 : f32
    %broadcast_in_dim3A_22 = vector.broadcast %broadcast_in_dim3A_21 : f32 to vector<16xf32>
    %swap3A_23 = arith.constant 0 : i32
    %swap3A_24 = arith.index_cast %swap3A_23 : i32 to index
    %swap3A_25 = arith.constant 32 : index
    %swap3A_26 = tpu.vector_load %arg8[%swap3A_24, %swap3A_25] {strides = array<i32>} : memref<32x128xf32, #tpu.memory_space<vmem>>, vector<1x16xf32>,
    %swap3A_27 = vector.shape_cast %swap3A_26 : vector<1x16xf32> to vector<16xf32>
    %swap3A_28 = vector.shape_cast %broadcast_in_dim3A_22 : vector<16xf32> to vector<1x16xf32>
    tpu.vector_store %arg8[%swap3A_24, %swap3A_25], %swap3A_28 {strides = array<i32>} : memref<32x128xf32, #tpu.memory_space<vmem>>, vector<1x16xf32>,
    %broadcast_in_dim3A_29 = arith.constant 0.000000e+00 : f32
    %broadcast_in_dim3A_30 = vector.broadcast %broadcast_in_dim3A_29 : f32 to vector<16xf32>
    %swap3A_31 = arith.constant 0 : i32
    %swap3A_32 = arith.index_cast %swap3A_31 : i32 to index
    %swap3A_33 = arith.constant 48 : index
    %swap3A_34 = tpu.vector_load %arg8[%swap3A_32, %swap3A_33] {strides = array<i32>} : memref<32x128xf32, #tpu.memory_space<vmem>>, vector<1x16xf32>,
    %swap3A_35 = vector.shape_cast %swap3A_34 : vector<1x16xf32> to vector<16xf32>
    %swap3A_36 = vector.shape_cast %broadcast_in_dim3A_30 : vector<16xf32> to vector<1x16xf32>
    tpu.vector_store %arg8[%swap3A_32, %swap3A_33], %swap3A_36 {strides = array<i32>} : memref<32x128xf32, #tpu.memory_space<vmem>>, vector<1x16xf32>,
    %broadcast_in_dim3A_37 = arith.constant 0.000000e+00 : f32
    %broadcast_in_dim3A_38 = vector.broadcast %broadcast_in_dim3A_37 : f32 to vector<16xf32>
    %swap3A_39 = arith.constant 0 : i32
    %swap3A_40 = arith.index_cast %swap3A_39 : i32 to index
    %swap3A_41 = arith.constant 64 : index
    %swap3A_42 = tpu.vector_load %arg8[%swap3A_40, %swap3A_41] {strides = array<i32>} : memref<32x128xf32, #tpu.memory_space<vmem>>, vector<1x16xf32>,
    %swap3A_43 = vector.shape_cast %swap3A_42 : vector<1x16xf32> to vector<16xf32>
    %swap3A_44 = vector.shape_cast %broadcast_in_dim3A_38 : vector<16xf32> to vector<1x16xf32>
    tpu.vector_store %arg8[%swap3A_40, %swap3A_41], %swap3A_44 {strides = array<i32>} : memref<32x128xf32, #tpu.memory_space<vmem>>, vector<1x16xf32>,
    %broadcast_in_dim3A_45 = arith.constant 0.000000e+00 : f32
    %broadcast_in_dim3A_46 = vector.broadcast %broadcast_in_dim3A_45 : f32 to vector<16xf32>
    %swap3A_47 = arith.constant 0 : i32
    %swap3A_48 = arith.index_cast %swap3A_47 : i32 to index
    %swap3A_49 = arith.constant 80 : index
    %swap3A_50 = tpu.vector_load %arg8[%swap3A_48, %swap3A_49] {strides = array<i32>} : memref<32x128xf32, #tpu.memory_space<vmem>>, vector<1x16xf32>,
    %swap3A_51 = vector.shape_cast %swap3A_50 : vector<1x16xf32> to vector<16xf32>
    %swap3A_52 = vector.shape_cast %broadcast_in_dim3A_46 : vector<16xf32> to vector<1x16xf32>
    tpu.vector_store %arg8[%swap3A_48, %swap3A_49], %swap3A_52 {strides = array<i32>} : memref<32x128xf32, #tpu.memory_space<vmem>>, vector<1x16xf32>,
    %broadcast_in_dim3A_53 = arith.constant 0.000000e+00 : f32
    %broadcast_in_dim3A_54 = vector.broadcast %broadcast_in_dim3A_53 : f32 to vector<16xf32>
    %swap3A_55 = arith.constant 0 : i32
    %swap3A_56 = arith.index_cast %swap3A_55 : i32 to index
    %swap3A_57 = arith.constant 96 : index
    %swap3A_58 = tpu.vector_load %arg8[%swap3A_56, %swap3A_57] {strides = array<i32>} : memref<32x128xf32, #tpu.memory_space<vmem>>, vector<1x16xf32>,
    %swap3A_59 = vector.shape_cast %swap3A_58 : vector<1x16xf32> to vector<16xf32>
    %swap3A_60 = vector.shape_cast %broadcast_in_dim3A_54 : vector<16xf32> to vector<1x16xf32>
    tpu.vector_store %arg8[%swap3A_56, %swap3A_57], %swap3A_60 {strides = array<i32>} : memref<32x128xf32, #tpu.memory_space<vmem>>, vector<1x16xf32>,
    %broadcast_in_dim3A_61 = arith.constant 0.000000e+00 : f32
    %broadcast_in_dim3A_62 = vector.broadcast %broadcast_in_dim3A_61 : f32 to vector<16xf32>
    %swap3A_63 = arith.constant 0 : i32
    %swap3A_64 = arith.index_cast %swap3A_63 : i32 to index
    %swap3A_65 = arith.constant 112 : index
    %swap3A_66 = tpu.vector_load %arg8[%swap3A_64, %swap3A_65] {strides = array<i32>} : memref<32x128xf32, #tpu.memory_space<vmem>>, vector<1x16xf32>,
    %swap3A_67 = vector.shape_cast %swap3A_66 : vector<1x16xf32> to vector<16xf32>
    %swap3A_68 = vector.shape_cast %broadcast_in_dim3A_62 : vector<16xf32> to vector<1x16xf32>
    tpu.vector_store %arg8[%swap3A_64, %swap3A_65], %swap3A_68 {strides = array<i32>} : memref<32x128xf32, #tpu.memory_space<vmem>>, vector<1x16xf32>,
    %broadcast_in_dim3A_69 = arith.constant 0.000000e+00 : f32
    %broadcast_in_dim3A_70 = vector.broadcast %broadcast_in_dim3A_69 : f32 to vector<16xf32>
    %swap3A_71 = arith.constant 1 : i32
    %swap3A_72 = arith.index_cast %swap3A_71 : i32 to index
    %swap3A_73 = arith.constant 0 : index
    %swap3A_74 = tpu.vector_load %arg8[%swap3A_72, %swap3A_73] {strides = array<i32>} : memref<32x128xf32, #tpu.memory_space<vmem>>, vector<1x16xf32>,
    %swap3A_75 = vector.shape_cast %swap3A_74 : vector<1x16xf32> to vector<16xf32>
    %swap3A_76 = vector.shape_cast %broadcast_in_dim3A_70 : vector<16xf32> to vector<1x16xf32>
    tpu.vector_store %arg8[%swap3A_72, %swap3A_73], %swap3A_76 {strides = array<i32>} : memref<32x128xf32, #tpu.memory_space<vmem>>, vector<1x16xf32>,
    %broadcast_in_dim3A_77 = arith.constant 0.000000e+00 : f32
    %broadcast_in_dim3A_78 = vector.broadcast %broadcast_in_dim3A_77 : f32 to vector<16xf32>
    %swap3A_79 = arith.constant 1 : i32
    %swap3A_80 = arith.index_cast %swap3A_79 : i32 to index
    %swap3A_81 = arith.constant 16 : index
    %swap3A_82 = tpu.vector_load %arg8[%swap3A_80, %swap3A_81] {strides = array<i32>} : memref<32x128xf32, #tpu.memory_space<vmem>>, vector<1x16xf32>,
    %swap3A_83 = vector.shape_cast %swap3A_82 : vector<1x16xf32> to vector<16xf32>
    %swap3A_84 = vector.shape_cast %broadcast_in_dim3A_78 : vector<16xf32> to vector<1x16xf32>
    tpu.vector_store %arg8[%swap3A_80, %swap3A_81], %swap3A_84 {strides = array<i32>} : memref<32x128xf32, #tpu.memory_space<vmem>>, vector<1x16xf32>,
    %broadcast_in_dim3A_85 = arith.constant 0.000000e+00 : f32
    %broadcast_in_dim3A_86 = vector.broadcast %broadcast_in_dim3A_85 : f32 to vector<16xf32>
    %swap3A_87 = arith.constant 1 : i32
    %swap3A_88 = arith.index_cast %swap3A_87 : i32 to index
    %swap3A_89 = arith.constant 32 : index
    %swap3A_90 = tpu.vector_load %arg8[%swap3A_88, %swap3A_89] {strides = array<i32>} : memref<32x128xf32, #tpu.memory_space<vmem>>, vector<1x16xf32>,
    %swap3A_91 = vector.shape_cast %swap3A_90 : vector<1x16xf32> to vector<16xf32>
    %swap3A_92 = vector.shape_cast %broadcast_in_dim3A_86 : vector<16xf32> to vector<1x16xf32>
    tpu.vector_store %arg8[%swap3A_88, %swap3A_89], %swap3A_92 {strides = array<i32>} : memref<32x128xf32, #tpu.memory_space<vmem>>, vector<1x16xf32>,
    %broadcast_in_dim3A_93 = arith.constant 0.000000e+00 : f32
    %broadcast_in_dim3A_94 = vector.broadcast %broadcast_in_dim3A_93 : f32 to vector<16xf32>
    %swap3A_95 = arith.constant 1 : i32
    %swap3A_96 = arith.index_cast %swap3A_95 : i32 to index
    %swap3A_97 = arith.constant 48 : index
    %swap3A_98 = tpu.vector_load %arg8[%swap3A_96, %swap3A_97] {strides = array<i32>} : memref<32x128xf32, #tpu.memory_space<vmem>>, vector<1x16xf32>,
    %swap3A_99 = vector.shape_cast %swap3A_98 : vector<1x16xf32> to vector<16xf32>
    %swap3A_100 = vector.shape_cast %broadcast_in_dim3A_94 : vector<16xf32> to vector<1x16xf32>
    tpu.vector_store %arg8[%swap3A_96, %swap3A_97], %swap3A_100 {strides = array<i32>} : memref<32x128xf32, #tpu.memory_space<vmem>>, vector<1x16xf32>,
    %broadcast_in_dim3A_101 = arith.constant 0.000000e+00 : f32
    %broadcast_in_dim3A_102 = vector.broadcast %broadcast_in_dim3A_101 : f32 to vector<16xf32>
    %swap3A_103 = arith.constant 1 : i32
    %swap3A_104 = arith.index_cast %swap3A_103 : i32 to index
    %swap3A_105 = arith.constant 64 : index
    %swap3A_106 = tpu.vector_load %arg8[%swap3A_104, %swap3A_105] {strides = array<i32>} : memref<32x128xf32, #tpu.memory_space<vmem>>, vector<1x16xf32>,
    %swap3A_107 = vector.shape_cast %swap3A_106 : vector<1x16xf32> to vector<16xf32>
    %swap3A_108 = vector.shape_cast %broadcast_in_dim3A_102 : vector<16xf32> to vector<1x16xf32>
    tpu.vector_store %arg8[%swap3A_104, %swap3A_105], %swap3A_108 {strides = array<i32>} : memref<32x128xf32, #tpu.memory_space<vmem>>, vector<1x16xf32>,
    %broadcast_in_dim3A_109 = arith.constant 0.000000e+00 : f32
    %broadcast_in_dim3A_110 = vector.broadcast %broadcast_in_dim3A_109 : f32 to vector<16xf32>
    %swap3A_111 = arith.constant 1 : i32
    %swap3A_112 = arith.index_cast %swap3A_111 : i32 to index
    %swap3A_113 = arith.constant 80 : index
    %swap3A_114 = tpu.vector_load %arg8[%swap3A_112, %swap3A_113] {strides = array<i32>} : memref<32x128xf32, #tpu.memory_space<vmem>>, vector<1x16xf32>,
    %swap3A_115 = vector.shape_cast %swap3A_114 : vector<1x16xf32> to vector<16xf32>
    %swap3A_116 = vector.shape_cast %broadcast_in_dim3A_110 : vector<16xf32> to vector<1x16xf32>
    tpu.vector_store %arg8[%swap3A_112, %swap3A_113], %swap3A_116 {strides = array<i32>} : memref<32x128xf32, #tpu.memory_space<vmem>>, vector<1x16xf32>,
    %broadcast_in_dim3A_117 = arith.constant 0.000000e+00 : f32
    %broadcast_in_dim3A_118 = vector.broadcast %broadcast_in_dim3A_117 : f32 to vector<16xf32>
    %swap3A_119 = arith.constant 1 : i32
    %swap3A_120 = arith.index_cast %swap3A_119 : i32 to index
    %swap3A_121 = arith.constant 96 : index
    %swap3A_122 = tpu.vector_load %arg8[%swap3A_120, %swap3A_121] {strides = array<i32>} : memref<32x128xf32, #tpu.memory_space<vmem>>, vector<1x16xf32>,
    %swap3A_123 = vector.shape_cast %swap3A_122 : vector<1x16xf32> to vector<16xf32>
    %swap3A_124 = vector.shape_cast %broadcast_in_dim3A_118 : vector<16xf32> to vector<1x16xf32>
    tpu.vector_store %arg8[%swap3A_120, %swap3A_121], %swap3A_124 {strides = array<i32>} : memref<32x128xf32, #tpu.memory_space<vmem>>, vector<1x16xf32>,
    %broadcast_in_dim3A_125 = arith.constant 0.000000e+00 : f32
    %broadcast_in_dim3A_126 = vector.broadcast %broadcast_in_dim3A_125 : f32 to vector<16xf32>
    %swap3A_127 = arith.constant 1 : i32
    %swap3A_128 = arith.index_cast %swap3A_127 : i32 to index
    %swap3A_129 = arith.constant 112 : index
    %swap3A_130 = tpu.vector_load %arg8[%swap3A_128, %swap3A_129] {strides = array<i32>} : memref<32x128xf32, #tpu.memory_space<vmem>>, vector<1x16xf32>,
    %swap3A_131 = vector.shape_cast %swap3A_130 : vector<1x16xf32> to vector<16xf32>
    %swap3A_132 = vector.shape_cast %broadcast_in_dim3A_126 : vector<16xf32> to vector<1x16xf32>
    tpu.vector_store %arg8[%swap3A_128, %swap3A_129], %swap3A_132 {strides = array<i32>} : memref<32x128xf32, #tpu.memory_space<vmem>>, vector<1x16xf32>,
    %broadcast_in_dim3A_133 = arith.constant 0.000000e+00 : f32
    %broadcast_in_dim3A_134 = vector.broadcast %broadcast_in_dim3A_133 : f32 to vector<16xf32>
    %swap3A_135 = arith.constant 2 : i32
    %swap3A_136 = arith.index_cast %swap3A_135 : i32 to index
    %swap3A_137 = arith.constant 0 : index
    %swap3A_138 = tpu.vector_load %arg8[%swap3A_136, %swap3A_137] {strides = array<i32>} : memref<32x128xf32, #tpu.memory_space<vmem>>, vector<1x16xf32>,
    %swap3A_139 = vector.shape_cast %swap3A_138 : vector<1x16xf32> to vector<16xf32>
    %swap3A_140 = vector.shape_cast %broadcast_in_dim3A_134 : vector<16xf32> to vector<1x16xf32>
    tpu.vector_store %arg8[%swap3A_136, %swap3A_137], %swap3A_140 {strides = array<i32>} : memref<32x128xf32, #tpu.memory_space<vmem>>, vector<1x16xf32>,
    %broadcast_in_dim3A_141 = arith.constant 0.000000e+00 : f32
    %broadcast_in_dim3A_142 = vector.broadcast %broadcast_in_dim3A_141 : f32 to vector<16xf32>
    %swap3A_143 = arith.constant 2 : i32
    %swap3A_144 = arith.index_cast %swap3A_143 : i32 to index
    %swap3A_145 = arith.constant 16 : index
    %swap3A_146 = tpu.vector_load %arg8[%swap3A_144, %swap3A_145] {strides = array<i32>} : memref<32x128xf32, #tpu.memory_space<vmem>>, vector<1x16xf32>,
    %swap3A_147 = vector.shape_cast %swap3A_146 : vector<1x16xf32> to vector<16xf32>
    %swap3A_148 = vector.shape_cast %broadcast_in_dim3A_142 : vector<16xf32> to vector<1x16xf32>
    tpu.vector_store %arg8[%swap3A_144, %swap3A_145], %swap3A_148 {strides = array<i32>} : memref<32x128xf32, #tpu.memory_space<vmem>>, vector<1x16xf32>,
    %broadcast_in_dim3A_149 = arith.constant 0.000000e+00 : f32
    %broadcast_in_dim3A_150 = vector.broadcast %broadcast_in_dim3A_149 : f32 to vector<16xf32>
    %swap3A_151 = arith.constant 2 : i32
    %swap3A_152 = arith.index_cast %swap3A_151 : i32 to index
    %swap3A_153 = arith.constant 32 : index
    %swap3A_154 = tpu.vector_load %arg8[%swap3A_152, %swap3A_153] {strides = array<i32>} : memref<32x128xf32, #tpu.memory_space<vmem>>, vector<1x16xf32>,
    %swap3A_155 = vector.shape_cast %swap3A_154 : vector<1x16xf32> to vector<16xf32>
    %swap3A_156 = vector.shape_cast %broadcast_in_dim3A_150 : vector<16xf32> to vector<1x16xf32>
    tpu.vector_store %arg8[%swap3A_152, %swap3A_153], %swap3A_156 {strides = array<i32>} : memref<32x128xf32, #tpu.memory_space<vmem>>, vector<1x16xf32>,
    %broadcast_in_dim3A_157 = arith.constant 0.000000e+00 : f32
    %broadcast_in_dim3A_158 = vector.broadcast %broadcast_in_dim3A_157 : f32 to vector<16xf32>
    %swap3A_159 = arith.constant 2 : i32
    %swap3A_160 = arith.index_cast %swap3A_159 : i32 to index
    %swap3A_161 = arith.constant 48 : index
    %swap3A_162 = tpu.vector_load %arg8[%swap3A_160, %swap3A_161] {strides = array<i32>} : memref<32x128xf32, #tpu.memory_space<vmem>>, vector<1x16xf32>,
    %swap3A_163 = vector.shape_cast %swap3A_162 : vector<1x16xf32> to vector<16xf32>
    %swap3A_164 = vector.shape_cast %broadcast_in_dim3A_158 : vector<16xf32> to vector<1x16xf32>
    tpu.vector_store %arg8[%swap3A_160, %swap3A_161], %swap3A_164 {strides = array<i32>} : memref<32x128xf32, #tpu.memory_space<vmem>>, vector<1x16xf32>,
    %broadcast_in_dim3A_165 = arith.constant 0.000000e+00 : f32
    %broadcast_in_dim3A_166 = vector.broadcast %broadcast_in_dim3A_165 : f32 to vector<16xf32>
    %swap3A_167 = arith.constant 2 : i32
    %swap3A_168 = arith.index_cast %swap3A_167 : i32 to index
    %swap3A_169 = arith.constant 64 : index
    %swap3A_170 = tpu.vector_load %arg8[%swap3A_168, %swap3A_169] {strides = array<i32>} : memref<32x128xf32, #tpu.memory_space<vmem>>, vector<1x16xf32>,
    %swap3A_171 = vector.shape_cast %swap3A_170 : vector<1x16xf32> to vector<16xf32>
    %swap3A_172 = vector.shape_cast %broadcast_in_dim3A_166 : vector<16xf32> to vector<1x16xf32>
    tpu.vector_store %arg8[%swap3A_168, %swap3A_169], %swap3A_172 {strides = array<i32>} : memref<32x128xf32, #tpu.memory_space<vmem>>, vector<1x16xf32>,
    %broadcast_in_dim3A_173 = arith.constant 0.000000e+00 : f32
    %broadcast_in_dim3A_174 = vector.broadcast %broadcast_in_dim3A_173 : f32 to vector<16xf32>
    %swap3A_175 = arith.constant 2 : i32
    %swap3A_176 = arith.index_cast %swap3A_175 : i32 to index
    %swap3A_177 = arith.constant 80 : index
    %swap3A_178 = tpu.vector_load %arg8[%swap3A_176, %swap3A_177] {strides = array<i32>} : memref<32x128xf32, #tpu.memory_space<vmem>>, vector<1x16xf32>,
    %swap3A_179 = vector.shape_cast %swap3A_178 : vector<1x16xf32> to vector<16xf32>
    %swap3A_180 = vector.shape_cast %broadcast_in_dim3A_174 : vector<16xf32> to vector<1x16xf32>
    tpu.vector_store %arg8[%swap3A_176, %swap3A_177], %swap3A_180 {strides = array<i32>} : memref<32x128xf32, #tpu.memory_space<vmem>>, vector<1x16xf32>,
    %broadcast_in_dim3A_181 = arith.constant 0.000000e+00 : f32
    %broadcast_in_dim3A_182 = vector.broadcast %broadcast_in_dim3A_181 : f32 to vector<16xf32>
    %swap3A_183 = arith.constant 2 : i32
    %swap3A_184 = arith.index_cast %swap3A_183 : i32 to index
    %swap3A_185 = arith.constant 96 : index
    %swap3A_186 = tpu.vector_load %arg8[%swap3A_184, %swap3A_185] {strides = array<i32>} : memref<32x128xf32, #tpu.memory_space<vmem>>, vector<1x16xf32>,
    %swap3A_187 = vector.shape_cast %swap3A_186 : vector<1x16xf32> to vector<16xf32>
    %swap3A_188 = vector.shape_cast %broadcast_in_dim3A_182 : vector<16xf32> to vector<1x16xf32>
    tpu.vector_store %arg8[%swap3A_184, %swap3A_185], %swap3A_188 {strides = array<i32>} : memref<32x128xf32, #tpu.memory_space<vmem>>, vector<1x16xf32>,
    %broadcast_in_dim3A_189 = arith.constant 0.000000e+00 : f32
    %broadcast_in_dim3A_190 = vector.broadcast %broadcast_in_dim3A_189 : f32 to vector<16xf32>
    %swap3A_191 = arith.constant 2 : i32
    %swap3A_192 = arith.index_cast %swap3A_191 : i32 to index
    %swap3A_193 = arith.constant 112 : index
    %swap3A_194 = tpu.vector_load %arg8[%swap3A_192, %swap3A_193] {strides = array<i32>} : memref<32x128xf32, #tpu.memory_space<vmem>>, vector<1x16xf32>,
    %swap3A_195 = vector.shape_cast %swap3A_194 : vector<1x16xf32> to vector<16xf32>
    %swap3A_196 = vector.shape_cast %broadcast_in_dim3A_190 : vector<16xf32> to vector<1x16xf32>
    tpu.vector_store %arg8[%swap3A_192, %swap3A_193], %swap3A_196 {strides = array<i32>} : memref<32x128xf32, #tpu.memory_space<vmem>>, vector<1x16xf32>,
    %broadcast_in_dim3A_197 = arith.constant 0.000000e+00 : f32
    %broadcast_in_dim3A_198 = vector.broadcast %broadcast_in_dim3A_197 : f32 to vector<16xf32>
    %swap3A_199 = arith.constant 3 : i32
    %swap3A_200 = arith.index_cast %swap3A_199 : i32 to index
    %swap3A_201 = arith.constant 0 : index
    %swap3A_202 = tpu.vector_load %arg8[%swap3A_200, %swap3A_201] {strides = array<i32>} : memref<32x128xf32, #tpu.memory_space<vmem>>, vector<1x16xf32>,
    %swap3A_203 = vector.shape_cast %swap3A_202 : vector<1x16xf32> to vector<16xf32>
    %swap3A_204 = vector.shape_cast %broadcast_in_dim3A_198 : vector<16xf32> to vector<1x16xf32>
    tpu.vector_store %arg8[%swap3A_200, %swap3A_201], %swap3A_204 {strides = array<i32>} : memref<32x128xf32, #tpu.memory_space<vmem>>, vector<1x16xf32>,
    %broadcast_in_dim3A_205 = arith.constant 0.000000e+00 : f32
    %broadcast_in_dim3A_206 = vector.broadcast %broadcast_in_dim3A_205 : f32 to vector<16xf32>
    %swap3A_207 = arith.constant 3 : i32
    %swap3A_208 = arith.index_cast %swap3A_207 : i32 to index
    %swap3A_209 = arith.constant 16 : index
    %swap3A_210 = tpu.vector_load %arg8[%swap3A_208, %swap3A_209] {strides = array<i32>} : memref<32x128xf32, #tpu.memory_space<vmem>>, vector<1x16xf32>,
    %swap3A_211 = vector.shape_cast %swap3A_210 : vector<1x16xf32> to vector<16xf32>
    %swap3A_212 = vector.shape_cast %broadcast_in_dim3A_206 : vector<16xf32> to vector<1x16xf32>
    tpu.vector_store %arg8[%swap3A_208, %swap3A_209], %swap3A_212 {strides = array<i32>} : memref<32x128xf32, #tpu.memory_space<vmem>>, vector<1x16xf32>,
    %broadcast_in_dim3A_213 = arith.constant 0.000000e+00 : f32
    %broadcast_in_dim3A_214 = vector.broadcast %broadcast_in_dim3A_213 : f32 to vector<16xf32>
    %swap3A_215 = arith.constant 3 : i32
    %swap3A_216 = arith.index_cast %swap3A_215 : i32 to index
    %swap3A_217 = arith.constant 32 : index
    %swap3A_218 = tpu.vector_load %arg8[%swap3A_216, %swap3A_217] {strides = array<i32>} : memref<32x128xf32, #tpu.memory_space<vmem>>, vector<1x16xf32>,
    %swap3A_219 = vector.shape_cast %swap3A_218 : vector<1x16xf32> to vector<16xf32>
    %swap3A_220 = vector.shape_cast %broadcast_in_dim3A_214 : vector<16xf32> to vector<1x16xf32>
    tpu.vector_store %arg8[%swap3A_216, %swap3A_217], %swap3A_220 {strides = array<i32>} : memref<32x128xf32, #tpu.memory_space<vmem>>, vector<1x16xf32>,
    %broadcast_in_dim3A_221 = arith.constant 0.000000e+00 : f32
    %broadcast_in_dim3A_222 = vector.broadcast %broadcast_in_dim3A_221 : f32 to vector<16xf32>
    %swap3A_223 = arith.constant 3 : i32
    %swap3A_224 = arith.index_cast %swap3A_223 : i32 to index
    %swap3A_225 = arith.constant 48 : index
    %swap3A_226 = tpu.vector_load %arg8[%swap3A_224, %swap3A_225] {strides = array<i32>} : memref<32x128xf32, #tpu.memory_space<vmem>>, vector<1x16xf32>,
    %swap3A_227 = vector.shape_cast %swap3A_226 : vector<1x16xf32> to vector<16xf32>
    %swap3A_228 = vector.shape_cast %broadcast_in_dim3A_222 : vector<16xf32> to vector<1x16xf32>
    tpu.vector_store %arg8[%swap3A_224, %swap3A_225], %swap3A_228 {strides = array<i32>} : memref<32x128xf32, #tpu.memory_space<vmem>>, vector<1x16xf32>,
    %broadcast_in_dim3A_229 = arith.constant 0.000000e+00 : f32
    %broadcast_in_dim3A_230 = vector.broadcast %broadcast_in_dim3A_229 : f32 to vector<16xf32>
    %swap3A_231 = arith.constant 3 : i32
    %swap3A_232 = arith.index_cast %swap3A_231 : i32 to index
    %swap3A_233 = arith.constant 64 : index
    %swap3A_234 = tpu.vector_load %arg8[%swap3A_232, %swap3A_233] {strides = array<i32>} : memref<32x128xf32, #tpu.memory_space<vmem>>, vector<1x16xf32>,
    %swap3A_235 = vector.shape_cast %swap3A_234 : vector<1x16xf32> to vector<16xf32>
    %swap3A_236 = vector.shape_cast %broadcast_in_dim3A_230 : vector<16xf32> to vector<1x16xf32>
    tpu.vector_store %arg8[%swap3A_232, %swap3A_233], %swap3A_236 {strides = array<i32>} : memref<32x128xf32, #tpu.memory_space<vmem>>, vector<1x16xf32>,
    %broadcast_in_dim3A_237 = arith.constant 0.000000e+00 : f32
    %broadcast_in_dim3A_238 = vector.broadcast %broadcast_in_dim3A_237 : f32 to vector<16xf32>
    %swap3A_239 = arith.constant 3 : i32
    %swap3A_240 = arith.index_cast %swap3A_239 : i32 to index
    %swap3A_241 = arith.constant 80 : index
    %swap3A_242 = tpu.vector_load %arg8[%swap3A_240, %swap3A_241] {strides = array<i32>} : memref<32x128xf32, #tpu.memory_space<vmem>>, vector<1x16xf32>,
    %swap3A_243 = vector.shape_cast %swap3A_242 : vector<1x16xf32> to vector<16xf32>
    %swap3A_244 = vector.shape_cast %broadcast_in_dim3A_238 : vector<16xf32> to vector<1x16xf32>
    tpu.vector_store %arg8[%swap3A_240, %swap3A_241], %swap3A_244 {strides = array<i32>} : memref<32x128xf32, #tpu.memory_space<vmem>>, vector<1x16xf32>,
    %broadcast_in_dim3A_245 = arith.constant 0.000000e+00 : f32
    %broadcast_in_dim3A_246 = vector.broadcast %broadcast_in_dim3A_245 : f32 to vector<16xf32>
    %swap3A_247 = arith.constant 3 : i32
    %swap3A_248 = arith.index_cast %swap3A_247 : i32 to index
    %swap3A_249 = arith.constant 96 : index
    %swap3A_250 = tpu.vector_load %arg8[%swap3A_248, %swap3A_249] {strides = array<i32>} : memref<32x128xf32, #tpu.memory_space<vmem>>, vector<1x16xf32>,
    %swap3A_251 = vector.shape_cast %swap3A_250 : vector<1x16xf32> to vector<16xf32>
    %swap3A_252 = vector.shape_cast %broadcast_in_dim3A_246 : vector<16xf32> to vector<1x16xf32>
    tpu.vector_store %arg8[%swap3A_248, %swap3A_249], %swap3A_252 {strides = array<i32>} : memref<32x128xf32, #tpu.memory_space<vmem>>, vector<1x16xf32>,
    %broadcast_in_dim3A_253 = arith.constant 0.000000e+00 : f32
    %broadcast_in_dim3A_254 = vector.broadcast %broadcast_in_dim3A_253 : f32 to vector<16xf32>
    %swap3A_255 = arith.constant 3 : i32
    %swap3A_256 = arith.index_cast %swap3A_255 : i32 to index
    %swap3A_257 = arith.constant 112 : index
    %swap3A_258 = tpu.vector_load %arg8[%swap3A_256, %swap3A_257] {strides = array<i32>} : memref<32x128xf32, #tpu.memory_space<vmem>>, vector<1x16xf32>,
    %swap3A_259 = vector.shape_cast %swap3A_258 : vector<1x16xf32> to vector<16xf32>
    %swap3A_260 = vector.shape_cast %broadcast_in_dim3A_254 : vector<16xf32> to vector<1x16xf32>
    tpu.vector_store %arg8[%swap3A_256, %swap3A_257], %swap3A_260 {strides = array<i32>} : memref<32x128xf32, #tpu.memory_space<vmem>>, vector<1x16xf32>,
    %broadcast_in_dim3A_261 = arith.constant 0.000000e+00 : f32
    %broadcast_in_dim3A_262 = vector.broadcast %broadcast_in_dim3A_261 : f32 to vector<16xf32>
    %swap3A_263 = arith.constant 4 : i32
    %swap3A_264 = arith.index_cast %swap3A_263 : i32 to index
    %swap3A_265 = arith.constant 0 : index
    %swap3A_266 = tpu.vector_load %arg8[%swap3A_264, %swap3A_265] {strides = array<i32>} : memref<32x128xf32, #tpu.memory_space<vmem>>, vector<1x16xf32>,
    %swap3A_267 = vector.shape_cast %swap3A_266 : vector<1x16xf32> to vector<16xf32>
    %swap3A_268 = vector.shape_cast %broadcast_in_dim3A_262 : vector<16xf32> to vector<1x16xf32>
    tpu.vector_store %arg8[%swap3A_264, %swap3A_265], %swap3A_268 {strides = array<i32>} : memref<32x128xf32, #tpu.memory_space<vmem>>, vector<1x16xf32>,
    %broadcast_in_dim3A_269 = arith.constant 0.000000e+00 : f32
    %broadcast_in_dim3A_270 = vector.broadcast %broadcast_in_dim3A_269 : f32 to vector<16xf32>
    %swap3A_271 = arith.constant 4 : i32
    %swap3A_272 = arith.index_cast %swap3A_271 : i32 to index
    %swap3A_273 = arith.constant 16 : index
    %swap3A_274 = tpu.vector_load %arg8[%swap3A_272, %swap3A_273] {strides = array<i32>} : memref<32x128xf32, #tpu.memory_space<vmem>>, vector<1x16xf32>,
    %swap3A_275 = vector.shape_cast %swap3A_274 : vector<1x16xf32> to vector<16xf32>
    %swap3A_276 = vector.shape_cast %broadcast_in_dim3A_270 : vector<16xf32> to vector<1x16xf32>
    tpu.vector_store %arg8[%swap3A_272, %swap3A_273], %swap3A_276 {strides = array<i32>} : memref<32x128xf32, #tpu.memory_space<vmem>>, vector<1x16xf32>,
    %broadcast_in_dim3A_277 = arith.constant 0.000000e+00 : f32
    %broadcast_in_dim3A_278 = vector.broadcast %broadcast_in_dim3A_277 : f32 to vector<16xf32>
    %swap3A_279 = arith.constant 4 : i32
    %swap3A_280 = arith.index_cast %swap3A_279 : i32 to index
    %swap3A_281 = arith.constant 32 : index
    %swap3A_282 = tpu.vector_load %arg8[%swap3A_280, %swap3A_281] {strides = array<i32>} : memref<32x128xf32, #tpu.memory_space<vmem>>, vector<1x16xf32>,
    %swap3A_283 = vector.shape_cast %swap3A_282 : vector<1x16xf32> to vector<16xf32>
    %swap3A_284 = vector.shape_cast %broadcast_in_dim3A_278 : vector<16xf32> to vector<1x16xf32>
    tpu.vector_store %arg8[%swap3A_280, %swap3A_281], %swap3A_284 {strides = array<i32>} : memref<32x128xf32, #tpu.memory_space<vmem>>, vector<1x16xf32>,
    %broadcast_in_dim3A_285 = arith.constant 0.000000e+00 : f32
    %broadcast_in_dim3A_286 = vector.broadcast %broadcast_in_dim3A_285 : f32 to vector<16xf32>
    %swap3A_287 = arith.constant 4 : i32
    %swap3A_288 = arith.index_cast %swap3A_287 : i32 to index
    %swap3A_289 = arith.constant 48 : index
    %swap3A_290 = tpu.vector_load %arg8[%swap3A_288, %swap3A_289] {strides = array<i32>} : memref<32x128xf32, #tpu.memory_space<vmem>>, vector<1x16xf32>,
    %swap3A_291 = vector.shape_cast %swap3A_290 : vector<1x16xf32> to vector<16xf32>
    %swap3A_292 = vector.shape_cast %broadcast_in_dim3A_286 : vector<16xf32> to vector<1x16xf32>
    tpu.vector_store %arg8[%swap3A_288, %swap3A_289], %swap3A_292 {strides = array<i32>} : memref<32x128xf32, #tpu.memory_space<vmem>>, vector<1x16xf32>,
    %broadcast_in_dim3A_293 = arith.constant 0.000000e+00 : f32
    %broadcast_in_dim3A_294 = vector.broadcast %broadcast_in_dim3A_293 : f32 to vector<16xf32>
    %swap3A_295 = arith.constant 4 : i32
    %swap3A_296 = arith.index_cast %swap3A_295 : i32 to index
    %swap3A_297 = arith.constant 64 : index
    %swap3A_298 = tpu.vector_load %arg8[%swap3A_296, %swap3A_297] {strides = array<i32>} : memref<32x128xf32, #tpu.memory_space<vmem>>, vector<1x16xf32>,
    %swap3A_299 = vector.shape_cast %swap3A_298 : vector<1x16xf32> to vector<16xf32>
    %swap3A_300 = vector.shape_cast %broadcast_in_dim3A_294 : vector<16xf32> to vector<1x16xf32>
    tpu.vector_store %arg8[%swap3A_296, %swap3A_297], %swap3A_300 {strides = array<i32>} : memref<32x128xf32, #tpu.memory_space<vmem>>, vector<1x16xf32>,
    %broadcast_in_dim3A_301 = arith.constant 0.000000e+00 : f32
    %broadcast_in_dim3A_302 = vector.broadcast %broadcast_in_dim3A_301 : f32 to vector<16xf32>
    %swap3A_303 = arith.constant 4 : i32
    %swap3A_304 = arith.index_cast %swap3A_303 : i32 to index
    %swap3A_305 = arith.constant 80 : index
    %swap3A_306 = tpu.vector_load %arg8[%swap3A_304, %swap3A_305] {strides = array<i32>} : memref<32x128xf32, #tpu.memory_space<vmem>>, vector<1x16xf32>,
    %swap3A_307 = vector.shape_cast %swap3A_306 : vector<1x16xf32> to vector<16xf32>
    %swap3A_308 = vector.shape_cast %broadcast_in_dim3A_302 : vector<16xf32> to vector<1x16xf32>
    tpu.vector_store %arg8[%swap3A_304, %swap3A_305], %swap3A_308 {strides = array<i32>} : memref<32x128xf32, #tpu.memory_space<vmem>>, vector<1x16xf32>,
    %broadcast_in_dim3A_309 = arith.constant 0.000000e+00 : f32
    %broadcast_in_dim3A_310 = vector.broadcast %broadcast_in_dim3A_309 : f32 to vector<16xf32>
    %swap3A_311 = arith.constant 4 : i32
    %swap3A_312 = arith.index_cast %swap3A_311 : i32 to index
    %swap3A_313 = arith.constant 96 : index
    %swap3A_314 = tpu.vector_load %arg8[%swap3A_312, %swap3A_313] {strides = array<i32>} : memref<32x128xf32, #tpu.memory_space<vmem>>, vector<1x16xf32>,
    %swap3A_315 = vector.shape_cast %swap3A_314 : vector<1x16xf32> to vector<16xf32>
    %swap3A_316 = vector.shape_cast %broadcast_in_dim3A_310 : vector<16xf32> to vector<1x16xf32>
    tpu.vector_store %arg8[%swap3A_312, %swap3A_313], %swap3A_316 {strides = array<i32>} : memref<32x128xf32, #tpu.memory_space<vmem>>, vector<1x16xf32>,
    %broadcast_in_dim3A_317 = arith.constant 0.000000e+00 : f32
    %broadcast_in_dim3A_318 = vector.broadcast %broadcast_in_dim3A_317 : f32 to vector<16xf32>
    %swap3A_319 = arith.constant 4 : i32
    %swap3A_320 = arith.index_cast %swap3A_319 : i32 to index
    %swap3A_321 = arith.constant 112 : index
    %swap3A_322 = tpu.vector_load %arg8[%swap3A_320, %swap3A_321] {strides = array<i32>} : memref<32x128xf32, #tpu.memory_space<vmem>>, vector<1x16xf32>,
    %swap3A_323 = vector.shape_cast %swap3A_322 : vector<1x16xf32> to vector<16xf32>
    %swap3A_324 = vector.shape_cast %broadcast_in_dim3A_318 : vector<16xf32> to vector<1x16xf32>
    tpu.vector_store %arg8[%swap3A_320, %swap3A_321], %swap3A_324 {strides = array<i32>} : memref<32x128xf32, #tpu.memory_space<vmem>>, vector<1x16xf32>,
    %broadcast_in_dim3A_325 = arith.constant 0.000000e+00 : f32
    %broadcast_in_dim3A_326 = vector.broadcast %broadcast_in_dim3A_325 : f32 to vector<16xf32>
    %swap3A_327 = arith.constant 5 : i32
    %swap3A_328 = arith.index_cast %swap3A_327 : i32 to index
    %swap3A_329 = arith.constant 0 : index
    %swap3A_330 = tpu.vector_load %arg8[%swap3A_328, %swap3A_329] {strides = array<i32>} : memref<32x128xf32, #tpu.memory_space<vmem>>, vector<1x16xf32>,
    %swap3A_331 = vector.shape_cast %swap3A_330 : vector<1x16xf32> to vector<16xf32>
    %swap3A_332 = vector.shape_cast %broadcast_in_dim3A_326 : vector<16xf32> to vector<1x16xf32>
    tpu.vector_store %arg8[%swap3A_328, %swap3A_329], %swap3A_332 {strides = array<i32>} : memref<32x128xf32, #tpu.memory_space<vmem>>, vector<1x16xf32>,
    %broadcast_in_dim3A_333 = arith.constant 0.000000e+00 : f32
    %broadcast_in_dim3A_334 = vector.broadcast %broadcast_in_dim3A_333 : f32 to vector<16xf32>
    %swap3A_335 = arith.constant 5 : i32
    %swap3A_336 = arith.index_cast %swap3A_335 : i32 to index
    %swap3A_337 = arith.constant 16 : index
    %swap3A_338 = tpu.vector_load %arg8[%swap3A_336, %swap3A_337] {strides = array<i32>} : memref<32x128xf32, #tpu.memory_space<vmem>>, vector<1x16xf32>,
    %swap3A_339 = vector.shape_cast %swap3A_338 : vector<1x16xf32> to vector<16xf32>
    %swap3A_340 = vector.shape_cast %broadcast_in_dim3A_334 : vector<16xf32> to vector<1x16xf32>
    tpu.vector_store %arg8[%swap3A_336, %swap3A_337], %swap3A_340 {strides = array<i32>} : memref<32x128xf32, #tpu.memory_space<vmem>>, vector<1x16xf32>,
    %broadcast_in_dim3A_341 = arith.constant 0.000000e+00 : f32
    %broadcast_in_dim3A_342 = vector.broadcast %broadcast_in_dim3A_341 : f32 to vector<16xf32>
    %swap3A_343 = arith.constant 5 : i32
    %swap3A_344 = arith.index_cast %swap3A_343 : i32 to index
    %swap3A_345 = arith.constant 32 : index
    %swap3A_346 = tpu.vector_load %arg8[%swap3A_344, %swap3A_345] {strides = array<i32>} : memref<32x128xf32, #tpu.memory_space<vmem>>, vector<1x16xf32>,
    %swap3A_347 = vector.shape_cast %swap3A_346 : vector<1x16xf32> to vector<16xf32>
    %swap3A_348 = vector.shape_cast %broadcast_in_dim3A_342 : vector<16xf32> to vector<1x16xf32>
    tpu.vector_store %arg8[%swap3A_344, %swap3A_345], %swap3A_348 {strides = array<i32>} : memref<32x128xf32, #tpu.memory_space<vmem>>, vector<1x16xf32>,
    %broadcast_in_dim3A_349 = arith.constant 0.000000e+00 : f32
    %broadcast_in_dim3A_350 = vector.broadcast %broadcast_in_dim3A_349 : f32 to vector<16xf32>
    %swap3A_351 = arith.constant 5 : i32
    %swap3A_352 = arith.index_cast %swap3A_351 : i32 to index
    %swap3A_353 = arith.constant 48 : index
    %swap3A_354 = tpu.vector_load %arg8[%swap3A_352, %swap3A_353] {strides = array<i32>} : memref<32x128xf32, #tpu.memory_space<vmem>>, vector<1x16xf32>,
    %swap3A_355 = vector.shape_cast %swap3A_354 : vector<1x16xf32> to vector<16xf32>
    %swap3A_356 = vector.shape_cast %broadcast_in_dim3A_350 : vector<16xf32> to vector<1x16xf32>
    tpu.vector_store %arg8[%swap3A_352, %swap3A_353], %swap3A_356 {strides = array<i32>} : memref<32x128xf32, #tpu.memory_space<vmem>>, vector<1x16xf32>,
    %broadcast_in_dim3A_357 = arith.constant 0.000000e+00 : f32
    %broadcast_in_dim3A_358 = vector.broadcast %broadcast_in_dim3A_357 : f32 to vector<16xf32>
    %swap3A_359 = arith.constant 5 : i32
    %swap3A_360 = arith.index_cast %swap3A_359 : i32 to index
    %swap3A_361 = arith.constant 64 : index
    %swap3A_362 = tpu.vector_load %arg8[%swap3A_360, %swap3A_361] {strides = array<i32>} : memref<32x128xf32, #tpu.memory_space<vmem>>, vector<1x16xf32>,
    %swap3A_363 = vector.shape_cast %swap3A_362 : vector<1x16xf32> to vector<16xf32>
    %swap3A_364 = vector.shape_cast %broadcast_in_dim3A_358 : vector<16xf32> to vector<1x16xf32>
    tpu.vector_store %arg8[%swap3A_360, %swap3A_361], %swap3A_364 {strides = array<i32>} : memref<32x128xf32, #tpu.memory_space<vmem>>, vector<1x16xf32>,
    %broadcast_in_dim3A_365 = arith.constant 0.000000e+00 : f32
    %broadcast_in_dim3A_366 = vector.broadcast %broadcast_in_dim3A_365 : f32 to vector<16xf32>
    %swap3A_367 = arith.constant 5 : i32
    %swap3A_368 = arith.index_cast %swap3A_367 : i32 to index
    %swap3A_369 = arith.constant 80 : index
    %swap3A_370 = tpu.vector_load %arg8[%swap3A_368, %swap3A_369] {strides = array<i32>} : memref<32x128xf32, #tpu.memory_space<vmem>>, vector<1x16xf32>,
    %swap3A_371 = vector.shape_cast %swap3A_370 : vector<1x16xf32> to vector<16xf32>
    %swap3A_372 = vector.shape_cast %broadcast_in_dim3A_366 : vector<16xf32> to vector<1x16xf32>
    tpu.vector_store %arg8[%swap3A_368, %swap3A_369], %swap3A_372 {strides = array<i32>} : memref<32x128xf32, #tpu.memory_space<vmem>>, vector<1x16xf32>,
    %broadcast_in_dim3A_373 = arith.constant 0.000000e+00 : f32
    %broadcast_in_dim3A_374 = vector.broadcast %broadcast_in_dim3A_373 : f32 to vector<16xf32>
    %swap3A_375 = arith.constant 5 : i32
    %swap3A_376 = arith.index_cast %swap3A_375 : i32 to index
    %swap3A_377 = arith.constant 96 : index
    %swap3A_378 = tpu.vector_load %arg8[%swap3A_376, %swap3A_377] {strides = array<i32>} : memref<32x128xf32, #tpu.memory_space<vmem>>, vector<1x16xf32>,
    %swap3A_379 = vector.shape_cast %swap3A_378 : vector<1x16xf32> to vector<16xf32>
    %swap3A_380 = vector.shape_cast %broadcast_in_dim3A_374 : vector<16xf32> to vector<1x16xf32>
    tpu.vector_store %arg8[%swap3A_376, %swap3A_377], %swap3A_380 {strides = array<i32>} : memref<32x128xf32, #tpu.memory_space<vmem>>, vector<1x16xf32>,
    %broadcast_in_dim3A_381 = arith.constant 0.000000e+00 : f32
    %broadcast_in_dim3A_382 = vector.broadcast %broadcast_in_dim3A_381 : f32 to vector<16xf32>
    %swap3A_383 = arith.constant 5 : i32
    %swap3A_384 = arith.index_cast %swap3A_383 : i32 to index
    %swap3A_385 = arith.constant 112 : index
    %swap3A_386 = tpu.vector_load %arg8[%swap3A_384, %swap3A_385] {strides = array<i32>} : memref<32x128xf32, #tpu.memory_space<vmem>>, vector<1x16xf32>,
    %swap3A_387 = vector.shape_cast %swap3A_386 : vector<1x16xf32> to vector<16xf32>
    %swap3A_388 = vector.shape_cast %broadcast_in_dim3A_382 : vector<16xf32> to vector<1x16xf32>
    tpu.vector_store %arg8[%swap3A_384, %swap3A_385], %swap3A_388 {strides = array<i32>} : memref<32x128xf32, #tpu.memory_space<vmem>>, vector<1x16xf32>,
    %broadcast_in_dim3A_389 = arith.constant 0.000000e+00 : f32
    %broadcast_in_dim3A_390 = vector.broadcast %broadcast_in_dim3A_389 : f32 to vector<16xf32>
    %swap3A_391 = arith.constant 6 : i32
    %swap3A_392 = arith.index_cast %swap3A_391 : i32 to index
    %swap3A_393 = arith.constant 0 : index
    %swap3A_394 = tpu.vector_load %arg8[%swap3A_392, %swap3A_393] {strides = array<i32>} : memref<32x128xf32, #tpu.memory_space<vmem>>, vector<1x16xf32>,
    %swap3A_395 = vector.shape_cast %swap3A_394 : vector<1x16xf32> to vector<16xf32>
    %swap3A_396 = vector.shape_cast %broadcast_in_dim3A_390 : vector<16xf32> to vector<1x16xf32>
    tpu.vector_store %arg8[%swap3A_392, %swap3A_393], %swap3A_396 {strides = array<i32>} : memref<32x128xf32, #tpu.memory_space<vmem>>, vector<1x16xf32>,
    %broadcast_in_dim3A_397 = arith.constant 0.000000e+00 : f32
    %broadcast_in_dim3A_398 = vector.broadcast %broadcast_in_dim3A_397 : f32 to vector<16xf32>
    %swap3A_399 = arith.constant 6 : i32
    %swap3A_400 = arith.index_cast %swap3A_399 : i32 to index
    %swap3A_401 = arith.constant 16 : index
    %swap3A_402 = tpu.vector_load %arg8[%swap3A_400, %swap3A_401] {strides = array<i32>} : memref<32x128xf32, #tpu.memory_space<vmem>>, vector<1x16xf32>,
    %swap3A_403 = vector.shape_cast %swap3A_402 : vector<1x16xf32> to vector<16xf32>
    %swap3A_404 = vector.shape_cast %broadcast_in_dim3A_398 : vector<16xf32> to vector<1x16xf32>
    tpu.vector_store %arg8[%swap3A_400, %swap3A_401], %swap3A_404 {strides = array<i32>} : memref<32x128xf32, #tpu.memory_space<vmem>>, vector<1x16xf32>,
    %broadcast_in_dim3A_405 = arith.constant 0.000000e+00 : f32
    %broadcast_in_dim3A_406 = vector.broadcast %broadcast_in_dim3A_405 : f32 to vector<16xf32>
    %swap3A_407 = arith.constant 6 : i32
    %swap3A_408 = arith.index_cast %swap3A_407 : i32 to index
    %swap3A_409 = arith.constant 32 : index
    %swap3A_410 = tpu.vector_load %arg8[%swap3A_408, %swap3A_409] {strides = array<i32>} : memref<32x128xf32, #tpu.memory_space<vmem>>, vector<1x16xf32>,
    %swap3A_411 = vector.shape_cast %swap3A_410 : vector<1x16xf32> to vector<16xf32>
    %swap3A_412 = vector.shape_cast %broadcast_in_dim3A_406 : vector<16xf32> to vector<1x16xf32>
    tpu.vector_store %arg8[%swap3A_408, %swap3A_409], %swap3A_412 {strides = array<i32>} : memref<32x128xf32, #tpu.memory_space<vmem>>, vector<1x16xf32>,
    %broadcast_in_dim3A_413 = arith.constant 0.000000e+00 : f32
    %broadcast_in_dim3A_414 = vector.broadcast %broadcast_in_dim3A_413 : f32 to vector<16xf32>
    %swap3A_415 = arith.constant 6 : i32
    %swap3A_416 = arith.index_cast %swap3A_415 : i32 to index
    %swap3A_417 = arith.constant 48 : index
    %swap3A_418 = tpu.vector_load %arg8[%swap3A_416, %swap3A_417] {strides = array<i32>} : memref<32x128xf32, #tpu.memory_space<vmem>>, vector<1x16xf32>,
    %swap3A_419 = vector.shape_cast %swap3A_418 : vector<1x16xf32> to vector<16xf32>
    %swap3A_420 = vector.shape_cast %broadcast_in_dim3A_414 : vector<16xf32> to vector<1x16xf32>
    tpu.vector_store %arg8[%swap3A_416, %swap3A_417], %swap3A_420 {strides = array<i32>} : memref<32x128xf32, #tpu.memory_space<vmem>>, vector<1x16xf32>,
    %broadcast_in_dim3A_421 = arith.constant 0.000000e+00 : f32
    %broadcast_in_dim3A_422 = vector.broadcast %broadcast_in_dim3A_421 : f32 to vector<16xf32>
    %swap3A_423 = arith.constant 6 : i32
    %swap3A_424 = arith.index_cast %swap3A_423 : i32 to index
    %swap3A_425 = arith.constant 64 : index
    %swap3A_426 = tpu.vector_load %arg8[%swap3A_424, %swap3A_425] {strides = array<i32>} : memref<32x128xf32, #tpu.memory_space<vmem>>, vector<1x16xf32>,
    %swap3A_427 = vector.shape_cast %swap3A_426 : vector<1x16xf32> to vector<16xf32>
    %swap3A_428 = vector.shape_cast %broadcast_in_dim3A_422 : vector<16xf32> to vector<1x16xf32>
    tpu.vector_store %arg8[%swap3A_424, %swap3A_425], %swap3A_428 {strides = array<i32>} : memref<32x128xf32, #tpu.memory_space<vmem>>, vector<1x16xf32>,
    %broadcast_in_dim3A_429 = arith.constant 0.000000e+00 : f32
    %broadcast_in_dim3A_430 = vector.broadcast %broadcast_in_dim3A_429 : f32 to vector<16xf32>
    %swap3A_431 = arith.constant 6 : i32
    %swap3A_432 = arith.index_cast %swap3A_431 : i32 to index
    %swap3A_433 = arith.constant 80 : index
    %swap3A_434 = tpu.vector_load %arg8[%swap3A_432, %swap3A_433] {strides = array<i32>} : memref<32x128xf32, #tpu.memory_space<vmem>>, vector<1x16xf32>,
    %swap3A_435 = vector.shape_cast %swap3A_434 : vector<1x16xf32> to vector<16xf32>
    %swap3A_436 = vector.shape_cast %broadcast_in_dim3A_430 : vector<16xf32> to vector<1x16xf32>
    tpu.vector_store %arg8[%swap3A_432, %swap3A_433], %swap3A_436 {strides = array<i32>} : memref<32x128xf32, #tpu.memory_space<vmem>>, vector<1x16xf32>,
    %broadcast_in_dim3A_437 = arith.constant 0.000000e+00 : f32
    %broadcast_in_dim3A_438 = vector.broadcast %broadcast_in_dim3A_437 : f32 to vector<16xf32>
    %swap3A_439 = arith.constant 6 : i32
    %swap3A_440 = arith.index_cast %swap3A_439 : i32 to index
    %swap3A_441 = arith.constant 96 : index
    %swap3A_442 = tpu.vector_load %arg8[%swap3A_440, %swap3A_441] {strides = array<i32>} : memref<32x128xf32, #tpu.memory_space<vmem>>, vector<1x16xf32>,
    %swap3A_443 = vector.shape_cast %swap3A_442 : vector<1x16xf32> to vector<16xf32>
    %swap3A_444 = vector.shape_cast %broadcast_in_dim3A_438 : vector<16xf32> to vector<1x16xf32>
    tpu.vector_store %arg8[%swap3A_440, %swap3A_441], %swap3A_444 {strides = array<i32>} : memref<32x128xf32, #tpu.memory_space<vmem>>, vector<1x16xf32>,
    %broadcast_in_dim3A_445 = arith.constant 0.000000e+00 : f32
    %broadcast_in_dim3A_446 = vector.broadcast %broadcast_in_dim3A_445 : f32 to vector<16xf32>
    %swap3A_447 = arith.constant 6 : i32
    %swap3A_448 = arith.index_cast %swap3A_447 : i32 to index
    %swap3A_449 = arith.constant 112 : index
    %swap3A_450 = tpu.vector_load %arg8[%swap3A_448, %swap3A_449] {strides = array<i32>} : memref<32x128xf32, #tpu.memory_space<vmem>>, vector<1x16xf32>,
    %swap3A_451 = vector.shape_cast %swap3A_450 : vector<1x16xf32> to vector<16xf32>
    %swap3A_452 = vector.shape_cast %broadcast_in_dim3A_446 : vector<16xf32> to vector<1x16xf32>
    tpu.vector_store %arg8[%swap3A_448, %swap3A_449], %swap3A_452 {strides = array<i32>} : memref<32x128xf32, #tpu.memory_space<vmem>>, vector<1x16xf32>,
    %broadcast_in_dim3A_453 = arith.constant 0.000000e+00 : f32
    %broadcast_in_dim3A_454 = vector.broadcast %broadcast_in_dim3A_453 : f32 to vector<16xf32>
    %swap3A_455 = arith.constant 7 : i32
    %swap3A_456 = arith.index_cast %swap3A_455 : i32 to index
    %swap3A_457 = arith.constant 0 : index
    %swap3A_458 = tpu.vector_load %arg8[%swap3A_456, %swap3A_457] {strides = array<i32>} : memref<32x128xf32, #tpu.memory_space<vmem>>, vector<1x16xf32>,
    %swap3A_459 = vector.shape_cast %swap3A_458 : vector<1x16xf32> to vector<16xf32>
    %swap3A_460 = vector.shape_cast %broadcast_in_dim3A_454 : vector<16xf32> to vector<1x16xf32>
    tpu.vector_store %arg8[%swap3A_456, %swap3A_457], %swap3A_460 {strides = array<i32>} : memref<32x128xf32, #tpu.memory_space<vmem>>, vector<1x16xf32>,
    %broadcast_in_dim3A_461 = arith.constant 0.000000e+00 : f32
    %broadcast_in_dim3A_462 = vector.broadcast %broadcast_in_dim3A_461 : f32 to vector<16xf32>
    %swap3A_463 = arith.constant 7 : i32
    %swap3A_464 = arith.index_cast %swap3A_463 : i32 to index
    %swap3A_465 = arith.constant 16 : index
    %swap3A_466 = tpu.vector_load %arg8[%swap3A_464, %swap3A_465] {strides = array<i32>} : memref<32x128xf32, #tpu.memory_space<vmem>>, vector<1x16xf32>,
    %swap3A_467 = vector.shape_cast %swap3A_466 : vector<1x16xf32> to vector<16xf32>
    %swap3A_468 = vector.shape_cast %broadcast_in_dim3A_462 : vector<16xf32> to vector<1x16xf32>
    tpu.vector_store %arg8[%swap3A_464, %swap3A_465], %swap3A_468 {strides = array<i32>} : memref<32x128xf32, #tpu.memory_space<vmem>>, vector<1x16xf32>,
    %broadcast_in_dim3A_469 = arith.constant 0.000000e+00 : f32
    %broadcast_in_dim3A_470 = vector.broadcast %broadcast_in_dim3A_469 : f32 to vector<16xf32>
    %swap3A_471 = arith.constant 7 : i32
    %swap3A_472 = arith.index_cast %swap3A_471 : i32 to index
    %swap3A_473 = arith.constant 32 : index
    %swap3A_474 = tpu.vector_load %arg8[%swap3A_472, %swap3A_473] {strides = array<i32>} : memref<32x128xf32, #tpu.memory_space<vmem>>, vector<1x16xf32>,
    %swap3A_475 = vector.shape_cast %swap3A_474 : vector<1x16xf32> to vector<16xf32>
    %swap3A_476 = vector.shape_cast %broadcast_in_dim3A_470 : vector<16xf32> to vector<1x16xf32>
    tpu.vector_store %arg8[%swap3A_472, %swap3A_473], %swap3A_476 {strides = array<i32>} : memref<32x128xf32, #tpu.memory_space<vmem>>, vector<1x16xf32>,
    %broadcast_in_dim3A_477 = arith.constant 0.000000e+00 : f32
    %broadcast_in_dim3A_478 = vector.broadcast %broadcast_in_dim3A_477 : f32 to vector<16xf32>
    %swap3A_479 = arith.constant 7 : i32
    %swap3A_480 = arith.index_cast %swap3A_479 : i32 to index
    %swap3A_481 = arith.constant 48 : index
    %swap3A_482 = tpu.vector_load %arg8[%swap3A_480, %swap3A_481] {strides = array<i32>} : memref<32x128xf32, #tpu.memory_space<vmem>>, vector<1x16xf32>,
    %swap3A_483 = vector.shape_cast %swap3A_482 : vector<1x16xf32> to vector<16xf32>
    %swap3A_484 = vector.shape_cast %broadcast_in_dim3A_478 : vector<16xf32> to vector<1x16xf32>
    tpu.vector_store %arg8[%swap3A_480, %swap3A_481], %swap3A_484 {strides = array<i32>} : memref<32x128xf32, #tpu.memory_space<vmem>>, vector<1x16xf32>,
    %broadcast_in_dim3A_485 = arith.constant 0.000000e+00 : f32
    %broadcast_in_dim3A_486 = vector.broadcast %broadcast_in_dim3A_485 : f32 to vector<16xf32>
    %swap3A_487 = arith.constant 7 : i32
    %swap3A_488 = arith.index_cast %swap3A_487 : i32 to index
    %swap3A_489 = arith.constant 64 : index
    %swap3A_490 = tpu.vector_load %arg8[%swap3A_488, %swap3A_489] {strides = array<i32>} : memref<32x128xf32, #tpu.memory_space<vmem>>, vector<1x16xf32>,
    %swap3A_491 = vector.shape_cast %swap3A_490 : vector<1x16xf32> to vector<16xf32>
    %swap3A_492 = vector.shape_cast %broadcast_in_dim3A_486 : vector<16xf32> to vector<1x16xf32>
    tpu.vector_store %arg8[%swap3A_488, %swap3A_489], %swap3A_492 {strides = array<i32>} : memref<32x128xf32, #tpu.memory_space<vmem>>, vector<1x16xf32>,
    %broadcast_in_dim3A_493 = arith.constant 0.000000e+00 : f32
    %broadcast_in_dim3A_494 = vector.broadcast %broadcast_in_dim3A_493 : f32 to vector<16xf32>
    %swap3A_495 = arith.constant 7 : i32
    %swap3A_496 = arith.index_cast %swap3A_495 : i32 to index
    %swap3A_497 = arith.constant 80 : index
    %swap3A_498 = tpu.vector_load %arg8[%swap3A_496, %swap3A_497] {strides = array<i32>} : memref<32x128xf32, #tpu.memory_space<vmem>>, vector<1x16xf32>,
    %swap3A_499 = vector.shape_cast %swap3A_498 : vector<1x16xf32> to vector<16xf32>
    %swap3A_500 = vector.shape_cast %broadcast_in_dim3A_494 : vector<16xf32> to vector<1x16xf32>
    tpu.vector_store %arg8[%swap3A_496, %swap3A_497], %swap3A_500 {strides = array<i32>} : memref<32x128xf32, #tpu.memory_space<vmem>>, vector<1x16xf32>,
    %broadcast_in_dim3A_501 = arith.constant 0.000000e+00 : f32
    %broadcast_in_dim3A_502 = vector.broadcast %broadcast_in_dim3A_501 : f32 to vector<16xf32>
    %swap3A_503 = arith.constant 7 : i32
    %swap3A_504 = arith.index_cast %swap3A_503 : i32 to index
    %swap3A_505 = arith.constant 96 : index
    %swap3A_506 = tpu.vector_load %arg8[%swap3A_504, %swap3A_505] {strides = array<i32>} : memref<32x128xf32, #tpu.memory_space<vmem>>, vector<1x16xf32>,
    %swap3A_507 = vector.shape_cast %swap3A_506 : vector<1x16xf32> to vector<16xf32>
    %swap3A_508 = vector.shape_cast %broadcast_in_dim3A_502 : vector<16xf32> to vector<1x16xf32>
    tpu.vector_store %arg8[%swap3A_504, %swap3A_505], %swap3A_508 {strides = array<i32>} : memref<32x128xf32, #tpu.memory_space<vmem>>, vector<1x16xf32>,
    %broadcast_in_dim3A_509 = arith.constant 0.000000e+00 : f32
    %broadcast_in_dim3A_510 = vector.broadcast %broadcast_in_dim3A_509 : f32 to vector<16xf32>
    %swap3A_511 = arith.constant 7 : i32
    %swap3A_512 = arith.index_cast %swap3A_511 : i32 to index
    %swap3A_513 = arith.constant 112 : index
    %swap3A_514 = tpu.vector_load %arg8[%swap3A_512, %swap3A_513] {strides = array<i32>} : memref<32x128xf32, #tpu.memory_space<vmem>>, vector<1x16xf32>,
    %swap3A_515 = vector.shape_cast %swap3A_514 : vector<1x16xf32> to vector<16xf32>
    %swap3A_516 = vector.shape_cast %broadcast_in_dim3A_510 : vector<16xf32> to vector<1x16xf32>
    tpu.vector_store %arg8[%swap3A_512, %swap3A_513], %swap3A_516 {strides = array<i32>} : memref<32x128xf32, #tpu.memory_space<vmem>>, vector<1x16xf32>,
    %broadcast_in_dim3A_517 = arith.constant 0.000000e+00 : f32
    %broadcast_in_dim3A_518 = vector.broadcast %broadcast_in_dim3A_517 : f32 to vector<16xf32>
    %swap3A_519 = arith.constant 8 : i32
    %swap3A_520 = arith.index_cast %swap3A_519 : i32 to index
    %swap3A_521 = arith.constant 0 : index
    %swap3A_522 = tpu.vector_load %arg8[%swap3A_520, %swap3A_521] {strides = array<i32>} : memref<32x128xf32, #tpu.memory_space<vmem>>, vector<1x16xf32>,
    %swap3A_523 = vector.shape_cast %swap3A_522 : vector<1x16xf32> to vector<16xf32>
    %swap3A_524 = vector.shape_cast %broadcast_in_dim3A_518 : vector<16xf32> to vector<1x16xf32>
    tpu.vector_store %arg8[%swap3A_520, %swap3A_521], %swap3A_524 {strides = array<i32>} : memref<32x128xf32, #tpu.memory_space<vmem>>, vector<1x16xf32>,
    %broadcast_in_dim3A_525 = arith.constant 0.000000e+00 : f32
    %broadcast_in_dim3A_526 = vector.broadcast %broadcast_in_dim3A_525 : f32 to vector<16xf32>
    %swap3A_527 = arith.constant 8 : i32
    %swap3A_528 = arith.index_cast %swap3A_527 : i32 to index
    %swap3A_529 = arith.constant 16 : index
    %swap3A_530 = tpu.vector_load %arg8[%swap3A_528, %swap3A_529] {strides = array<i32>} : memref<32x128xf32, #tpu.memory_space<vmem>>, vector<1x16xf32>,
    %swap3A_531 = vector.shape_cast %swap3A_530 : vector<1x16xf32> to vector<16xf32>
    %swap3A_532 = vector.shape_cast %broadcast_in_dim3A_526 : vector<16xf32> to vector<1x16xf32>
    tpu.vector_store %arg8[%swap3A_528, %swap3A_529], %swap3A_532 {strides = array<i32>} : memref<32x128xf32, #tpu.memory_space<vmem>>, vector<1x16xf32>,
    %broadcast_in_dim3A_533 = arith.constant 0.000000e+00 : f32
    %broadcast_in_dim3A_534 = vector.broadcast %broadcast_in_dim3A_533 : f32 to vector<16xf32>
    %swap3A_535 = arith.constant 8 : i32
    %swap3A_536 = arith.index_cast %swap3A_535 : i32 to index
    %swap3A_537 = arith.constant 32 : index
    %swap3A_538 = tpu.vector_load %arg8[%swap3A_536, %swap3A_537] {strides = array<i32>} : memref<32x128xf32, #tpu.memory_space<vmem>>, vector<1x16xf32>,
    %swap3A_539 = vector.shape_cast %swap3A_538 : vector<1x16xf32> to vector<16xf32>
    %swap3A_540 = vector.shape_cast %broadcast_in_dim3A_534 : vector<16xf32> to vector<1x16xf32>
    tpu.vector_store %arg8[%swap3A_536, %swap3A_537], %swap3A_540 {strides = array<i32>} : memref<32x128xf32, #tpu.memory_space<vmem>>, vector<1x16xf32>,
    %broadcast_in_dim3A_541 = arith.constant 0.000000e+00 : f32
    %broadcast_in_dim3A_542 = vector.broadcast %broadcast_in_dim3A_541 : f32 to vector<16xf32>
    %swap3A_543 = arith.constant 8 : i32
    %swap3A_544 = arith.index_cast %swap3A_543 : i32 to index
    %swap3A_545 = arith.constant 48 : index
    %swap3A_546 = tpu.vector_load %arg8[%swap3A_544, %swap3A_545] {strides = array<i32>} : memref<32x128xf32, #tpu.memory_space<vmem>>, vector<1x16xf32>,
    %swap3A_547 = vector.shape_cast %swap3A_546 : vector<1x16xf32> to vector<16xf32>
    %swap3A_548 = vector.shape_cast %broadcast_in_dim3A_542 : vector<16xf32> to vector<1x16xf32>
    tpu.vector_store %arg8[%swap3A_544, %swap3A_545], %swap3A_548 {strides = array<i32>} : memref<32x128xf32, #tpu.memory_space<vmem>>, vector<1x16xf32>,
    %broadcast_in_dim3A_549 = arith.constant 0.000000e+00 : f32
    %broadcast_in_dim3A_550 = vector.broadcast %broadcast_in_dim3A_549 : f32 to vector<16xf32>
    %swap3A_551 = arith.constant 8 : i32
    %swap3A_552 = arith.index_cast %swap3A_551 : i32 to index
    %swap3A_553 = arith.constant 64 : index
    %swap3A_554 = tpu.vector_load %arg8[%swap3A_552, %swap3A_553] {strides = array<i32>} : memref<32x128xf32, #tpu.memory_space<vmem>>, vector<1x16xf32>,
    %swap3A_555 = vector.shape_cast %swap3A_554 : vector<1x16xf32> to vector<16xf32>
    %swap3A_556 = vector.shape_cast %broadcast_in_dim3A_550 : vector<16xf32> to vector<1x16xf32>
    tpu.vector_store %arg8[%swap3A_552, %swap3A_553], %swap3A_556 {strides = array<i32>} : memref<32x128xf32, #tpu.memory_space<vmem>>, vector<1x16xf32>,
    %broadcast_in_dim3A_557 = arith.constant 0.000000e+00 : f32
    %broadcast_in_dim3A_558 = vector.broadcast %broadcast_in_dim3A_557 : f32 to vector<16xf32>
    %swap3A_559 = arith.constant 8 : i32
    %swap3A_560 = arith.index_cast %swap3A_559 : i32 to index
    %swap3A_561 = arith.constant 80 : index
    %swap3A_562 = tpu.vector_load %arg8[%swap3A_560, %swap3A_561] {strides = array<i32>} : memref<32x128xf32, #tpu.memory_space<vmem>>, vector<1x16xf32>,
    %swap3A_563 = vector.shape_cast %swap3A_562 : vector<1x16xf32> to vector<16xf32>
    %swap3A_564 = vector.shape_cast %broadcast_in_dim3A_558 : vector<16xf32> to vector<1x16xf32>
    tpu.vector_store %arg8[%swap3A_560, %swap3A_561], %swap3A_564 {strides = array<i32>} : memref<32x128xf32, #tpu.memory_space<vmem>>, vector<1x16xf32>,
    %broadcast_in_dim3A_565 = arith.constant 0.000000e+00 : f32
    %broadcast_in_dim3A_566 = vector.broadcast %broadcast_in_dim3A_565 : f32 to vector<16xf32>
    %swap3A_567 = arith.constant 8 : i32
    %swap3A_568 = arith.index_cast %swap3A_567 : i32 to index
    %swap3A_569 = arith.constant 96 : index
    %swap3A_570 = tpu.vector_load %arg8[%swap3A_568, %swap3A_569] {strides = array<i32>} : memref<32x128xf32, #tpu.memory_space<vmem>>, vector<1x16xf32>,
    %swap3A_571 = vector.shape_cast %swap3A_570 : vector<1x16xf32> to vector<16xf32>
    %swap3A_572 = vector.shape_cast %broadcast_in_dim3A_566 : vector<16xf32> to vector<1x16xf32>
    tpu.vector_store %arg8[%swap3A_568, %swap3A_569], %swap3A_572 {strides = array<i32>} : memref<32x128xf32, #tpu.memory_space<vmem>>, vector<1x16xf32>,
    %broadcast_in_dim3A_573 = arith.constant 0.000000e+00 : f32
    %broadcast_in_dim3A_574 = vector.broadcast %broadcast_in_dim3A_573 : f32 to vector<16xf32>
    %swap3A_575 = arith.constant 8 : i32
    %swap3A_576 = arith.index_cast %swap3A_575 : i32 to index
    %swap3A_577 = arith.constant 112 : index
    %swap3A_578 = tpu.vector_load %arg8[%swap3A_576, %swap3A_577] {strides = array<i32>} : memref<32x128xf32, #tpu.memory_space<vmem>>, vector<1x16xf32>,
    %swap3A_579 = vector.shape_cast %swap3A_578 : vector<1x16xf32> to vector<16xf32>
    %swap3A_580 = vector.shape_cast %broadcast_in_dim3A_574 : vector<16xf32> to vector<1x16xf32>
    tpu.vector_store %arg8[%swap3A_576, %swap3A_577], %swap3A_580 {strides = array<i32>} : memref<32x128xf32, #tpu.memory_space<vmem>>, vector<1x16xf32>,
    %broadcast_in_dim3A_581 = arith.constant 0.000000e+00 : f32
    %broadcast_in_dim3A_582 = vector.broadcast %broadcast_in_dim3A_581 : f32 to vector<16xf32>
    %swap3A_583 = arith.constant 9 : i32
    %swap3A_584 = arith.index_cast %swap3A_583 : i32 to index
    %swap3A_585 = arith.constant 0 : index
    %swap3A_586 = tpu.vector_load %arg8[%swap3A_584, %swap3A_585] {strides = array<i32>} : memref<32x128xf32, #tpu.memory_space<vmem>>, vector<1x16xf32>,
    %swap3A_587 = vector.shape_cast %swap3A_586 : vector<1x16xf32> to vector<16xf32>
    %swap3A_588 = vector.shape_cast %broadcast_in_dim3A_582 : vector<16xf32> to vector<1x16xf32>
    tpu.vector_store %arg8[%swap3A_584, %swap3A_585], %swap3A_588 {strides = array<i32>} : memref<32x128xf32, #tpu.memory_space<vmem>>, vector<1x16xf32>,
    %broadcast_in_dim3A_589 = arith.constant 0.000000e+00 : f32
    %broadcast_in_dim3A_590 = vector.broadcast %broadcast_in_dim3A_589 : f32 to vector<16xf32>
    %swap3A_591 = arith.constant 9 : i32
    %swap3A_592 = arith.index_cast %swap3A_591 : i32 to index
    %swap3A_593 = arith.constant 16 : index
    %swap3A_594 = tpu.vector_load %arg8[%swap3A_592, %swap3A_593] {strides = array<i32>} : memref<32x128xf32, #tpu.memory_space<vmem>>, vector<1x16xf32>,
    %swap3A_595 = vector.shape_cast %swap3A_594 : vector<1x16xf32> to vector<16xf32>
    %swap3A_596 = vector.shape_cast %broadcast_in_dim3A_590 : vector<16xf32> to vector<1x16xf32>
    tpu.vector_store %arg8[%swap3A_592, %swap3A_593], %swap3A_596 {strides = array<i32>} : memref<32x128xf32, #tpu.memory_space<vmem>>, vector<1x16xf32>,
    %broadcast_in_dim3A_597 = arith.constant 0.000000e+00 : f32
    %broadcast_in_dim3A_598 = vector.broadcast %broadcast_in_dim3A_597 : f32 to vector<16xf32>
    %swap3A_599 = arith.constant 9 : i32
    %swap3A_600 = arith.index_cast %swap3A_599 : i32 to index
    %swap3A_601 = arith.constant 32 : index
    %swap3A_602 = tpu.vector_load %arg8[%swap3A_600, %swap3A_601] {strides = array<i32>} : memref<32x128xf32, #tpu.memory_space<vmem>>, vector<1x16xf32>,
    %swap3A_603 = vector.shape_cast %swap3A_602 : vector<1x16xf32> to vector<16xf32>
    %swap3A_604 = vector.shape_cast %broadcast_in_dim3A_598 : vector<16xf32> to vector<1x16xf32>
    tpu.vector_store %arg8[%swap3A_600, %swap3A_601], %swap3A_604 {strides = array<i32>} : memref<32x128xf32, #tpu.memory_space<vmem>>, vector<1x16xf32>,
    %broadcast_in_dim3A_605 = arith.constant 0.000000e+00 : f32
    %broadcast_in_dim3A_606 = vector.broadcast %broadcast_in_dim3A_605 : f32 to vector<16xf32>
    %swap3A_607 = arith.constant 9 : i32
    %swap3A_608 = arith.index_cast %swap3A_607 : i32 to index
    %swap3A_609 = arith.constant 48 : index
    %swap3A_610 = tpu.vector_load %arg8[%swap3A_608, %swap3A_609] {strides = array<i32>} : memref<32x128xf32, #tpu.memory_space<vmem>>, vector<1x16xf32>,
    %swap3A_611 = vector.shape_cast %swap3A_610 : vector<1x16xf32> to vector<16xf32>
    %swap3A_612 = vector.shape_cast %broadcast_in_dim3A_606 : vector<16xf32> to vector<1x16xf32>
    tpu.vector_store %arg8[%swap3A_608, %swap3A_609], %swap3A_612 {strides = array<i32>} : memref<32x128xf32, #tpu.memory_space<vmem>>, vector<1x16xf32>,
    %broadcast_in_dim3A_613 = arith.constant 0.000000e+00 : f32
    %broadcast_in_dim3A_614 = vector.broadcast %broadcast_in_dim3A_613 : f32 to vector<16xf32>
    %swap3A_615 = arith.constant 9 : i32
    %swap3A_616 = arith.index_cast %swap3A_615 : i32 to index
    %swap3A_617 = arith.constant 64 : index
    %swap3A_618 = tpu.vector_load %arg8[%swap3A_616, %swap3A_617] {strides = array<i32>} : memref<32x128xf32, #tpu.memory_space<vmem>>, vector<1x16xf32>,
    %swap3A_619 = vector.shape_cast %swap3A_618 : vector<1x16xf32> to vector<16xf32>
    %swap3A_620 = vector.shape_cast %broadcast_in_dim3A_614 : vector<16xf32> to vector<1x16xf32>
    tpu.vector_store %arg8[%swap3A_616, %swap3A_617], %swap3A_620 {strides = array<i32>} : memref<32x128xf32, #tpu.memory_space<vmem>>, vector<1x16xf32>,
    %broadcast_in_dim3A_621 = arith.constant 0.000000e+00 : f32
    %broadcast_in_dim3A_622 = vector.broadcast %broadcast_in_dim3A_621 : f32 to vector<16xf32>
    %swap3A_623 = arith.constant 9 : i32
    %swap3A_624 = arith.index_cast %swap3A_623 : i32 to index
    %swap3A_625 = arith.constant 80 : index
    %swap3A_626 = tpu.vector_load %arg8[%swap3A_624, %swap3A_625] {strides = array<i32>} : memref<32x128xf32, #tpu.memory_space<vmem>>, vector<1x16xf32>,
    %swap3A_627 = vector.shape_cast %swap3A_626 : vector<1x16xf32> to vector<16xf32>
    %swap3A_628 = vector.shape_cast %broadcast_in_dim3A_622 : vector<16xf32> to vector<1x16xf32>
    tpu.vector_store %arg8[%swap3A_624, %swap3A_625], %swap3A_628 {strides = array<i32>} : memref<32x128xf32, #tpu.memory_space<vmem>>, vector<1x16xf32>,
    %broadcast_in_dim3A_629 = arith.constant 0.000000e+00 : f32
    %broadcast_in_dim3A_630 = vector.broadcast %broadcast_in_dim3A_629 : f32 to vector<16xf32>
    %swap3A_631 = arith.constant 9 : i32
    %swap3A_632 = arith.index_cast %swap3A_631 : i32 to index
    %swap3A_633 = arith.constant 96 : index
    %swap3A_634 = tpu.vector_load %arg8[%swap3A_632, %swap3A_633] {strides = array<i32>} : memref<32x128xf32, #tpu.memory_space<vmem>>, vector<1x16xf32>,
    %swap3A_635 = vector.shape_cast %swap3A_634 : vector<1x16xf32> to vector<16xf32>
    %swap3A_636 = vector.shape_cast %broadcast_in_dim3A_630 : vector<16xf32> to vector<1x16xf32>
    tpu.vector_store %arg8[%swap3A_632, %swap3A_633], %swap3A_636 {strides = array<i32>} : memref<32x128xf32, #tpu.memory_space<vmem>>, vector<1x16xf32>,
    %broadcast_in_dim3A_637 = arith.constant 0.000000e+00 : f32
    %broadcast_in_dim3A_638 = vector.broadcast %broadcast_in_dim3A_637 : f32 to vector<16xf32>
    %swap3A_639 = arith.constant 9 : i32
    %swap3A_640 = arith.index_cast %swap3A_639 : i32 to index
    %swap3A_641 = arith.constant 112 : index
    %swap3A_642 = tpu.vector_load %arg8[%swap3A_640, %swap3A_641] {strides = array<i32>} : memref<32x128xf32, #tpu.memory_space<vmem>>, vector<1x16xf32>,
    %swap3A_643 = vector.shape_cast %swap3A_642 : vector<1x16xf32> to vector<16xf32>
    %swap3A_644 = vector.shape_cast %broadcast_in_dim3A_638 : vector<16xf32> to vector<1x16xf32>
    tpu.vector_store %arg8[%swap3A_640, %swap3A_641], %swap3A_644 {strides = array<i32>} : memref<32x128xf32, #tpu.memory_space<vmem>>, vector<1x16xf32>,
    %broadcast_in_dim3A_645 = arith.constant 0.000000e+00 : f32
    %broadcast_in_dim3A_646 = vector.broadcast %broadcast_in_dim3A_645 : f32 to vector<16xf32>
    %swap3A_647 = arith.constant 10 : i32
    %swap3A_648 = arith.index_cast %swap3A_647 : i32 to index
    %swap3A_649 = arith.constant 0 : index
    %swap3A_650 = tpu.vector_load %arg8[%swap3A_648, %swap3A_649] {strides = array<i32>} : memref<32x128xf32, #tpu.memory_space<vmem>>, vector<1x16xf32>,
    %swap3A_651 = vector.shape_cast %swap3A_650 : vector<1x16xf32> to vector<16xf32>
    %swap3A_652 = vector.shape_cast %broadcast_in_dim3A_646 : vector<16xf32> to vector<1x16xf32>
    tpu.vector_store %arg8[%swap3A_648, %swap3A_649], %swap3A_652 {strides = array<i32>} : memref<32x128xf32, #tpu.memory_space<vmem>>, vector<1x16xf32>,
    %broadcast_in_dim3A_653 = arith.constant 0.000000e+00 : f32
    %broadcast_in_dim3A_654 = vector.broadcast %broadcast_in_dim3A_653 : f32 to vector<16xf32>
    %swap3A_655 = arith.constant 10 : i32
    %swap3A_656 = arith.index_cast %swap3A_655 : i32 to index
    %swap3A_657 = arith.constant 16 : index
    %swap3A_658 = tpu.vector_load %arg8[%swap3A_656, %swap3A_657] {strides = array<i32>} : memref<32x128xf32, #tpu.memory_space<vmem>>, vector<1x16xf32>,
    %swap3A_659 = vector.shape_cast %swap3A_658 : vector<1x16xf32> to vector<16xf32>
    %swap3A_660 = vector.shape_cast %broadcast_in_dim3A_654 : vector<16xf32> to vector<1x16xf32>
    tpu.vector_store %arg8[%swap3A_656, %swap3A_657], %swap3A_660 {strides = array<i32>} : memref<32x128xf32, #tpu.memory_space<vmem>>, vector<1x16xf32>,
    %broadcast_in_dim3A_661 = arith.constant 0.000000e+00 : f32
    %broadcast_in_dim3A_662 = vector.broadcast %broadcast_in_dim3A_661 : f32 to vector<16xf32>
    %swap3A_663 = arith.constant 10 : i32
    %swap3A_664 = arith.index_cast %swap3A_663 : i32 to index
    %swap3A_665 = arith.constant 32 : index
    %swap3A_666 = tpu.vector_load %arg8[%swap3A_664, %swap3A_665] {strides = array<i32>} : memref<32x128xf32, #tpu.memory_space<vmem>>, vector<1x16xf32>,
    %swap3A_667 = vector.shape_cast %swap3A_666 : vector<1x16xf32> to vector<16xf32>
    %swap3A_668 = vector.shape_cast %broadcast_in_dim3A_662 : vector<16xf32> to vector<1x16xf32>
    tpu.vector_store %arg8[%swap3A_664, %swap3A_665], %swap3A_668 {strides = array<i32>} : memref<32x128xf32, #tpu.memory_space<vmem>>, vector<1x16xf32>,
    %broadcast_in_dim3A_669 = arith.constant 0.000000e+00 : f32
    %broadcast_in_dim3A_670 = vector.broadcast %broadcast_in_dim3A_669 : f32 to vector<16xf32>
    %swap3A_671 = arith.constant 10 : i32
    %swap3A_672 = arith.index_cast %swap3A_671 : i32 to index
    %swap3A_673 = arith.constant 48 : index
    %swap3A_674 = tpu.vector_load %arg8[%swap3A_672, %swap3A_673] {strides = array<i32>} : memref<32x128xf32, #tpu.memory_space<vmem>>, vector<1x16xf32>,
    %swap3A_675 = vector.shape_cast %swap3A_674 : vector<1x16xf32> to vector<16xf32>
    %swap3A_676 = vector.shape_cast %broadcast_in_dim3A_670 : vector<16xf32> to vector<1x16xf32>
    tpu.vector_store %arg8[%swap3A_672, %swap3A_673], %swap3A_676 {strides = array<i32>} : memref<32x128xf32, #tpu.memory_space<vmem>>, vector<1x16xf32>,
    %broadcast_in_dim3A_677 = arith.constant 0.000000e+00 : f32
    %broadcast_in_dim3A_678 = vector.broadcast %broadcast_in_dim3A_677 : f32 to vector<16xf32>
    %swap3A_679 = arith.constant 10 : i32
    %swap3A_680 = arith.index_cast %swap3A_679 : i32 to index
    %swap3A_681 = arith.constant 64 : index
    %swap3A_682 = tpu.vector_load %arg8[%swap3A_680, %swap3A_681] {strides = array<i32>} : memref<32x128xf32, #tpu.memory_space<vmem>>, vector<1x16xf32>,
    %swap3A_683 = vector.shape_cast %swap3A_682 : vector<1x16xf32> to vector<16xf32>
    %swap3A_684 = vector.shape_cast %broadcast_in_dim3A_678 : vector<16xf32> to vector<1x16xf32>
    tpu.vector_store %arg8[%swap3A_680, %swap3A_681], %swap3A_684 {strides = array<i32>} : memref<32x128xf32, #tpu.memory_space<vmem>>, vector<1x16xf32>,
    %broadcast_in_dim3A_685 = arith.constant 0.000000e+00 : f32
    %broadcast_in_dim3A_686 = vector.broadcast %broadcast_in_dim3A_685 : f32 to vector<16xf32>
    %swap3A_687 = arith.constant 10 : i32
    %swap3A_688 = arith.index_cast %swap3A_687 : i32 to index
    %swap3A_689 = arith.constant 80 : index
    %swap3A_690 = tpu.vector_load %arg8[%swap3A_688, %swap3A_689] {strides = array<i32>} : memref<32x128xf32, #tpu.memory_space<vmem>>, vector<1x16xf32>,
    %swap3A_691 = vector.shape_cast %swap3A_690 : vector<1x16xf32> to vector<16xf32>
    %swap3A_692 = vector.shape_cast %broadcast_in_dim3A_686 : vector<16xf32> to vector<1x16xf32>
    tpu.vector_store %arg8[%swap3A_688, %swap3A_689], %swap3A_692 {strides = array<i32>} : memref<32x128xf32, #tpu.memory_space<vmem>>, vector<1x16xf32>,
    %broadcast_in_dim3A_693 = arith.constant 0.000000e+00 : f32
    %broadcast_in_dim3A_694 = vector.broadcast %broadcast_in_dim3A_693 : f32 to vector<16xf32>
    %swap3A_695 = arith.constant 10 : i32
    %swap3A_696 = arith.index_cast %swap3A_695 : i32 to index
    %swap3A_697 = arith.constant 96 : index
    %swap3A_698 = tpu.vector_load %arg8[%swap3A_696, %swap3A_697] {strides = array<i32>} : memref<32x128xf32, #tpu.memory_space<vmem>>, vector<1x16xf32>,
    %swap3A_699 = vector.shape_cast %swap3A_698 : vector<1x16xf32> to vector<16xf32>
    %swap3A_700 = vector.shape_cast %broadcast_in_dim3A_694 : vector<16xf32> to vector<1x16xf32>
    tpu.vector_store %arg8[%swap3A_696, %swap3A_697], %swap3A_700 {strides = array<i32>} : memref<32x128xf32, #tpu.memory_space<vmem>>, vector<1x16xf32>,
    %broadcast_in_dim3A_701 = arith.constant 0.000000e+00 : f32
    %broadcast_in_dim3A_702 = vector.broadcast %broadcast_in_dim3A_701 : f32 to vector<16xf32>
    %swap3A_703 = arith.constant 10 : i32
    %swap3A_704 = arith.index_cast %swap3A_703 : i32 to index
    %swap3A_705 = arith.constant 112 : index
    %swap3A_706 = tpu.vector_load %arg8[%swap3A_704, %swap3A_705] {strides = array<i32>} : memref<32x128xf32, #tpu.memory_space<vmem>>, vector<1x16xf32>,
    %swap3A_707 = vector.shape_cast %swap3A_706 : vector<1x16xf32> to vector<16xf32>
    %swap3A_708 = vector.shape_cast %broadcast_in_dim3A_702 : vector<16xf32> to vector<1x16xf32>
    tpu.vector_store %arg8[%swap3A_704, %swap3A_705], %swap3A_708 {strides = array<i32>} : memref<32x128xf32, #tpu.memory_space<vmem>>, vector<1x16xf32>,
    %broadcast_in_dim3A_709 = arith.constant 0.000000e+00 : f32
    %broadcast_in_dim3A_710 = vector.broadcast %broadcast_in_dim3A_709 : f32 to vector<16xf32>
    %swap3A_711 = arith.constant 11 : i32
    %swap3A_712 = arith.index_cast %swap3A_711 : i32 to index
    %swap3A_713 = arith.constant 0 : index
    %swap3A_714 = tpu.vector_load %arg8[%swap3A_712, %swap3A_713] {strides = array<i32>} : memref<32x128xf32, #tpu.memory_space<vmem>>, vector<1x16xf32>,
    %swap3A_715 = vector.shape_cast %swap3A_714 : vector<1x16xf32> to vector<16xf32>
    %swap3A_716 = vector.shape_cast %broadcast_in_dim3A_710 : vector<16xf32> to vector<1x16xf32>
    tpu.vector_store %arg8[%swap3A_712, %swap3A_713], %swap3A_716 {strides = array<i32>} : memref<32x128xf32, #tpu.memory_space<vmem>>, vector<1x16xf32>,
    %broadcast_in_dim3A_717 = arith.constant 0.000000e+00 : f32
    %broadcast_in_dim3A_718 = vector.broadcast %broadcast_in_dim3A_717 : f32 to vector<16xf32>
    %swap3A_719 = arith.constant 11 : i32
    %swap3A_720 = arith.index_cast %swap3A_719 : i32 to index
    %swap3A_721 = arith.constant 16 : index
    %swap3A_722 = tpu.vector_load %arg8[%swap3A_720, %swap3A_721] {strides = array<i32>} : memref<32x128xf32, #tpu.memory_space<vmem>>, vector<1x16xf32>,
    %swap3A_723 = vector.shape_cast %swap3A_722 : vector<1x16xf32> to vector<16xf32>
    %swap3A_724 = vector.shape_cast %broadcast_in_dim3A_718 : vector<16xf32> to vector<1x16xf32>
    tpu.vector_store %arg8[%swap3A_720, %swap3A_721], %swap3A_724 {strides = array<i32>} : memref<32x128xf32, #tpu.memory_space<vmem>>, vector<1x16xf32>,
    %broadcast_in_dim3A_725 = arith.constant 0.000000e+00 : f32
    %broadcast_in_dim3A_726 = vector.broadcast %broadcast_in_dim3A_725 : f32 to vector<16xf32>
    %swap3A_727 = arith.constant 11 : i32
    %swap3A_728 = arith.index_cast %swap3A_727 : i32 to index
    %swap3A_729 = arith.constant 32 : index
    %swap3A_730 = tpu.vector_load %arg8[%swap3A_728, %swap3A_729] {strides = array<i32>} : memref<32x128xf32, #tpu.memory_space<vmem>>, vector<1x16xf32>,
    %swap3A_731 = vector.shape_cast %swap3A_730 : vector<1x16xf32> to vector<16xf32>
    %swap3A_732 = vector.shape_cast %broadcast_in_dim3A_726 : vector<16xf32> to vector<1x16xf32>
    tpu.vector_store %arg8[%swap3A_728, %swap3A_729], %swap3A_732 {strides = array<i32>} : memref<32x128xf32, #tpu.memory_space<vmem>>, vector<1x16xf32>,
    %broadcast_in_dim3A_733 = arith.constant 0.000000e+00 : f32
    %broadcast_in_dim3A_734 = vector.broadcast %broadcast_in_dim3A_733 : f32 to vector<16xf32>
    %swap3A_735 = arith.constant 11 : i32
    %swap3A_736 = arith.index_cast %swap3A_735 : i32 to index
    %swap3A_737 = arith.constant 48 : index
    %swap3A_738 = tpu.vector_load %arg8[%swap3A_736, %swap3A_737] {strides = array<i32>} : memref<32x128xf32, #tpu.memory_space<vmem>>, vector<1x16xf32>,
    %swap3A_739 = vector.shape_cast %swap3A_738 : vector<1x16xf32> to vector<16xf32>
    %swap3A_740 = vector.shape_cast %broadcast_in_dim3A_734 : vector<16xf32> to vector<1x16xf32>
    tpu.vector_store %arg8[%swap3A_736, %swap3A_737], %swap3A_740 {strides = array<i32>} : memref<32x128xf32, #tpu.memory_space<vmem>>, vector<1x16xf32>,
    %broadcast_in_dim3A_741 = arith.constant 0.000000e+00 : f32
    %broadcast_in_dim3A_742 = vector.broadcast %broadcast_in_dim3A_741 : f32 to vector<16xf32>
    %swap3A_743 = arith.constant 11 : i32
    %swap3A_744 = arith.index_cast %swap3A_743 : i32 to index
    %swap3A_745 = arith.constant 64 : index
    %swap3A_746 = tpu.vector_load %arg8[%swap3A_744, %swap3A_745] {strides = array<i32>} : memref<32x128xf32, #tpu.memory_space<vmem>>, vector<1x16xf32>,
    %swap3A_747 = vector.shape_cast %swap3A_746 : vector<1x16xf32> to vector<16xf32>
    %swap3A_748 = vector.shape_cast %broadcast_in_dim3A_742 : vector<16xf32> to vector<1x16xf32>
    tpu.vector_store %arg8[%swap3A_744, %swap3A_745], %swap3A_748 {strides = array<i32>} : memref<32x128xf32, #tpu.memory_space<vmem>>, vector<1x16xf32>,
    %broadcast_in_dim3A_749 = arith.constant 0.000000e+00 : f32
    %broadcast_in_dim3A_750 = vector.broadcast %broadcast_in_dim3A_749 : f32 to vector<16xf32>
    %swap3A_751 = arith.constant 11 : i32
    %swap3A_752 = arith.index_cast %swap3A_751 : i32 to index
    %swap3A_753 = arith.constant 80 : index
    %swap3A_754 = tpu.vector_load %arg8[%swap3A_752, %swap3A_753] {strides = array<i32>} : memref<32x128xf32, #tpu.memory_space<vmem>>, vector<1x16xf32>,
    %swap3A_755 = vector.shape_cast %swap3A_754 : vector<1x16xf32> to vector<16xf32>
    %swap3A_756 = vector.shape_cast %broadcast_in_dim3A_750 : vector<16xf32> to vector<1x16xf32>
    tpu.vector_store %arg8[%swap3A_752, %swap3A_753], %swap3A_756 {strides = array<i32>} : memref<32x128xf32, #tpu.memory_space<vmem>>, vector<1x16xf32>,
    %broadcast_in_dim3A_757 = arith.constant 0.000000e+00 : f32
    %broadcast_in_dim3A_758 = vector.broadcast %broadcast_in_dim3A_757 : f32 to vector<16xf32>
    %swap3A_759 = arith.constant 11 : i32
    %swap3A_760 = arith.index_cast %swap3A_759 : i32 to index
    %swap3A_761 = arith.constant 96 : index
    %swap3A_762 = tpu.vector_load %arg8[%swap3A_760, %swap3A_761] {strides = array<i32>} : memref<32x128xf32, #tpu.memory_space<vmem>>, vector<1x16xf32>,
    %swap3A_763 = vector.shape_cast %swap3A_762 : vector<1x16xf32> to vector<16xf32>
    %swap3A_764 = vector.shape_cast %broadcast_in_dim3A_758 : vector<16xf32> to vector<1x16xf32>
    tpu.vector_store %arg8[%swap3A_760, %swap3A_761], %swap3A_764 {strides = array<i32>} : memref<32x128xf32, #tpu.memory_space<vmem>>, vector<1x16xf32>,
    %broadcast_in_dim3A_765 = arith.constant 0.000000e+00 : f32
    %broadcast_in_dim3A_766 = vector.broadcast %broadcast_in_dim3A_765 : f32 to vector<16xf32>
    %swap3A_767 = arith.constant 11 : i32
    %swap3A_768 = arith.index_cast %swap3A_767 : i32 to index
    %swap3A_769 = arith.constant 112 : index
    %swap3A_770 = tpu.vector_load %arg8[%swap3A_768, %swap3A_769] {strides = array<i32>} : memref<32x128xf32, #tpu.memory_space<vmem>>, vector<1x16xf32>,
    %swap3A_771 = vector.shape_cast %swap3A_770 : vector<1x16xf32> to vector<16xf32>
    %swap3A_772 = vector.shape_cast %broadcast_in_dim3A_766 : vector<16xf32> to vector<1x16xf32>
    tpu.vector_store %arg8[%swap3A_768, %swap3A_769], %swap3A_772 {strides = array<i32>} : memref<32x128xf32, #tpu.memory_space<vmem>>, vector<1x16xf32>,
    %broadcast_in_dim3A_773 = arith.constant 0.000000e+00 : f32
    %broadcast_in_dim3A_774 = vector.broadcast %broadcast_in_dim3A_773 : f32 to vector<16xf32>
    %swap3A_775 = arith.constant 12 : i32
    %swap3A_776 = arith.index_cast %swap3A_775 : i32 to index
    %swap3A_777 = arith.constant 0 : index
    %swap3A_778 = tpu.vector_load %arg8[%swap3A_776, %swap3A_777] {strides = array<i32>} : memref<32x128xf32, #tpu.memory_space<vmem>>, vector<1x16xf32>,
    %swap3A_779 = vector.shape_cast %swap3A_778 : vector<1x16xf32> to vector<16xf32>
    %swap3A_780 = vector.shape_cast %broadcast_in_dim3A_774 : vector<16xf32> to vector<1x16xf32>
    tpu.vector_store %arg8[%swap3A_776, %swap3A_777], %swap3A_780 {strides = array<i32>} : memref<32x128xf32, #tpu.memory_space<vmem>>, vector<1x16xf32>,
    %broadcast_in_dim3A_781 = arith.constant 0.000000e+00 : f32
    %broadcast_in_dim3A_782 = vector.broadcast %broadcast_in_dim3A_781 : f32 to vector<16xf32>
    %swap3A_783 = arith.constant 12 : i32
    %swap3A_784 = arith.index_cast %swap3A_783 : i32 to index
    %swap3A_785 = arith.constant 16 : index
    %swap3A_786 = tpu.vector_load %arg8[%swap3A_784, %swap3A_785] {strides = array<i32>} : memref<32x128xf32, #tpu.memory_space<vmem>>, vector<1x16xf32>,
    %swap3A_787 = vector.shape_cast %swap3A_786 : vector<1x16xf32> to vector<16xf32>
    %swap3A_788 = vector.shape_cast %broadcast_in_dim3A_782 : vector<16xf32> to vector<1x16xf32>
    tpu.vector_store %arg8[%swap3A_784, %swap3A_785], %swap3A_788 {strides = array<i32>} : memref<32x128xf32, #tpu.memory_space<vmem>>, vector<1x16xf32>,
    %broadcast_in_dim3A_789 = arith.constant 0.000000e+00 : f32
    %broadcast_in_dim3A_790 = vector.broadcast %broadcast_in_dim3A_789 : f32 to vector<16xf32>
    %swap3A_791 = arith.constant 12 : i32
    %swap3A_792 = arith.index_cast %swap3A_791 : i32 to index
    %swap3A_793 = arith.constant 32 : index
    %swap3A_794 = tpu.vector_load %arg8[%swap3A_792, %swap3A_793] {strides = array<i32>} : memref<32x128xf32, #tpu.memory_space<vmem>>, vector<1x16xf32>,
    %swap3A_795 = vector.shape_cast %swap3A_794 : vector<1x16xf32> to vector<16xf32>
    %swap3A_796 = vector.shape_cast %broadcast_in_dim3A_790 : vector<16xf32> to vector<1x16xf32>
    tpu.vector_store %arg8[%swap3A_792, %swap3A_793], %swap3A_796 {strides = array<i32>} : memref<32x128xf32, #tpu.memory_space<vmem>>, vector<1x16xf32>,
    %broadcast_in_dim3A_797 = arith.constant 0.000000e+00 : f32
    %broadcast_in_dim3A_798 = vector.broadcast %broadcast_in_dim3A_797 : f32 to vector<16xf32>
    %swap3A_799 = arith.constant 12 : i32
    %swap3A_800 = arith.index_cast %swap3A_799 : i32 to index
    %swap3A_801 = arith.constant 48 : index
    %swap3A_802 = tpu.vector_load %arg8[%swap3A_800, %swap3A_801] {strides = array<i32>} : memref<32x128xf32, #tpu.memory_space<vmem>>, vector<1x16xf32>,
    %swap3A_803 = vector.shape_cast %swap3A_802 : vector<1x16xf32> to vector<16xf32>
    %swap3A_804 = vector.shape_cast %broadcast_in_dim3A_798 : vector<16xf32> to vector<1x16xf32>
    tpu.vector_store %arg8[%swap3A_800, %swap3A_801], %swap3A_804 {strides = array<i32>} : memref<32x128xf32, #tpu.memory_space<vmem>>, vector<1x16xf32>,
    %broadcast_in_dim3A_805 = arith.constant 0.000000e+00 : f32
    %broadcast_in_dim3A_806 = vector.broadcast %broadcast_in_dim3A_805 : f32 to vector<16xf32>
    %swap3A_807 = arith.constant 12 : i32
    %swap3A_808 = arith.index_cast %swap3A_807 : i32 to index
    %swap3A_809 = arith.constant 64 : index
    %swap3A_810 = tpu.vector_load %arg8[%swap3A_808, %swap3A_809] {strides = array<i32>} : memref<32x128xf32, #tpu.memory_space<vmem>>, vector<1x16xf32>,
    %swap3A_811 = vector.shape_cast %swap3A_810 : vector<1x16xf32> to vector<16xf32>
    %swap3A_812 = vector.shape_cast %broadcast_in_dim3A_806 : vector<16xf32> to vector<1x16xf32>
    tpu.vector_store %arg8[%swap3A_808, %swap3A_809], %swap3A_812 {strides = array<i32>} : memref<32x128xf32, #tpu.memory_space<vmem>>, vector<1x16xf32>,
    %broadcast_in_dim3A_813 = arith.constant 0.000000e+00 : f32
    %broadcast_in_dim3A_814 = vector.broadcast %broadcast_in_dim3A_813 : f32 to vector<16xf32>
    %swap3A_815 = arith.constant 12 : i32
    %swap3A_816 = arith.index_cast %swap3A_815 : i32 to index
    %swap3A_817 = arith.constant 80 : index
    %swap3A_818 = tpu.vector_load %arg8[%swap3A_816, %swap3A_817] {strides = array<i32>} : memref<32x128xf32, #tpu.memory_space<vmem>>, vector<1x16xf32>,
    %swap3A_819 = vector.shape_cast %swap3A_818 : vector<1x16xf32> to vector<16xf32>
    %swap3A_820 = vector.shape_cast %broadcast_in_dim3A_814 : vector<16xf32> to vector<1x16xf32>
    tpu.vector_store %arg8[%swap3A_816, %swap3A_817], %swap3A_820 {strides = array<i32>} : memref<32x128xf32, #tpu.memory_space<vmem>>, vector<1x16xf32>,
    %broadcast_in_dim3A_821 = arith.constant 0.000000e+00 : f32
    %broadcast_in_dim3A_822 = vector.broadcast %broadcast_in_dim3A_821 : f32 to vector<16xf32>
    %swap3A_823 = arith.constant 12 : i32
    %swap3A_824 = arith.index_cast %swap3A_823 : i32 to index
    %swap3A_825 = arith.constant 96 : index
    %swap3A_826 = tpu.vector_load %arg8[%swap3A_824, %swap3A_825] {strides = array<i32>} : memref<32x128xf32, #tpu.memory_space<vmem>>, vector<1x16xf32>,
    %swap3A_827 = vector.shape_cast %swap3A_826 : vector<1x16xf32> to vector<16xf32>
    %swap3A_828 = vector.shape_cast %broadcast_in_dim3A_822 : vector<16xf32> to vector<1x16xf32>
    tpu.vector_store %arg8[%swap3A_824, %swap3A_825], %swap3A_828 {strides = array<i32>} : memref<32x128xf32, #tpu.memory_space<vmem>>, vector<1x16xf32>,
    %broadcast_in_dim3A_829 = arith.constant 0.000000e+00 : f32
    %broadcast_in_dim3A_830 = vector.broadcast %broadcast_in_dim3A_829 : f32 to vector<16xf32>
    %swap3A_831 = arith.constant 12 : i32
    %swap3A_832 = arith.index_cast %swap3A_831 : i32 to index
    %swap3A_833 = arith.constant 112 : index
    %swap3A_834 = tpu.vector_load %arg8[%swap3A_832, %swap3A_833] {strides = array<i32>} : memref<32x128xf32, #tpu.memory_space<vmem>>, vector<1x16xf32>,
    %swap3A_835 = vector.shape_cast %swap3A_834 : vector<1x16xf32> to vector<16xf32>
    %swap3A_836 = vector.shape_cast %broadcast_in_dim3A_830 : vector<16xf32> to vector<1x16xf32>
    tpu.vector_store %arg8[%swap3A_832, %swap3A_833], %swap3A_836 {strides = array<i32>} : memref<32x128xf32, #tpu.memory_space<vmem>>, vector<1x16xf32>,
    %broadcast_in_dim3A_837 = arith.constant 0.000000e+00 : f32
    %broadcast_in_dim3A_838 = vector.broadcast %broadcast_in_dim3A_837 : f32 to vector<16xf32>
    %swap3A_839 = arith.constant 13 : i32
    %swap3A_840 = arith.index_cast %swap3A_839 : i32 to index
    %swap3A_841 = arith.constant 0 : index
    %swap3A_842 = tpu.vector_load %arg8[%swap3A_840, %swap3A_841] {strides = array<i32>} : memref<32x128xf32, #tpu.memory_space<vmem>>, vector<1x16xf32>,
    %swap3A_843 = vector.shape_cast %swap3A_842 : vector<1x16xf32> to vector<16xf32>
    %swap3A_844 = vector.shape_cast %broadcast_in_dim3A_838 : vector<16xf32> to vector<1x16xf32>
    tpu.vector_store %arg8[%swap3A_840, %swap3A_841], %swap3A_844 {strides = array<i32>} : memref<32x128xf32, #tpu.memory_space<vmem>>, vector<1x16xf32>,
    %broadcast_in_dim3A_845 = arith.constant 0.000000e+00 : f32
    %broadcast_in_dim3A_846 = vector.broadcast %broadcast_in_dim3A_845 : f32 to vector<16xf32>
    %swap3A_847 = arith.constant 13 : i32
    %swap3A_848 = arith.index_cast %swap3A_847 : i32 to index
    %swap3A_849 = arith.constant 16 : index
    %swap3A_850 = tpu.vector_load %arg8[%swap3A_848, %swap3A_849] {strides = array<i32>} : memref<32x128xf32, #tpu.memory_space<vmem>>, vector<1x16xf32>,
    %swap3A_851 = vector.shape_cast %swap3A_850 : vector<1x16xf32> to vector<16xf32>
    %swap3A_852 = vector.shape_cast %broadcast_in_dim3A_846 : vector<16xf32> to vector<1x16xf32>
    tpu.vector_store %arg8[%swap3A_848, %swap3A_849], %swap3A_852 {strides = array<i32>} : memref<32x128xf32, #tpu.memory_space<vmem>>, vector<1x16xf32>,
    %broadcast_in_dim3A_853 = arith.constant 0.000000e+00 : f32
    %broadcast_in_dim3A_854 = vector.broadcast %broadcast_in_dim3A_853 : f32 to vector<16xf32>
    %swap3A_855 = arith.constant 13 : i32
    %swap3A_856 = arith.index_cast %swap3A_855 : i32 to index
    %swap3A_857 = arith.constant 32 : index
    %swap3A_858 = tpu.vector_load %arg8[%swap3A_856, %swap3A_857] {strides = array<i32>} : memref<32x128xf32, #tpu.memory_space<vmem>>, vector<1x16xf32>,
    %swap3A_859 = vector.shape_cast %swap3A_858 : vector<1x16xf32> to vector<16xf32>
    %swap3A_860 = vector.shape_cast %broadcast_in_dim3A_854 : vector<16xf32> to vector<1x16xf32>
    tpu.vector_store %arg8[%swap3A_856, %swap3A_857], %swap3A_860 {strides = array<i32>} : memref<32x128xf32, #tpu.memory_space<vmem>>, vector<1x16xf32>,
    %broadcast_in_dim3A_861 = arith.constant 0.000000e+00 : f32
    %broadcast_in_dim3A_862 = vector.broadcast %broadcast_in_dim3A_861 : f32 to vector<16xf32>
    %swap3A_863 = arith.constant 13 : i32
    %swap3A_864 = arith.index_cast %swap3A_863 : i32 to index
    %swap3A_865 = arith.constant 48 : index
    %swap3A_866 = tpu.vector_load %arg8[%swap3A_864, %swap3A_865] {strides = array<i32>} : memref<32x128xf32, #tpu.memory_space<vmem>>, vector<1x16xf32>,
    %swap3A_867 = vector.shape_cast %swap3A_866 : vector<1x16xf32> to vector<16xf32>
    %swap3A_868 = vector.shape_cast %broadcast_in_dim3A_862 : vector<16xf32> to vector<1x16xf32>
    tpu.vector_store %arg8[%swap3A_864, %swap3A_865], %swap3A_868 {strides = array<i32>} : memref<32x128xf32, #tpu.memory_space<vmem>>, vector<1x16xf32>,
    %broadcast_in_dim3A_869 = arith.constant 0.000000e+00 : f32
    %broadcast_in_dim3A_870 = vector.broadcast %broadcast_in_dim3A_869 : f32 to vector<16xf32>
    %swap3A_871 = arith.constant 13 : i32
    %swap3A_872 = arith.index_cast %swap3A_871 : i32 to index
    %swap3A_873 = arith.constant 64 : index
    %swap3A_874 = tpu.vector_load %arg8[%swap3A_872, %swap3A_873] {strides = array<i32>} : memref<32x128xf32, #tpu.memory_space<vmem>>, vector<1x16xf32>,
    %swap3A_875 = vector.shape_cast %swap3A_874 : vector<1x16xf32> to vector<16xf32>
    %swap3A_876 = vector.shape_cast %broadcast_in_dim3A_870 : vector<16xf32> to vector<1x16xf32>
    tpu.vector_store %arg8[%swap3A_872, %swap3A_873], %swap3A_876 {strides = array<i32>} : memref<32x128xf32, #tpu.memory_space<vmem>>, vector<1x16xf32>,
    %broadcast_in_dim3A_877 = arith.constant 0.000000e+00 : f32
    %broadcast_in_dim3A_878 = vector.broadcast %broadcast_in_dim3A_877 : f32 to vector<16xf32>
    %swap3A_879 = arith.constant 13 : i32
    %swap3A_880 = arith.index_cast %swap3A_879 : i32 to index
    %swap3A_881 = arith.constant 80 : index
    %swap3A_882 = tpu.vector_load %arg8[%swap3A_880, %swap3A_881] {strides = array<i32>} : memref<32x128xf32, #tpu.memory_space<vmem>>, vector<1x16xf32>,
    %swap3A_883 = vector.shape_cast %swap3A_882 : vector<1x16xf32> to vector<16xf32>
    %swap3A_884 = vector.shape_cast %broadcast_in_dim3A_878 : vector<16xf32> to vector<1x16xf32>
    tpu.vector_store %arg8[%swap3A_880, %swap3A_881], %swap3A_884 {strides = array<i32>} : memref<32x128xf32, #tpu.memory_space<vmem>>, vector<1x16xf32>,
    %broadcast_in_dim3A_885 = arith.constant 0.000000e+00 : f32
    %broadcast_in_dim3A_886 = vector.broadcast %broadcast_in_dim3A_885 : f32 to vector<16xf32>
    %swap3A_887 = arith.constant 13 : i32
    %swap3A_888 = arith.index_cast %swap3A_887 : i32 to index
    %swap3A_889 = arith.constant 96 : index
    %swap3A_890 = tpu.vector_load %arg8[%swap3A_888, %swap3A_889] {strides = array<i32>} : memref<32x128xf32, #tpu.memory_space<vmem>>, vector<1x16xf32>,
    %swap3A_891 = vector.shape_cast %swap3A_890 : vector<1x16xf32> to vector<16xf32>
    %swap3A_892 = vector.shape_cast %broadcast_in_dim3A_886 : vector<16xf32> to vector<1x16xf32>
    tpu.vector_store %arg8[%swap3A_888, %swap3A_889], %swap3A_892 {strides = array<i32>} : memref<32x128xf32, #tpu.memory_space<vmem>>, vector<1x16xf32>,
    %broadcast_in_dim3A_893 = arith.constant 0.000000e+00 : f32
    %broadcast_in_dim3A_894 = vector.broadcast %broadcast_in_dim3A_893 : f32 to vector<16xf32>
    %swap3A_895 = arith.constant 13 : i32
    %swap3A_896 = arith.index_cast %swap3A_895 : i32 to index
    %swap3A_897 = arith.constant 112 : index
    %swap3A_898 = tpu.vector_load %arg8[%swap3A_896, %swap3A_897] {strides = array<i32>} : memref<32x128xf32, #tpu.memory_space<vmem>>, vector<1x16xf32>,
    %swap3A_899 = vector.shape_cast %swap3A_898 : vector<1x16xf32> to vector<16xf32>
    %swap3A_900 = vector.shape_cast %broadcast_in_dim3A_894 : vector<16xf32> to vector<1x16xf32>
    tpu.vector_store %arg8[%swap3A_896, %swap3A_897], %swap3A_900 {strides = array<i32>} : memref<32x128xf32, #tpu.memory_space<vmem>>, vector<1x16xf32>,
    %broadcast_in_dim3A_901 = arith.constant 0.000000e+00 : f32
    %broadcast_in_dim3A_902 = vector.broadcast %broadcast_in_dim3A_901 : f32 to vector<16xf32>
    %swap3A_903 = arith.constant 14 : i32
    %swap3A_904 = arith.index_cast %swap3A_903 : i32 to index
    %swap3A_905 = arith.constant 0 : index
    %swap3A_906 = tpu.vector_load %arg8[%swap3A_904, %swap3A_905] {strides = array<i32>} : memref<32x128xf32, #tpu.memory_space<vmem>>, vector<1x16xf32>,
    %swap3A_907 = vector.shape_cast %swap3A_906 : vector<1x16xf32> to vector<16xf32>
    %swap3A_908 = vector.shape_cast %broadcast_in_dim3A_902 : vector<16xf32> to vector<1x16xf32>
    tpu.vector_store %arg8[%swap3A_904, %swap3A_905], %swap3A_908 {strides = array<i32>} : memref<32x128xf32, #tpu.memory_space<vmem>>, vector<1x16xf32>,
    %broadcast_in_dim3A_909 = arith.constant 0.000000e+00 : f32
    %broadcast_in_dim3A_910 = vector.broadcast %broadcast_in_dim3A_909 : f32 to vector<16xf32>
    %swap3A_911 = arith.constant 14 : i32
    %swap3A_912 = arith.index_cast %swap3A_911 : i32 to index
    %swap3A_913 = arith.constant 16 : index
    %swap3A_914 = tpu.vector_load %arg8[%swap3A_912, %swap3A_913] {strides = array<i32>} : memref<32x128xf32, #tpu.memory_space<vmem>>, vector<1x16xf32>,
    %swap3A_915 = vector.shape_cast %swap3A_914 : vector<1x16xf32> to vector<16xf32>
    %swap3A_916 = vector.shape_cast %broadcast_in_dim3A_910 : vector<16xf32> to vector<1x16xf32>
    tpu.vector_store %arg8[%swap3A_912, %swap3A_913], %swap3A_916 {strides = array<i32>} : memref<32x128xf32, #tpu.memory_space<vmem>>, vector<1x16xf32>,
    %broadcast_in_dim3A_917 = arith.constant 0.000000e+00 : f32
    %broadcast_in_dim3A_918 = vector.broadcast %broadcast_in_dim3A_917 : f32 to vector<16xf32>
    %swap3A_919 = arith.constant 14 : i32
    %swap3A_920 = arith.index_cast %swap3A_919 : i32 to index
    %swap3A_921 = arith.constant 32 : index
    %swap3A_922 = tpu.vector_load %arg8[%swap3A_920, %swap3A_921] {strides = array<i32>} : memref<32x128xf32, #tpu.memory_space<vmem>>, vector<1x16xf32>,
    %swap3A_923 = vector.shape_cast %swap3A_922 : vector<1x16xf32> to vector<16xf32>
    %swap3A_924 = vector.shape_cast %broadcast_in_dim3A_918 : vector<16xf32> to vector<1x16xf32>
    tpu.vector_store %arg8[%swap3A_920, %swap3A_921], %swap3A_924 {strides = array<i32>} : memref<32x128xf32, #tpu.memory_space<vmem>>, vector<1x16xf32>,
    %broadcast_in_dim3A_925 = arith.constant 0.000000e+00 : f32
    %broadcast_in_dim3A_926 = vector.broadcast %broadcast_in_dim3A_925 : f32 to vector<16xf32>
    %swap3A_927 = arith.constant 14 : i32
    %swap3A_928 = arith.index_cast %swap3A_927 : i32 to index
    %swap3A_929 = arith.constant 48 : index
    %swap3A_930 = tpu.vector_load %arg8[%swap3A_928, %swap3A_929] {strides = array<i32>} : memref<32x128xf32, #tpu.memory_space<vmem>>, vector<1x16xf32>,
    %swap3A_931 = vector.shape_cast %swap3A_930 : vector<1x16xf32> to vector<16xf32>
    %swap3A_932 = vector.shape_cast %broadcast_in_dim3A_926 : vector<16xf32> to vector<1x16xf32>
    tpu.vector_store %arg8[%swap3A_928, %swap3A_929], %swap3A_932 {strides = array<i32>} : memref<32x128xf32, #tpu.memory_space<vmem>>, vector<1x16xf32>,
    %broadcast_in_dim3A_933 = arith.constant 0.000000e+00 : f32
    %broadcast_in_dim3A_934 = vector.broadcast %broadcast_in_dim3A_933 : f32 to vector<16xf32>
    %swap3A_935 = arith.constant 14 : i32
    %swap3A_936 = arith.index_cast %swap3A_935 : i32 to index
    %swap3A_937 = arith.constant 64 : index
    %swap3A_938 = tpu.vector_load %arg8[%swap3A_936, %swap3A_937] {strides = array<i32>} : memref<32x128xf32, #tpu.memory_space<vmem>>, vector<1x16xf32>,
    %swap3A_939 = vector.shape_cast %swap3A_938 : vector<1x16xf32> to vector<16xf32>
    %swap3A_940 = vector.shape_cast %broadcast_in_dim3A_934 : vector<16xf32> to vector<1x16xf32>
    tpu.vector_store %arg8[%swap3A_936, %swap3A_937], %swap3A_940 {strides = array<i32>} : memref<32x128xf32, #tpu.memory_space<vmem>>, vector<1x16xf32>,
    %broadcast_in_dim3A_941 = arith.constant 0.000000e+00 : f32
    %broadcast_in_dim3A_942 = vector.broadcast %broadcast_in_dim3A_941 : f32 to vector<16xf32>
    %swap3A_943 = arith.constant 14 : i32
    %swap3A_944 = arith.index_cast %swap3A_943 : i32 to index
    %swap3A_945 = arith.constant 80 : index
    %swap3A_946 = tpu.vector_load %arg8[%swap3A_944, %swap3A_945] {strides = array<i32>} : memref<32x128xf32, #tpu.memory_space<vmem>>, vector<1x16xf32>,
    %swap3A_947 = vector.shape_cast %swap3A_946 : vector<1x16xf32> to vector<16xf32>
    %swap3A_948 = vector.shape_cast %broadcast_in_dim3A_942 : vector<16xf32> to vector<1x16xf32>
    tpu.vector_store %arg8[%swap3A_944, %swap3A_945], %swap3A_948 {strides = array<i32>} : memref<32x128xf32, #tpu.memory_space<vmem>>, vector<1x16xf32>,
    %broadcast_in_dim3A_949 = arith.constant 0.000000e+00 : f32
    %broadcast_in_dim3A_950 = vector.broadcast %broadcast_in_dim3A_949 : f32 to vector<16xf32>
    %swap3A_951 = arith.constant 14 : i32
    %swap3A_952 = arith.index_cast %swap3A_951 : i32 to index
    %swap3A_953 = arith.constant 96 : index
    %swap3A_954 = tpu.vector_load %arg8[%swap3A_952, %swap3A_953] {strides = array<i32>} : memref<32x128xf32, #tpu.memory_space<vmem>>, vector<1x16xf32>,
    %swap3A_955 = vector.shape_cast %swap3A_954 : vector<1x16xf32> to vector<16xf32>
    %swap3A_956 = vector.shape_cast %broadcast_in_dim3A_950 : vector<16xf32> to vector<1x16xf32>
    tpu.vector_store %arg8[%swap3A_952, %swap3A_953], %swap3A_956 {strides = array<i32>} : memref<32x128xf32, #tpu.memory_space<vmem>>, vector<1x16xf32>,
    %broadcast_in_dim3A_957 = arith.constant 0.000000e+00 : f32
    %broadcast_in_dim3A_958 = vector.broadcast %broadcast_in_dim3A_957 : f32 to vector<16xf32>
    %swap3A_959 = arith.constant 14 : i32
    %swap3A_960 = arith.index_cast %swap3A_959 : i32 to index
    %swap3A_961 = arith.constant 112 : index
    %swap3A_962 = tpu.vector_load %arg8[%swap3A_960, %swap3A_961] {strides = array<i32>} : memref<32x128xf32, #tpu.memory_space<vmem>>, vector<1x16xf32>,
    %swap3A_963 = vector.shape_cast %swap3A_962 : vector<1x16xf32> to vector<16xf32>
    %swap3A_964 = vector.shape_cast %broadcast_in_dim3A_958 : vector<16xf32> to vector<1x16xf32>
    tpu.vector_store %arg8[%swap3A_960, %swap3A_961], %swap3A_964 {strides = array<i32>} : memref<32x128xf32, #tpu.memory_space<vmem>>, vector<1x16xf32>,
    %broadcast_in_dim3A_965 = arith.constant 0.000000e+00 : f32
    %broadcast_in_dim3A_966 = vector.broadcast %broadcast_in_dim3A_965 : f32 to vector<16xf32>
    %swap3A_967 = arith.constant 15 : i32
    %swap3A_968 = arith.index_cast %swap3A_967 : i32 to index
    %swap3A_969 = arith.constant 0 : index
    %swap3A_970 = tpu.vector_load %arg8[%swap3A_968, %swap3A_969] {strides = array<i32>} : memref<32x128xf32, #tpu.memory_space<vmem>>, vector<1x16xf32>,
    %swap3A_971 = vector.shape_cast %swap3A_970 : vector<1x16xf32> to vector<16xf32>
    %swap3A_972 = vector.shape_cast %broadcast_in_dim3A_966 : vector<16xf32> to vector<1x16xf32>
    tpu.vector_store %arg8[%swap3A_968, %swap3A_969], %swap3A_972 {strides = array<i32>} : memref<32x128xf32, #tpu.memory_space<vmem>>, vector<1x16xf32>,
    %broadcast_in_dim3A_973 = arith.constant 0.000000e+00 : f32
    %broadcast_in_dim3A_974 = vector.broadcast %broadcast_in_dim3A_973 : f32 to vector<16xf32>
    %swap3A_975 = arith.constant 15 : i32
    %swap3A_976 = arith.index_cast %swap3A_975 : i32 to index
    %swap3A_977 = arith.constant 16 : index
    %swap3A_978 = tpu.vector_load %arg8[%swap3A_976, %swap3A_977] {strides = array<i32>} : memref<32x128xf32, #tpu.memory_space<vmem>>, vector<1x16xf32>,
    %swap3A_979 = vector.shape_cast %swap3A_978 : vector<1x16xf32> to vector<16xf32>
    %swap3A_980 = vector.shape_cast %broadcast_in_dim3A_974 : vector<16xf32> to vector<1x16xf32>
    tpu.vector_store %arg8[%swap3A_976, %swap3A_977], %swap3A_980 {strides = array<i32>} : memref<32x128xf32, #tpu.memory_space<vmem>>, vector<1x16xf32>,
    %broadcast_in_dim3A_981 = arith.constant 0.000000e+00 : f32
    %broadcast_in_dim3A_982 = vector.broadcast %broadcast_in_dim3A_981 : f32 to vector<16xf32>
    %swap3A_983 = arith.constant 15 : i32
    %swap3A_984 = arith.index_cast %swap3A_983 : i32 to index
    %swap3A_985 = arith.constant 32 : index
    %swap3A_986 = tpu.vector_load %arg8[%swap3A_984, %swap3A_985] {strides = array<i32>} : memref<32x128xf32, #tpu.memory_space<vmem>>, vector<1x16xf32>,
    %swap3A_987 = vector.shape_cast %swap3A_986 : vector<1x16xf32> to vector<16xf32>
    %swap3A_988 = vector.shape_cast %broadcast_in_dim3A_982 : vector<16xf32> to vector<1x16xf32>
    tpu.vector_store %arg8[%swap3A_984, %swap3A_985], %swap3A_988 {strides = array<i32>} : memref<32x128xf32, #tpu.memory_space<vmem>>, vector<1x16xf32>,
    %broadcast_in_dim3A_989 = arith.constant 0.000000e+00 : f32
    %broadcast_in_dim3A_990 = vector.broadcast %broadcast_in_dim3A_989 : f32 to vector<16xf32>
    %swap3A_991 = arith.constant 15 : i32
    %swap3A_992 = arith.index_cast %swap3A_991 : i32 to index
    %swap3A_993 = arith.constant 48 : index
    %swap3A_994 = tpu.vector_load %arg8[%swap3A_992, %swap3A_993] {strides = array<i32>} : memref<32x128xf32, #tpu.memory_space<vmem>>, vector<1x16xf32>,
    %swap3A_995 = vector.shape_cast %swap3A_994 : vector<1x16xf32> to vector<16xf32>
    %swap3A_996 = vector.shape_cast %broadcast_in_dim3A_990 : vector<16xf32> to vector<1x16xf32>
    tpu.vector_store %arg8[%swap3A_992, %swap3A_993], %swap3A_996 {strides = array<i32>} : memref<32x128xf32, #tpu.memory_space<vmem>>, vector<1x16xf32>,
    %broadcast_in_dim3A_997 = arith.constant 0.000000e+00 : f32
    %broadcast_in_dim3A_998 = vector.broadcast %broadcast_in_dim3A_997 : f32 to vector<16xf32>
    %swap3A_999 = arith.constant 15 : i32
    %swap3A_1000 = arith.index_cast %swap3A_999 : i32 to index
    %swap3A_1001 = arith.constant 64 : index
    %swap3A_1002 = tpu.vector_load %arg8[%swap3A_1000, %swap3A_1001] {strides = array<i32>} : memref<32x128xf32, #tpu.memory_space<vmem>>, vector<1x16xf32>,
    %swap3A_1003 = vector.shape_cast %swap3A_1002 : vector<1x16xf32> to vector<16xf32>
    %swap3A_1004 = vector.shape_cast %broadcast_in_dim3A_998 : vector<16xf32> to vector<1x16xf32>
    tpu.vector_store %arg8[%swap3A_1000, %swap3A_1001], %swap3A_1004 {strides = array<i32>} : memref<32x128xf32, #tpu.memory_space<vmem>>, vector<1x16xf32>,
    %broadcast_in_dim3A_1005 = arith.constant 0.000000e+00 : f32
    %broadcast_in_dim3A_1006 = vector.broadcast %broadcast_in_dim3A_1005 : f32 to vector<16xf32>
    %swap3A_1007 = arith.constant 15 : i32
    %swap3A_1008 = arith.index_cast %swap3A_1007 : i32 to index
    %swap3A_1009 = arith.constant 80 : index
    %swap3A_1010 = tpu.vector_load %arg8[%swap3A_1008, %swap3A_1009] {strides = array<i32>} : memref<32x128xf32, #tpu.memory_space<vmem>>, vector<1x16xf32>,
    %swap3A_1011 = vector.shape_cast %swap3A_1010 : vector<1x16xf32> to vector<16xf32>
    %swap3A_1012 = vector.shape_cast %broadcast_in_dim3A_1006 : vector<16xf32> to vector<1x16xf32>
    tpu.vector_store %arg8[%swap3A_1008, %swap3A_1009], %swap3A_1012 {strides = array<i32>} : memref<32x128xf32, #tpu.memory_space<vmem>>, vector<1x16xf32>,
    %broadcast_in_dim3A_1013 = arith.constant 0.000000e+00 : f32
    %broadcast_in_dim3A_1014 = vector.broadcast %broadcast_in_dim3A_1013 : f32 to vector<16xf32>
    %swap3A_1015 = arith.constant 15 : i32
    %swap3A_1016 = arith.index_cast %swap3A_1015 : i32 to index
    %swap3A_1017 = arith.constant 96 : index
    %swap3A_1018 = tpu.vector_load %arg8[%swap3A_1016, %swap3A_1017] {strides = array<i32>} : memref<32x128xf32, #tpu.memory_space<vmem>>, vector<1x16xf32>,
    %swap3A_1019 = vector.shape_cast %swap3A_1018 : vector<1x16xf32> to vector<16xf32>
    %swap3A_1020 = vector.shape_cast %broadcast_in_dim3A_1014 : vector<16xf32> to vector<1x16xf32>
    tpu.vector_store %arg8[%swap3A_1016, %swap3A_1017], %swap3A_1020 {strides = array<i32>} : memref<32x128xf32, #tpu.memory_space<vmem>>, vector<1x16xf32>,
    %broadcast_in_dim3A_1021 = arith.constant 0.000000e+00 : f32
    %broadcast_in_dim3A_1022 = vector.broadcast %broadcast_in_dim3A_1021 : f32 to vector<16xf32>
    %swap3A_1023 = arith.constant 15 : i32
    %swap3A_1024 = arith.index_cast %swap3A_1023 : i32 to index
    %swap3A_1025 = arith.constant 112 : index
    %swap3A_1026 = tpu.vector_load %arg8[%swap3A_1024, %swap3A_1025] {strides = array<i32>} : memref<32x128xf32, #tpu.memory_space<vmem>>, vector<1x16xf32>,
    %swap3A_1027 = vector.shape_cast %swap3A_1026 : vector<1x16xf32> to vector<16xf32>
    %swap3A_1028 = vector.shape_cast %broadcast_in_dim3A_1022 : vector<16xf32> to vector<1x16xf32>
    tpu.vector_store %arg8[%swap3A_1024, %swap3A_1025], %swap3A_1028 {strides = array<i32>} : memref<32x128xf32, #tpu.memory_space<vmem>>, vector<1x16xf32>,
    %broadcast_in_dim3A_1029 = arith.constant 0.000000e+00 : f32
    %broadcast_in_dim3A_1030 = vector.broadcast %broadcast_in_dim3A_1029 : f32 to vector<16xf32>
    %swap3A_1031 = arith.constant 16 : i32
    %swap3A_1032 = arith.index_cast %swap3A_1031 : i32 to index
    %swap3A_1033 = arith.constant 0 : index
    %swap3A_1034 = tpu.vector_load %arg8[%swap3A_1032, %swap3A_1033] {strides = array<i32>} : memref<32x128xf32, #tpu.memory_space<vmem>>, vector<1x16xf32>,
    %swap3A_1035 = vector.shape_cast %swap3A_1034 : vector<1x16xf32> to vector<16xf32>
    %swap3A_1036 = vector.shape_cast %broadcast_in_dim3A_1030 : vector<16xf32> to vector<1x16xf32>
    tpu.vector_store %arg8[%swap3A_1032, %swap3A_1033], %swap3A_1036 {strides = array<i32>} : memref<32x128xf32, #tpu.memory_space<vmem>>, vector<1x16xf32>,
    %broadcast_in_dim3A_1037 = arith.constant 0.000000e+00 : f32
    %broadcast_in_dim3A_1038 = vector.broadcast %broadcast_in_dim3A_1037 : f32 to vector<16xf32>
    %swap3A_1039 = arith.constant 16 : i32
    %swap3A_1040 = arith.index_cast %swap3A_1039 : i32 to index
    %swap3A_1041 = arith.constant 16 : index
    %swap3A_1042 = tpu.vector_load %arg8[%swap3A_1040, %swap3A_1041] {strides = array<i32>} : memref<32x128xf32, #tpu.memory_space<vmem>>, vector<1x16xf32>,
    %swap3A_1043 = vector.shape_cast %swap3A_1042 : vector<1x16xf32> to vector<16xf32>
    %swap3A_1044 = vector.shape_cast %broadcast_in_dim3A_1038 : vector<16xf32> to vector<1x16xf32>
    tpu.vector_store %arg8[%swap3A_1040, %swap3A_1041], %swap3A_1044 {strides = array<i32>} : memref<32x128xf32, #tpu.memory_space<vmem>>, vector<1x16xf32>,
    %broadcast_in_dim3A_1045 = arith.constant 0.000000e+00 : f32
    %broadcast_in_dim3A_1046 = vector.broadcast %broadcast_in_dim3A_1045 : f32 to vector<16xf32>
    %swap3A_1047 = arith.constant 16 : i32
    %swap3A_1048 = arith.index_cast %swap3A_1047 : i32 to index
    %swap3A_1049 = arith.constant 32 : index
    %swap3A_1050 = tpu.vector_load %arg8[%swap3A_1048, %swap3A_1049] {strides = array<i32>} : memref<32x128xf32, #tpu.memory_space<vmem>>, vector<1x16xf32>,
    %swap3A_1051 = vector.shape_cast %swap3A_1050 : vector<1x16xf32> to vector<16xf32>
    %swap3A_1052 = vector.shape_cast %broadcast_in_dim3A_1046 : vector<16xf32> to vector<1x16xf32>
    tpu.vector_store %arg8[%swap3A_1048, %swap3A_1049], %swap3A_1052 {strides = array<i32>} : memref<32x128xf32, #tpu.memory_space<vmem>>, vector<1x16xf32>,
    %broadcast_in_dim3A_1053 = arith.constant 0.000000e+00 : f32
    %broadcast_in_dim3A_1054 = vector.broadcast %broadcast_in_dim3A_1053 : f32 to vector<16xf32>
    %swap3A_1055 = arith.constant 16 : i32
    %swap3A_1056 = arith.index_cast %swap3A_1055 : i32 to index
    %swap3A_1057 = arith.constant 48 : index
    %swap3A_1058 = tpu.vector_load %arg8[%swap3A_1056, %swap3A_1057] {strides = array<i32>} : memref<32x128xf32, #tpu.memory_space<vmem>>, vector<1x16xf32>,
    %swap3A_1059 = vector.shape_cast %swap3A_1058 : vector<1x16xf32> to vector<16xf32>
    %swap3A_1060 = vector.shape_cast %broadcast_in_dim3A_1054 : vector<16xf32> to vector<1x16xf32>
    tpu.vector_store %arg8[%swap3A_1056, %swap3A_1057], %swap3A_1060 {strides = array<i32>} : memref<32x128xf32, #tpu.memory_space<vmem>>, vector<1x16xf32>,
    %broadcast_in_dim3A_1061 = arith.constant 0.000000e+00 : f32
    %broadcast_in_dim3A_1062 = vector.broadcast %broadcast_in_dim3A_1061 : f32 to vector<16xf32>
    %swap3A_1063 = arith.constant 16 : i32
    %swap3A_1064 = arith.index_cast %swap3A_1063 : i32 to index
    %swap3A_1065 = arith.constant 64 : index
    %swap3A_1066 = tpu.vector_load %arg8[%swap3A_1064, %swap3A_1065] {strides = array<i32>} : memref<32x128xf32, #tpu.memory_space<vmem>>, vector<1x16xf32>,
    %swap3A_1067 = vector.shape_cast %swap3A_1066 : vector<1x16xf32> to vector<16xf32>
    %swap3A_1068 = vector.shape_cast %broadcast_in_dim3A_1062 : vector<16xf32> to vector<1x16xf32>
    tpu.vector_store %arg8[%swap3A_1064, %swap3A_1065], %swap3A_1068 {strides = array<i32>} : memref<32x128xf32, #tpu.memory_space<vmem>>, vector<1x16xf32>,
    %broadcast_in_dim3A_1069 = arith.constant 0.000000e+00 : f32
    %broadcast_in_dim3A_1070 = vector.broadcast %broadcast_in_dim3A_1069 : f32 to vector<16xf32>
    %swap3A_1071 = arith.constant 16 : i32
    %swap3A_1072 = arith.index_cast %swap3A_1071 : i32 to index
    %swap3A_1073 = arith.constant 80 : index
    %swap3A_1074 = tpu.vector_load %arg8[%swap3A_1072, %swap3A_1073] {strides = array<i32>} : memref<32x128xf32, #tpu.memory_space<vmem>>, vector<1x16xf32>,
    %swap3A_1075 = vector.shape_cast %swap3A_1074 : vector<1x16xf32> to vector<16xf32>
    %swap3A_1076 = vector.shape_cast %broadcast_in_dim3A_1070 : vector<16xf32> to vector<1x16xf32>
    tpu.vector_store %arg8[%swap3A_1072, %swap3A_1073], %swap3A_1076 {strides = array<i32>} : memref<32x128xf32, #tpu.memory_space<vmem>>, vector<1x16xf32>,
    %broadcast_in_dim3A_1077 = arith.constant 0.000000e+00 : f32
    %broadcast_in_dim3A_1078 = vector.broadcast %broadcast_in_dim3A_1077 : f32 to vector<16xf32>
    %swap3A_1079 = arith.constant 16 : i32
    %swap3A_1080 = arith.index_cast %swap3A_1079 : i32 to index
    %swap3A_1081 = arith.constant 96 : index
    %swap3A_1082 = tpu.vector_load %arg8[%swap3A_1080, %swap3A_1081] {strides = array<i32>} : memref<32x128xf32, #tpu.memory_space<vmem>>, vector<1x16xf32>,
    %swap3A_1083 = vector.shape_cast %swap3A_1082 : vector<1x16xf32> to vector<16xf32>
    %swap3A_1084 = vector.shape_cast %broadcast_in_dim3A_1078 : vector<16xf32> to vector<1x16xf32>
    tpu.vector_store %arg8[%swap3A_1080, %swap3A_1081], %swap3A_1084 {strides = array<i32>} : memref<32x128xf32, #tpu.memory_space<vmem>>, vector<1x16xf32>,
    %broadcast_in_dim3A_1085 = arith.constant 0.000000e+00 : f32
    %broadcast_in_dim3A_1086 = vector.broadcast %broadcast_in_dim3A_1085 : f32 to vector<16xf32>
    %swap3A_1087 = arith.constant 16 : i32
    %swap3A_1088 = arith.index_cast %swap3A_1087 : i32 to index
    %swap3A_1089 = arith.constant 112 : index
    %swap3A_1090 = tpu.vector_load %arg8[%swap3A_1088, %swap3A_1089] {strides = array<i32>} : memref<32x128xf32, #tpu.memory_space<vmem>>, vector<1x16xf32>,
    %swap3A_1091 = vector.shape_cast %swap3A_1090 : vector<1x16xf32> to vector<16xf32>
    %swap3A_1092 = vector.shape_cast %broadcast_in_dim3A_1086 : vector<16xf32> to vector<1x16xf32>
    tpu.vector_store %arg8[%swap3A_1088, %swap3A_1089], %swap3A_1092 {strides = array<i32>} : memref<32x128xf32, #tpu.memory_space<vmem>>, vector<1x16xf32>,
    %broadcast_in_dim3A_1093 = arith.constant 0.000000e+00 : f32
    %broadcast_in_dim3A_1094 = vector.broadcast %broadcast_in_dim3A_1093 : f32 to vector<16xf32>
    %swap3A_1095 = arith.constant 17 : i32
    %swap3A_1096 = arith.index_cast %swap3A_1095 : i32 to index
    %swap3A_1097 = arith.constant 0 : index
    %swap3A_1098 = tpu.vector_load %arg8[%swap3A_1096, %swap3A_1097] {strides = array<i32>} : memref<32x128xf32, #tpu.memory_space<vmem>>, vector<1x16xf32>,
    %swap3A_1099 = vector.shape_cast %swap3A_1098 : vector<1x16xf32> to vector<16xf32>
    %swap3A_1100 = vector.shape_cast %broadcast_in_dim3A_1094 : vector<16xf32> to vector<1x16xf32>
    tpu.vector_store %arg8[%swap3A_1096, %swap3A_1097], %swap3A_1100 {strides = array<i32>} : memref<32x128xf32, #tpu.memory_space<vmem>>, vector<1x16xf32>,
    %broadcast_in_dim3A_1101 = arith.constant 0.000000e+00 : f32
    %broadcast_in_dim3A_1102 = vector.broadcast %broadcast_in_dim3A_1101 : f32 to vector<16xf32>
    %swap3A_1103 = arith.constant 17 : i32
    %swap3A_1104 = arith.index_cast %swap3A_1103 : i32 to index
    %swap3A_1105 = arith.constant 16 : index
    %swap3A_1106 = tpu.vector_load %arg8[%swap3A_1104, %swap3A_1105] {strides = array<i32>} : memref<32x128xf32, #tpu.memory_space<vmem>>, vector<1x16xf32>,
    %swap3A_1107 = vector.shape_cast %swap3A_1106 : vector<1x16xf32> to vector<16xf32>
    %swap3A_1108 = vector.shape_cast %broadcast_in_dim3A_1102 : vector<16xf32> to vector<1x16xf32>
    tpu.vector_store %arg8[%swap3A_1104, %swap3A_1105], %swap3A_1108 {strides = array<i32>} : memref<32x128xf32, #tpu.memory_space<vmem>>, vector<1x16xf32>,
    %broadcast_in_dim3A_1109 = arith.constant 0.000000e+00 : f32
    %broadcast_in_dim3A_1110 = vector.broadcast %broadcast_in_dim3A_1109 : f32 to vector<16xf32>
    %swap3A_1111 = arith.constant 17 : i32
    %swap3A_1112 = arith.index_cast %swap3A_1111 : i32 to index
    %swap3A_1113 = arith.constant 32 : index
    %swap3A_1114 = tpu.vector_load %arg8[%swap3A_1112, %swap3A_1113] {strides = array<i32>} : memref<32x128xf32, #tpu.memory_space<vmem>>, vector<1x16xf32>,
    %swap3A_1115 = vector.shape_cast %swap3A_1114 : vector<1x16xf32> to vector<16xf32>
    %swap3A_1116 = vector.shape_cast %broadcast_in_dim3A_1110 : vector<16xf32> to vector<1x16xf32>
    tpu.vector_store %arg8[%swap3A_1112, %swap3A_1113], %swap3A_1116 {strides = array<i32>} : memref<32x128xf32, #tpu.memory_space<vmem>>, vector<1x16xf32>,
    %broadcast_in_dim3A_1117 = arith.constant 0.000000e+00 : f32
    %broadcast_in_dim3A_1118 = vector.broadcast %broadcast_in_dim3A_1117 : f32 to vector<16xf32>
    %swap3A_1119 = arith.constant 17 : i32
    %swap3A_1120 = arith.index_cast %swap3A_1119 : i32 to index
    %swap3A_1121 = arith.constant 48 : index
    %swap3A_1122 = tpu.vector_load %arg8[%swap3A_1120, %swap3A_1121] {strides = array<i32>} : memref<32x128xf32, #tpu.memory_space<vmem>>, vector<1x16xf32>,
    %swap3A_1123 = vector.shape_cast %swap3A_1122 : vector<1x16xf32> to vector<16xf32>
    %swap3A_1124 = vector.shape_cast %broadcast_in_dim3A_1118 : vector<16xf32> to vector<1x16xf32>
    tpu.vector_store %arg8[%swap3A_1120, %swap3A_1121], %swap3A_1124 {strides = array<i32>} : memref<32x128xf32, #tpu.memory_space<vmem>>, vector<1x16xf32>,
    %broadcast_in_dim3A_1125 = arith.constant 0.000000e+00 : f32
    %broadcast_in_dim3A_1126 = vector.broadcast %broadcast_in_dim3A_1125 : f32 to vector<16xf32>
    %swap3A_1127 = arith.constant 17 : i32
    %swap3A_1128 = arith.index_cast %swap3A_1127 : i32 to index
    %swap3A_1129 = arith.constant 64 : index
    %swap3A_1130 = tpu.vector_load %arg8[%swap3A_1128, %swap3A_1129] {strides = array<i32>} : memref<32x128xf32, #tpu.memory_space<vmem>>, vector<1x16xf32>,
    %swap3A_1131 = vector.shape_cast %swap3A_1130 : vector<1x16xf32> to vector<16xf32>
    %swap3A_1132 = vector.shape_cast %broadcast_in_dim3A_1126 : vector<16xf32> to vector<1x16xf32>
    tpu.vector_store %arg8[%swap3A_1128, %swap3A_1129], %swap3A_1132 {strides = array<i32>} : memref<32x128xf32, #tpu.memory_space<vmem>>, vector<1x16xf32>,
    %broadcast_in_dim3A_1133 = arith.constant 0.000000e+00 : f32
    %broadcast_in_dim3A_1134 = vector.broadcast %broadcast_in_dim3A_1133 : f32 to vector<16xf32>
    %swap3A_1135 = arith.constant 17 : i32
    %swap3A_1136 = arith.index_cast %swap3A_1135 : i32 to index
    %swap3A_1137 = arith.constant 80 : index
    %swap3A_1138 = tpu.vector_load %arg8[%swap3A_1136, %swap3A_1137] {strides = array<i32>} : memref<32x128xf32, #tpu.memory_space<vmem>>, vector<1x16xf32>,
    %swap3A_1139 = vector.shape_cast %swap3A_1138 : vector<1x16xf32> to vector<16xf32>
    %swap3A_1140 = vector.shape_cast %broadcast_in_dim3A_1134 : vector<16xf32> to vector<1x16xf32>
    tpu.vector_store %arg8[%swap3A_1136, %swap3A_1137], %swap3A_1140 {strides = array<i32>} : memref<32x128xf32, #tpu.memory_space<vmem>>, vector<1x16xf32>,
    %broadcast_in_dim3A_1141 = arith.constant 0.000000e+00 : f32
    %broadcast_in_dim3A_1142 = vector.broadcast %broadcast_in_dim3A_1141 : f32 to vector<16xf32>
    %swap3A_1143 = arith.constant 17 : i32
    %swap3A_1144 = arith.index_cast %swap3A_1143 : i32 to index
    %swap3A_1145 = arith.constant 96 : index
    %swap3A_1146 = tpu.vector_load %arg8[%swap3A_1144, %swap3A_1145] {strides = array<i32>} : memref<32x128xf32, #tpu.memory_space<vmem>>, vector<1x16xf32>,
    %swap3A_1147 = vector.shape_cast %swap3A_1146 : vector<1x16xf32> to vector<16xf32>
    %swap3A_1148 = vector.shape_cast %broadcast_in_dim3A_1142 : vector<16xf32> to vector<1x16xf32>
    tpu.vector_store %arg8[%swap3A_1144, %swap3A_1145], %swap3A_1148 {strides = array<i32>} : memref<32x128xf32, #tpu.memory_space<vmem>>, vector<1x16xf32>,
    %broadcast_in_dim3A_1149 = arith.constant 0.000000e+00 : f32
    %broadcast_in_dim3A_1150 = vector.broadcast %broadcast_in_dim3A_1149 : f32 to vector<16xf32>
    %swap3A_1151 = arith.constant 17 : i32
    %swap3A_1152 = arith.index_cast %swap3A_1151 : i32 to index
    %swap3A_1153 = arith.constant 112 : index
    %swap3A_1154 = tpu.vector_load %arg8[%swap3A_1152, %swap3A_1153] {strides = array<i32>} : memref<32x128xf32, #tpu.memory_space<vmem>>, vector<1x16xf32>,
    %swap3A_1155 = vector.shape_cast %swap3A_1154 : vector<1x16xf32> to vector<16xf32>
    %swap3A_1156 = vector.shape_cast %broadcast_in_dim3A_1150 : vector<16xf32> to vector<1x16xf32>
    tpu.vector_store %arg8[%swap3A_1152, %swap3A_1153], %swap3A_1156 {strides = array<i32>} : memref<32x128xf32, #tpu.memory_space<vmem>>, vector<1x16xf32>,
    %broadcast_in_dim3A_1157 = arith.constant 0.000000e+00 : f32
    %broadcast_in_dim3A_1158 = vector.broadcast %broadcast_in_dim3A_1157 : f32 to vector<16xf32>
    %swap3A_1159 = arith.constant 18 : i32
    %swap3A_1160 = arith.index_cast %swap3A_1159 : i32 to index
    %swap3A_1161 = arith.constant 0 : index
    %swap3A_1162 = tpu.vector_load %arg8[%swap3A_1160, %swap3A_1161] {strides = array<i32>} : memref<32x128xf32, #tpu.memory_space<vmem>>, vector<1x16xf32>,
    %swap3A_1163 = vector.shape_cast %swap3A_1162 : vector<1x16xf32> to vector<16xf32>
    %swap3A_1164 = vector.shape_cast %broadcast_in_dim3A_1158 : vector<16xf32> to vector<1x16xf32>
    tpu.vector_store %arg8[%swap3A_1160, %swap3A_1161], %swap3A_1164 {strides = array<i32>} : memref<32x128xf32, #tpu.memory_space<vmem>>, vector<1x16xf32>,
    %broadcast_in_dim3A_1165 = arith.constant 0.000000e+00 : f32
    %broadcast_in_dim3A_1166 = vector.broadcast %broadcast_in_dim3A_1165 : f32 to vector<16xf32>
    %swap3A_1167 = arith.constant 18 : i32
    %swap3A_1168 = arith.index_cast %swap3A_1167 : i32 to index
    %swap3A_1169 = arith.constant 16 : index
    %swap3A_1170 = tpu.vector_load %arg8[%swap3A_1168, %swap3A_1169] {strides = array<i32>} : memref<32x128xf32, #tpu.memory_space<vmem>>, vector<1x16xf32>,
    %swap3A_1171 = vector.shape_cast %swap3A_1170 : vector<1x16xf32> to vector<16xf32>
    %swap3A_1172 = vector.shape_cast %broadcast_in_dim3A_1166 : vector<16xf32> to vector<1x16xf32>
    tpu.vector_store %arg8[%swap3A_1168, %swap3A_1169], %swap3A_1172 {strides = array<i32>} : memref<32x128xf32, #tpu.memory_space<vmem>>, vector<1x16xf32>,
    %broadcast_in_dim3A_1173 = arith.constant 0.000000e+00 : f32
    %broadcast_in_dim3A_1174 = vector.broadcast %broadcast_in_dim3A_1173 : f32 to vector<16xf32>
    %swap3A_1175 = arith.constant 18 : i32
    %swap3A_1176 = arith.index_cast %swap3A_1175 : i32 to index
    %swap3A_1177 = arith.constant 32 : index
    %swap3A_1178 = tpu.vector_load %arg8[%swap3A_1176, %swap3A_1177] {strides = array<i32>} : memref<32x128xf32, #tpu.memory_space<vmem>>, vector<1x16xf32>,
    %swap3A_1179 = vector.shape_cast %swap3A_1178 : vector<1x16xf32> to vector<16xf32>
    %swap3A_1180 = vector.shape_cast %broadcast_in_dim3A_1174 : vector<16xf32> to vector<1x16xf32>
    tpu.vector_store %arg8[%swap3A_1176, %swap3A_1177], %swap3A_1180 {strides = array<i32>} : memref<32x128xf32, #tpu.memory_space<vmem>>, vector<1x16xf32>,
    %broadcast_in_dim3A_1181 = arith.constant 0.000000e+00 : f32
    %broadcast_in_dim3A_1182 = vector.broadcast %broadcast_in_dim3A_1181 : f32 to vector<16xf32>
    %swap3A_1183 = arith.constant 18 : i32
    %swap3A_1184 = arith.index_cast %swap3A_1183 : i32 to index
    %swap3A_1185 = arith.constant 48 : index
    %swap3A_1186 = tpu.vector_load %arg8[%swap3A_1184, %swap3A_1185] {strides = array<i32>} : memref<32x128xf32, #tpu.memory_space<vmem>>, vector<1x16xf32>,
    %swap3A_1187 = vector.shape_cast %swap3A_1186 : vector<1x16xf32> to vector<16xf32>
    %swap3A_1188 = vector.shape_cast %broadcast_in_dim3A_1182 : vector<16xf32> to vector<1x16xf32>
    tpu.vector_store %arg8[%swap3A_1184, %swap3A_1185], %swap3A_1188 {strides = array<i32>} : memref<32x128xf32, #tpu.memory_space<vmem>>, vector<1x16xf32>,
    %broadcast_in_dim3A_1189 = arith.constant 0.000000e+00 : f32
    %broadcast_in_dim3A_1190 = vector.broadcast %broadcast_in_dim3A_1189 : f32 to vector<16xf32>
    %swap3A_1191 = arith.constant 18 : i32
    %swap3A_1192 = arith.index_cast %swap3A_1191 : i32 to index
    %swap3A_1193 = arith.constant 64 : index
    %swap3A_1194 = tpu.vector_load %arg8[%swap3A_1192, %swap3A_1193] {strides = array<i32>} : memref<32x128xf32, #tpu.memory_space<vmem>>, vector<1x16xf32>,
    %swap3A_1195 = vector.shape_cast %swap3A_1194 : vector<1x16xf32> to vector<16xf32>
    %swap3A_1196 = vector.shape_cast %broadcast_in_dim3A_1190 : vector<16xf32> to vector<1x16xf32>
    tpu.vector_store %arg8[%swap3A_1192, %swap3A_1193], %swap3A_1196 {strides = array<i32>} : memref<32x128xf32, #tpu.memory_space<vmem>>, vector<1x16xf32>,
    %broadcast_in_dim3A_1197 = arith.constant 0.000000e+00 : f32
    %broadcast_in_dim3A_1198 = vector.broadcast %broadcast_in_dim3A_1197 : f32 to vector<16xf32>
    %swap3A_1199 = arith.constant 18 : i32
    %swap3A_1200 = arith.index_cast %swap3A_1199 : i32 to index
    %swap3A_1201 = arith.constant 80 : index
    %swap3A_1202 = tpu.vector_load %arg8[%swap3A_1200, %swap3A_1201] {strides = array<i32>} : memref<32x128xf32, #tpu.memory_space<vmem>>, vector<1x16xf32>,
    %swap3A_1203 = vector.shape_cast %swap3A_1202 : vector<1x16xf32> to vector<16xf32>
    %swap3A_1204 = vector.shape_cast %broadcast_in_dim3A_1198 : vector<16xf32> to vector<1x16xf32>
    tpu.vector_store %arg8[%swap3A_1200, %swap3A_1201], %swap3A_1204 {strides = array<i32>} : memref<32x128xf32, #tpu.memory_space<vmem>>, vector<1x16xf32>,
    %broadcast_in_dim3A_1205 = arith.constant 0.000000e+00 : f32
    %broadcast_in_dim3A_1206 = vector.broadcast %broadcast_in_dim3A_1205 : f32 to vector<16xf32>
    %swap3A_1207 = arith.constant 18 : i32
    %swap3A_1208 = arith.index_cast %swap3A_1207 : i32 to index
    %swap3A_1209 = arith.constant 96 : index
    %swap3A_1210 = tpu.vector_load %arg8[%swap3A_1208, %swap3A_1209] {strides = array<i32>} : memref<32x128xf32, #tpu.memory_space<vmem>>, vector<1x16xf32>,
    %swap3A_1211 = vector.shape_cast %swap3A_1210 : vector<1x16xf32> to vector<16xf32>
    %swap3A_1212 = vector.shape_cast %broadcast_in_dim3A_1206 : vector<16xf32> to vector<1x16xf32>
    tpu.vector_store %arg8[%swap3A_1208, %swap3A_1209], %swap3A_1212 {strides = array<i32>} : memref<32x128xf32, #tpu.memory_space<vmem>>, vector<1x16xf32>,
    %broadcast_in_dim3A_1213 = arith.constant 0.000000e+00 : f32
    %broadcast_in_dim3A_1214 = vector.broadcast %broadcast_in_dim3A_1213 : f32 to vector<16xf32>
    %swap3A_1215 = arith.constant 18 : i32
    %swap3A_1216 = arith.index_cast %swap3A_1215 : i32 to index
    %swap3A_1217 = arith.constant 112 : index
    %swap3A_1218 = tpu.vector_load %arg8[%swap3A_1216, %swap3A_1217] {strides = array<i32>} : memref<32x128xf32, #tpu.memory_space<vmem>>, vector<1x16xf32>,
    %swap3A_1219 = vector.shape_cast %swap3A_1218 : vector<1x16xf32> to vector<16xf32>
    %swap3A_1220 = vector.shape_cast %broadcast_in_dim3A_1214 : vector<16xf32> to vector<1x16xf32>
    tpu.vector_store %arg8[%swap3A_1216, %swap3A_1217], %swap3A_1220 {strides = array<i32>} : memref<32x128xf32, #tpu.memory_space<vmem>>, vector<1x16xf32>,
    %broadcast_in_dim3A_1221 = arith.constant 0.000000e+00 : f32
    %broadcast_in_dim3A_1222 = vector.broadcast %broadcast_in_dim3A_1221 : f32 to vector<16xf32>
    %swap3A_1223 = arith.constant 19 : i32
    %swap3A_1224 = arith.index_cast %swap3A_1223 : i32 to index
    %swap3A_1225 = arith.constant 0 : index
    %swap3A_1226 = tpu.vector_load %arg8[%swap3A_1224, %swap3A_1225] {strides = array<i32>} : memref<32x128xf32, #tpu.memory_space<vmem>>, vector<1x16xf32>,
    %swap3A_1227 = vector.shape_cast %swap3A_1226 : vector<1x16xf32> to vector<16xf32>
    %swap3A_1228 = vector.shape_cast %broadcast_in_dim3A_1222 : vector<16xf32> to vector<1x16xf32>
    tpu.vector_store %arg8[%swap3A_1224, %swap3A_1225], %swap3A_1228 {strides = array<i32>} : memref<32x128xf32, #tpu.memory_space<vmem>>, vector<1x16xf32>,
    %broadcast_in_dim3A_1229 = arith.constant 0.000000e+00 : f32
    %broadcast_in_dim3A_1230 = vector.broadcast %broadcast_in_dim3A_1229 : f32 to vector<16xf32>
    %swap3A_1231 = arith.constant 19 : i32
    %swap3A_1232 = arith.index_cast %swap3A_1231 : i32 to index
    %swap3A_1233 = arith.constant 16 : index
    %swap3A_1234 = tpu.vector_load %arg8[%swap3A_1232, %swap3A_1233] {strides = array<i32>} : memref<32x128xf32, #tpu.memory_space<vmem>>, vector<1x16xf32>,
    %swap3A_1235 = vector.shape_cast %swap3A_1234 : vector<1x16xf32> to vector<16xf32>
    %swap3A_1236 = vector.shape_cast %broadcast_in_dim3A_1230 : vector<16xf32> to vector<1x16xf32>
    tpu.vector_store %arg8[%swap3A_1232, %swap3A_1233], %swap3A_1236 {strides = array<i32>} : memref<32x128xf32, #tpu.memory_space<vmem>>, vector<1x16xf32>,
    %broadcast_in_dim3A_1237 = arith.constant 0.000000e+00 : f32
    %broadcast_in_dim3A_1238 = vector.broadcast %broadcast_in_dim3A_1237 : f32 to vector<16xf32>
    %swap3A_1239 = arith.constant 19 : i32
    %swap3A_1240 = arith.index_cast %swap3A_1239 : i32 to index
    %swap3A_1241 = arith.constant 32 : index
    %swap3A_1242 = tpu.vector_load %arg8[%swap3A_1240, %swap3A_1241] {strides = array<i32>} : memref<32x128xf32, #tpu.memory_space<vmem>>, vector<1x16xf32>,
    %swap3A_1243 = vector.shape_cast %swap3A_1242 : vector<1x16xf32> to vector<16xf32>
    %swap3A_1244 = vector.shape_cast %broadcast_in_dim3A_1238 : vector<16xf32> to vector<1x16xf32>
    tpu.vector_store %arg8[%swap3A_1240, %swap3A_1241], %swap3A_1244 {strides = array<i32>} : memref<32x128xf32, #tpu.memory_space<vmem>>, vector<1x16xf32>,
    %broadcast_in_dim3A_1245 = arith.constant 0.000000e+00 : f32
    %broadcast_in_dim3A_1246 = vector.broadcast %broadcast_in_dim3A_1245 : f32 to vector<16xf32>
    %swap3A_1247 = arith.constant 19 : i32
    %swap3A_1248 = arith.index_cast %swap3A_1247 : i32 to index
    %swap3A_1249 = arith.constant 48 : index
    %swap3A_1250 = tpu.vector_load %arg8[%swap3A_1248, %swap3A_1249] {strides = array<i32>} : memref<32x128xf32, #tpu.memory_space<vmem>>, vector<1x16xf32>,
    %swap3A_1251 = vector.shape_cast %swap3A_1250 : vector<1x16xf32> to vector<16xf32>
    %swap3A_1252 = vector.shape_cast %broadcast_in_dim3A_1246 : vector<16xf32> to vector<1x16xf32>
    tpu.vector_store %arg8[%swap3A_1248, %swap3A_1249], %swap3A_1252 {strides = array<i32>} : memref<32x128xf32, #tpu.memory_space<vmem>>, vector<1x16xf32>,
    %broadcast_in_dim3A_1253 = arith.constant 0.000000e+00 : f32
    %broadcast_in_dim3A_1254 = vector.broadcast %broadcast_in_dim3A_1253 : f32 to vector<16xf32>
    %swap3A_1255 = arith.constant 19 : i32
    %swap3A_1256 = arith.index_cast %swap3A_1255 : i32 to index
    %swap3A_1257 = arith.constant 64 : index
    %swap3A_1258 = tpu.vector_load %arg8[%swap3A_1256, %swap3A_1257] {strides = array<i32>} : memref<32x128xf32, #tpu.memory_space<vmem>>, vector<1x16xf32>,
    %swap3A_1259 = vector.shape_cast %swap3A_1258 : vector<1x16xf32> to vector<16xf32>
    %swap3A_1260 = vector.shape_cast %broadcast_in_dim3A_1254 : vector<16xf32> to vector<1x16xf32>
    tpu.vector_store %arg8[%swap3A_1256, %swap3A_1257], %swap3A_1260 {strides = array<i32>} : memref<32x128xf32, #tpu.memory_space<vmem>>, vector<1x16xf32>,
    %broadcast_in_dim3A_1261 = arith.constant 0.000000e+00 : f32
    %broadcast_in_dim3A_1262 = vector.broadcast %broadcast_in_dim3A_1261 : f32 to vector<16xf32>
    %swap3A_1263 = arith.constant 19 : i32
    %swap3A_1264 = arith.index_cast %swap3A_1263 : i32 to index
    %swap3A_1265 = arith.constant 80 : index
    %swap3A_1266 = tpu.vector_load %arg8[%swap3A_1264, %swap3A_1265] {strides = array<i32>} : memref<32x128xf32, #tpu.memory_space<vmem>>, vector<1x16xf32>,
    %swap3A_1267 = vector.shape_cast %swap3A_1266 : vector<1x16xf32> to vector<16xf32>
    %swap3A_1268 = vector.shape_cast %broadcast_in_dim3A_1262 : vector<16xf32> to vector<1x16xf32>
    tpu.vector_store %arg8[%swap3A_1264, %swap3A_1265], %swap3A_1268 {strides = array<i32>} : memref<32x128xf32, #tpu.memory_space<vmem>>, vector<1x16xf32>,
    %broadcast_in_dim3A_1269 = arith.constant 0.000000e+00 : f32
    %broadcast_in_dim3A_1270 = vector.broadcast %broadcast_in_dim3A_1269 : f32 to vector<16xf32>
    %swap3A_1271 = arith.constant 19 : i32
    %swap3A_1272 = arith.index_cast %swap3A_1271 : i32 to index
    %swap3A_1273 = arith.constant 96 : index
    %swap3A_1274 = tpu.vector_load %arg8[%swap3A_1272, %swap3A_1273] {strides = array<i32>} : memref<32x128xf32, #tpu.memory_space<vmem>>, vector<1x16xf32>,
    %swap3A_1275 = vector.shape_cast %swap3A_1274 : vector<1x16xf32> to vector<16xf32>
    %swap3A_1276 = vector.shape_cast %broadcast_in_dim3A_1270 : vector<16xf32> to vector<1x16xf32>
    tpu.vector_store %arg8[%swap3A_1272, %swap3A_1273], %swap3A_1276 {strides = array<i32>} : memref<32x128xf32, #tpu.memory_space<vmem>>, vector<1x16xf32>,
    %broadcast_in_dim3A_1277 = arith.constant 0.000000e+00 : f32
    %broadcast_in_dim3A_1278 = vector.broadcast %broadcast_in_dim3A_1277 : f32 to vector<16xf32>
    %swap3A_1279 = arith.constant 19 : i32
    %swap3A_1280 = arith.index_cast %swap3A_1279 : i32 to index
    %swap3A_1281 = arith.constant 112 : index
    %swap3A_1282 = tpu.vector_load %arg8[%swap3A_1280, %swap3A_1281] {strides = array<i32>} : memref<32x128xf32, #tpu.memory_space<vmem>>, vector<1x16xf32>,
    %swap3A_1283 = vector.shape_cast %swap3A_1282 : vector<1x16xf32> to vector<16xf32>
    %swap3A_1284 = vector.shape_cast %broadcast_in_dim3A_1278 : vector<16xf32> to vector<1x16xf32>
    tpu.vector_store %arg8[%swap3A_1280, %swap3A_1281], %swap3A_1284 {strides = array<i32>} : memref<32x128xf32, #tpu.memory_space<vmem>>, vector<1x16xf32>,
    %broadcast_in_dim3A_1285 = arith.constant 0.000000e+00 : f32
    %broadcast_in_dim3A_1286 = vector.broadcast %broadcast_in_dim3A_1285 : f32 to vector<16xf32>
    %swap3A_1287 = arith.constant 20 : i32
    %swap3A_1288 = arith.index_cast %swap3A_1287 : i32 to index
    %swap3A_1289 = arith.constant 0 : index
    %swap3A_1290 = tpu.vector_load %arg8[%swap3A_1288, %swap3A_1289] {strides = array<i32>} : memref<32x128xf32, #tpu.memory_space<vmem>>, vector<1x16xf32>,
    %swap3A_1291 = vector.shape_cast %swap3A_1290 : vector<1x16xf32> to vector<16xf32>
    %swap3A_1292 = vector.shape_cast %broadcast_in_dim3A_1286 : vector<16xf32> to vector<1x16xf32>
    tpu.vector_store %arg8[%swap3A_1288, %swap3A_1289], %swap3A_1292 {strides = array<i32>} : memref<32x128xf32, #tpu.memory_space<vmem>>, vector<1x16xf32>,
    %broadcast_in_dim3A_1293 = arith.constant 0.000000e+00 : f32
    %broadcast_in_dim3A_1294 = vector.broadcast %broadcast_in_dim3A_1293 : f32 to vector<16xf32>
    %swap3A_1295 = arith.constant 20 : i32
    %swap3A_1296 = arith.index_cast %swap3A_1295 : i32 to index
    %swap3A_1297 = arith.constant 16 : index
    %swap3A_1298 = tpu.vector_load %arg8[%swap3A_1296, %swap3A_1297] {strides = array<i32>} : memref<32x128xf32, #tpu.memory_space<vmem>>, vector<1x16xf32>,
    %swap3A_1299 = vector.shape_cast %swap3A_1298 : vector<1x16xf32> to vector<16xf32>
    %swap3A_1300 = vector.shape_cast %broadcast_in_dim3A_1294 : vector<16xf32> to vector<1x16xf32>
    tpu.vector_store %arg8[%swap3A_1296, %swap3A_1297], %swap3A_1300 {strides = array<i32>} : memref<32x128xf32, #tpu.memory_space<vmem>>, vector<1x16xf32>,
    %broadcast_in_dim3A_1301 = arith.constant 0.000000e+00 : f32
    %broadcast_in_dim3A_1302 = vector.broadcast %broadcast_in_dim3A_1301 : f32 to vector<16xf32>
    %swap3A_1303 = arith.constant 20 : i32
    %swap3A_1304 = arith.index_cast %swap3A_1303 : i32 to index
    %swap3A_1305 = arith.constant 32 : index
    %swap3A_1306 = tpu.vector_load %arg8[%swap3A_1304, %swap3A_1305] {strides = array<i32>} : memref<32x128xf32, #tpu.memory_space<vmem>>, vector<1x16xf32>,
    %swap3A_1307 = vector.shape_cast %swap3A_1306 : vector<1x16xf32> to vector<16xf32>
    %swap3A_1308 = vector.shape_cast %broadcast_in_dim3A_1302 : vector<16xf32> to vector<1x16xf32>
    tpu.vector_store %arg8[%swap3A_1304, %swap3A_1305], %swap3A_1308 {strides = array<i32>} : memref<32x128xf32, #tpu.memory_space<vmem>>, vector<1x16xf32>,
    %broadcast_in_dim3A_1309 = arith.constant 0.000000e+00 : f32
    %broadcast_in_dim3A_1310 = vector.broadcast %broadcast_in_dim3A_1309 : f32 to vector<16xf32>
    %swap3A_1311 = arith.constant 20 : i32
    %swap3A_1312 = arith.index_cast %swap3A_1311 : i32 to index
    %swap3A_1313 = arith.constant 48 : index
    %swap3A_1314 = tpu.vector_load %arg8[%swap3A_1312, %swap3A_1313] {strides = array<i32>} : memref<32x128xf32, #tpu.memory_space<vmem>>, vector<1x16xf32>,
    %swap3A_1315 = vector.shape_cast %swap3A_1314 : vector<1x16xf32> to vector<16xf32>
    %swap3A_1316 = vector.shape_cast %broadcast_in_dim3A_1310 : vector<16xf32> to vector<1x16xf32>
    tpu.vector_store %arg8[%swap3A_1312, %swap3A_1313], %swap3A_1316 {strides = array<i32>} : memref<32x128xf32, #tpu.memory_space<vmem>>, vector<1x16xf32>,
    %broadcast_in_dim3A_1317 = arith.constant 0.000000e+00 : f32
    %broadcast_in_dim3A_1318 = vector.broadcast %broadcast_in_dim3A_1317 : f32 to vector<16xf32>
    %swap3A_1319 = arith.constant 20 : i32
    %swap3A_1320 = arith.index_cast %swap3A_1319 : i32 to index
    %swap3A_1321 = arith.constant 64 : index
    %swap3A_1322 = tpu.vector_load %arg8[%swap3A_1320, %swap3A_1321] {strides = array<i32>} : memref<32x128xf32, #tpu.memory_space<vmem>>, vector<1x16xf32>,
    %swap3A_1323 = vector.shape_cast %swap3A_1322 : vector<1x16xf32> to vector<16xf32>
    %swap3A_1324 = vector.shape_cast %broadcast_in_dim3A_1318 : vector<16xf32> to vector<1x16xf32>
    tpu.vector_store %arg8[%swap3A_1320, %swap3A_1321], %swap3A_1324 {strides = array<i32>} : memref<32x128xf32, #tpu.memory_space<vmem>>, vector<1x16xf32>,
    %broadcast_in_dim3A_1325 = arith.constant 0.000000e+00 : f32
    %broadcast_in_dim3A_1326 = vector.broadcast %broadcast_in_dim3A_1325 : f32 to vector<16xf32>
    %swap3A_1327 = arith.constant 20 : i32
    %swap3A_1328 = arith.index_cast %swap3A_1327 : i32 to index
    %swap3A_1329 = arith.constant 80 : index
    %swap3A_1330 = tpu.vector_load %arg8[%swap3A_1328, %swap3A_1329] {strides = array<i32>} : memref<32x128xf32, #tpu.memory_space<vmem>>, vector<1x16xf32>,
    %swap3A_1331 = vector.shape_cast %swap3A_1330 : vector<1x16xf32> to vector<16xf32>
    %swap3A_1332 = vector.shape_cast %broadcast_in_dim3A_1326 : vector<16xf32> to vector<1x16xf32>
    tpu.vector_store %arg8[%swap3A_1328, %swap3A_1329], %swap3A_1332 {strides = array<i32>} : memref<32x128xf32, #tpu.memory_space<vmem>>, vector<1x16xf32>,
    %broadcast_in_dim3A_1333 = arith.constant 0.000000e+00 : f32
    %broadcast_in_dim3A_1334 = vector.broadcast %broadcast_in_dim3A_1333 : f32 to vector<16xf32>
    %swap3A_1335 = arith.constant 20 : i32
    %swap3A_1336 = arith.index_cast %swap3A_1335 : i32 to index
    %swap3A_1337 = arith.constant 96 : index
    %swap3A_1338 = tpu.vector_load %arg8[%swap3A_1336, %swap3A_1337] {strides = array<i32>} : memref<32x128xf32, #tpu.memory_space<vmem>>, vector<1x16xf32>,
    %swap3A_1339 = vector.shape_cast %swap3A_1338 : vector<1x16xf32> to vector<16xf32>
    %swap3A_1340 = vector.shape_cast %broadcast_in_dim3A_1334 : vector<16xf32> to vector<1x16xf32>
    tpu.vector_store %arg8[%swap3A_1336, %swap3A_1337], %swap3A_1340 {strides = array<i32>} : memref<32x128xf32, #tpu.memory_space<vmem>>, vector<1x16xf32>,
    %broadcast_in_dim3A_1341 = arith.constant 0.000000e+00 : f32
    %broadcast_in_dim3A_1342 = vector.broadcast %broadcast_in_dim3A_1341 : f32 to vector<16xf32>
    %swap3A_1343 = arith.constant 20 : i32
    %swap3A_1344 = arith.index_cast %swap3A_1343 : i32 to index
    %swap3A_1345 = arith.constant 112 : index
    %swap3A_1346 = tpu.vector_load %arg8[%swap3A_1344, %swap3A_1345] {strides = array<i32>} : memref<32x128xf32, #tpu.memory_space<vmem>>, vector<1x16xf32>,
    %swap3A_1347 = vector.shape_cast %swap3A_1346 : vector<1x16xf32> to vector<16xf32>
    %swap3A_1348 = vector.shape_cast %broadcast_in_dim3A_1342 : vector<16xf32> to vector<1x16xf32>
    tpu.vector_store %arg8[%swap3A_1344, %swap3A_1345], %swap3A_1348 {strides = array<i32>} : memref<32x128xf32, #tpu.memory_space<vmem>>, vector<1x16xf32>,
    %broadcast_in_dim3A_1349 = arith.constant 0.000000e+00 : f32
    %broadcast_in_dim3A_1350 = vector.broadcast %broadcast_in_dim3A_1349 : f32 to vector<16xf32>
    %swap3A_1351 = arith.constant 21 : i32
    %swap3A_1352 = arith.index_cast %swap3A_1351 : i32 to index
    %swap3A_1353 = arith.constant 0 : index
    %swap3A_1354 = tpu.vector_load %arg8[%swap3A_1352, %swap3A_1353] {strides = array<i32>} : memref<32x128xf32, #tpu.memory_space<vmem>>, vector<1x16xf32>,
    %swap3A_1355 = vector.shape_cast %swap3A_1354 : vector<1x16xf32> to vector<16xf32>
    %swap3A_1356 = vector.shape_cast %broadcast_in_dim3A_1350 : vector<16xf32> to vector<1x16xf32>
    tpu.vector_store %arg8[%swap3A_1352, %swap3A_1353], %swap3A_1356 {strides = array<i32>} : memref<32x128xf32, #tpu.memory_space<vmem>>, vector<1x16xf32>,
    %broadcast_in_dim3A_1357 = arith.constant 0.000000e+00 : f32
    %broadcast_in_dim3A_1358 = vector.broadcast %broadcast_in_dim3A_1357 : f32 to vector<16xf32>
    %swap3A_1359 = arith.constant 21 : i32
    %swap3A_1360 = arith.index_cast %swap3A_1359 : i32 to index
    %swap3A_1361 = arith.constant 16 : index
    %swap3A_1362 = tpu.vector_load %arg8[%swap3A_1360, %swap3A_1361] {strides = array<i32>} : memref<32x128xf32, #tpu.memory_space<vmem>>, vector<1x16xf32>,
    %swap3A_1363 = vector.shape_cast %swap3A_1362 : vector<1x16xf32> to vector<16xf32>
    %swap3A_1364 = vector.shape_cast %broadcast_in_dim3A_1358 : vector<16xf32> to vector<1x16xf32>
    tpu.vector_store %arg8[%swap3A_1360, %swap3A_1361], %swap3A_1364 {strides = array<i32>} : memref<32x128xf32, #tpu.memory_space<vmem>>, vector<1x16xf32>,
    %broadcast_in_dim3A_1365 = arith.constant 0.000000e+00 : f32
    %broadcast_in_dim3A_1366 = vector.broadcast %broadcast_in_dim3A_1365 : f32 to vector<16xf32>
    %swap3A_1367 = arith.constant 21 : i32
    %swap3A_1368 = arith.index_cast %swap3A_1367 : i32 to index
    %swap3A_1369 = arith.constant 32 : index
    %swap3A_1370 = tpu.vector_load %arg8[%swap3A_1368, %swap3A_1369] {strides = array<i32>} : memref<32x128xf32, #tpu.memory_space<vmem>>, vector<1x16xf32>,
    %swap3A_1371 = vector.shape_cast %swap3A_1370 : vector<1x16xf32> to vector<16xf32>
    %swap3A_1372 = vector.shape_cast %broadcast_in_dim3A_1366 : vector<16xf32> to vector<1x16xf32>
    tpu.vector_store %arg8[%swap3A_1368, %swap3A_1369], %swap3A_1372 {strides = array<i32>} : memref<32x128xf32, #tpu.memory_space<vmem>>, vector<1x16xf32>,
    %broadcast_in_dim3A_1373 = arith.constant 0.000000e+00 : f32
    %broadcast_in_dim3A_1374 = vector.broadcast %broadcast_in_dim3A_1373 : f32 to vector<16xf32>
    %swap3A_1375 = arith.constant 21 : i32
    %swap3A_1376 = arith.index_cast %swap3A_1375 : i32 to index
    %swap3A_1377 = arith.constant 48 : index
    %swap3A_1378 = tpu.vector_load %arg8[%swap3A_1376, %swap3A_1377] {strides = array<i32>} : memref<32x128xf32, #tpu.memory_space<vmem>>, vector<1x16xf32>,
    %swap3A_1379 = vector.shape_cast %swap3A_1378 : vector<1x16xf32> to vector<16xf32>
    %swap3A_1380 = vector.shape_cast %broadcast_in_dim3A_1374 : vector<16xf32> to vector<1x16xf32>
    tpu.vector_store %arg8[%swap3A_1376, %swap3A_1377], %swap3A_1380 {strides = array<i32>} : memref<32x128xf32, #tpu.memory_space<vmem>>, vector<1x16xf32>,
    %broadcast_in_dim3A_1381 = arith.constant 0.000000e+00 : f32
    %broadcast_in_dim3A_1382 = vector.broadcast %broadcast_in_dim3A_1381 : f32 to vector<16xf32>
    %swap3A_1383 = arith.constant 21 : i32
    %swap3A_1384 = arith.index_cast %swap3A_1383 : i32 to index
    %swap3A_1385 = arith.constant 64 : index
    %swap3A_1386 = tpu.vector_load %arg8[%swap3A_1384, %swap3A_1385] {strides = array<i32>} : memref<32x128xf32, #tpu.memory_space<vmem>>, vector<1x16xf32>,
    %swap3A_1387 = vector.shape_cast %swap3A_1386 : vector<1x16xf32> to vector<16xf32>
    %swap3A_1388 = vector.shape_cast %broadcast_in_dim3A_1382 : vector<16xf32> to vector<1x16xf32>
    tpu.vector_store %arg8[%swap3A_1384, %swap3A_1385], %swap3A_1388 {strides = array<i32>} : memref<32x128xf32, #tpu.memory_space<vmem>>, vector<1x16xf32>,
    %broadcast_in_dim3A_1389 = arith.constant 0.000000e+00 : f32
    %broadcast_in_dim3A_1390 = vector.broadcast %broadcast_in_dim3A_1389 : f32 to vector<16xf32>
    %swap3A_1391 = arith.constant 21 : i32
    %swap3A_1392 = arith.index_cast %swap3A_1391 : i32 to index
    %swap3A_1393 = arith.constant 80 : index
    %swap3A_1394 = tpu.vector_load %arg8[%swap3A_1392, %swap3A_1393] {strides = array<i32>} : memref<32x128xf32, #tpu.memory_space<vmem>>, vector<1x16xf32>,
    %swap3A_1395 = vector.shape_cast %swap3A_1394 : vector<1x16xf32> to vector<16xf32>
    %swap3A_1396 = vector.shape_cast %broadcast_in_dim3A_1390 : vector<16xf32> to vector<1x16xf32>
    tpu.vector_store %arg8[%swap3A_1392, %swap3A_1393], %swap3A_1396 {strides = array<i32>} : memref<32x128xf32, #tpu.memory_space<vmem>>, vector<1x16xf32>,
    %broadcast_in_dim3A_1397 = arith.constant 0.000000e+00 : f32
    %broadcast_in_dim3A_1398 = vector.broadcast %broadcast_in_dim3A_1397 : f32 to vector<16xf32>
    %swap3A_1399 = arith.constant 21 : i32
    %swap3A_1400 = arith.index_cast %swap3A_1399 : i32 to index
    %swap3A_1401 = arith.constant 96 : index
    %swap3A_1402 = tpu.vector_load %arg8[%swap3A_1400, %swap3A_1401] {strides = array<i32>} : memref<32x128xf32, #tpu.memory_space<vmem>>, vector<1x16xf32>,
    %swap3A_1403 = vector.shape_cast %swap3A_1402 : vector<1x16xf32> to vector<16xf32>
    %swap3A_1404 = vector.shape_cast %broadcast_in_dim3A_1398 : vector<16xf32> to vector<1x16xf32>
    tpu.vector_store %arg8[%swap3A_1400, %swap3A_1401], %swap3A_1404 {strides = array<i32>} : memref<32x128xf32, #tpu.memory_space<vmem>>, vector<1x16xf32>,
    %broadcast_in_dim3A_1405 = arith.constant 0.000000e+00 : f32
    %broadcast_in_dim3A_1406 = vector.broadcast %broadcast_in_dim3A_1405 : f32 to vector<16xf32>
    %swap3A_1407 = arith.constant 21 : i32
    %swap3A_1408 = arith.index_cast %swap3A_1407 : i32 to index
    %swap3A_1409 = arith.constant 112 : index
    %swap3A_1410 = tpu.vector_load %arg8[%swap3A_1408, %swap3A_1409] {strides = array<i32>} : memref<32x128xf32, #tpu.memory_space<vmem>>, vector<1x16xf32>,
    %swap3A_1411 = vector.shape_cast %swap3A_1410 : vector<1x16xf32> to vector<16xf32>
    %swap3A_1412 = vector.shape_cast %broadcast_in_dim3A_1406 : vector<16xf32> to vector<1x16xf32>
    tpu.vector_store %arg8[%swap3A_1408, %swap3A_1409], %swap3A_1412 {strides = array<i32>} : memref<32x128xf32, #tpu.memory_space<vmem>>, vector<1x16xf32>,
    %broadcast_in_dim3A_1413 = arith.constant 0.000000e+00 : f32
    %broadcast_in_dim3A_1414 = vector.broadcast %broadcast_in_dim3A_1413 : f32 to vector<16xf32>
    %swap3A_1415 = arith.constant 22 : i32
    %swap3A_1416 = arith.index_cast %swap3A_1415 : i32 to index
    %swap3A_1417 = arith.constant 0 : index
    %swap3A_1418 = tpu.vector_load %arg8[%swap3A_1416, %swap3A_1417] {strides = array<i32>} : memref<32x128xf32, #tpu.memory_space<vmem>>, vector<1x16xf32>,
    %swap3A_1419 = vector.shape_cast %swap3A_1418 : vector<1x16xf32> to vector<16xf32>
    %swap3A_1420 = vector.shape_cast %broadcast_in_dim3A_1414 : vector<16xf32> to vector<1x16xf32>
    tpu.vector_store %arg8[%swap3A_1416, %swap3A_1417], %swap3A_1420 {strides = array<i32>} : memref<32x128xf32, #tpu.memory_space<vmem>>, vector<1x16xf32>,
    %broadcast_in_dim3A_1421 = arith.constant 0.000000e+00 : f32
    %broadcast_in_dim3A_1422 = vector.broadcast %broadcast_in_dim3A_1421 : f32 to vector<16xf32>
    %swap3A_1423 = arith.constant 22 : i32
    %swap3A_1424 = arith.index_cast %swap3A_1423 : i32 to index
    %swap3A_1425 = arith.constant 16 : index
    %swap3A_1426 = tpu.vector_load %arg8[%swap3A_1424, %swap3A_1425] {strides = array<i32>} : memref<32x128xf32, #tpu.memory_space<vmem>>, vector<1x16xf32>,
    %swap3A_1427 = vector.shape_cast %swap3A_1426 : vector<1x16xf32> to vector<16xf32>
    %swap3A_1428 = vector.shape_cast %broadcast_in_dim3A_1422 : vector<16xf32> to vector<1x16xf32>
    tpu.vector_store %arg8[%swap3A_1424, %swap3A_1425], %swap3A_1428 {strides = array<i32>} : memref<32x128xf32, #tpu.memory_space<vmem>>, vector<1x16xf32>,
    %broadcast_in_dim3A_1429 = arith.constant 0.000000e+00 : f32
    %broadcast_in_dim3A_1430 = vector.broadcast %broadcast_in_dim3A_1429 : f32 to vector<16xf32>
    %swap3A_1431 = arith.constant 22 : i32
    %swap3A_1432 = arith.index_cast %swap3A_1431 : i32 to index
    %swap3A_1433 = arith.constant 32 : index
    %swap3A_1434 = tpu.vector_load %arg8[%swap3A_1432, %swap3A_1433] {strides = array<i32>} : memref<32x128xf32, #tpu.memory_space<vmem>>, vector<1x16xf32>,
    %swap3A_1435 = vector.shape_cast %swap3A_1434 : vector<1x16xf32> to vector<16xf32>
    %swap3A_1436 = vector.shape_cast %broadcast_in_dim3A_1430 : vector<16xf32> to vector<1x16xf32>
    tpu.vector_store %arg8[%swap3A_1432, %swap3A_1433], %swap3A_1436 {strides = array<i32>} : memref<32x128xf32, #tpu.memory_space<vmem>>, vector<1x16xf32>,
    %broadcast_in_dim3A_1437 = arith.constant 0.000000e+00 : f32
    %broadcast_in_dim3A_1438 = vector.broadcast %broadcast_in_dim3A_1437 : f32 to vector<16xf32>
    %swap3A_1439 = arith.constant 22 : i32
    %swap3A_1440 = arith.index_cast %swap3A_1439 : i32 to index
    %swap3A_1441 = arith.constant 48 : index
    %swap3A_1442 = tpu.vector_load %arg8[%swap3A_1440, %swap3A_1441] {strides = array<i32>} : memref<32x128xf32, #tpu.memory_space<vmem>>, vector<1x16xf32>,
    %swap3A_1443 = vector.shape_cast %swap3A_1442 : vector<1x16xf32> to vector<16xf32>
    %swap3A_1444 = vector.shape_cast %broadcast_in_dim3A_1438 : vector<16xf32> to vector<1x16xf32>
    tpu.vector_store %arg8[%swap3A_1440, %swap3A_1441], %swap3A_1444 {strides = array<i32>} : memref<32x128xf32, #tpu.memory_space<vmem>>, vector<1x16xf32>,
    %broadcast_in_dim3A_1445 = arith.constant 0.000000e+00 : f32
    %broadcast_in_dim3A_1446 = vector.broadcast %broadcast_in_dim3A_1445 : f32 to vector<16xf32>
    %swap3A_1447 = arith.constant 22 : i32
    %swap3A_1448 = arith.index_cast %swap3A_1447 : i32 to index
    %swap3A_1449 = arith.constant 64 : index
    %swap3A_1450 = tpu.vector_load %arg8[%swap3A_1448, %swap3A_1449] {strides = array<i32>} : memref<32x128xf32, #tpu.memory_space<vmem>>, vector<1x16xf32>,
    %swap3A_1451 = vector.shape_cast %swap3A_1450 : vector<1x16xf32> to vector<16xf32>
    %swap3A_1452 = vector.shape_cast %broadcast_in_dim3A_1446 : vector<16xf32> to vector<1x16xf32>
    tpu.vector_store %arg8[%swap3A_1448, %swap3A_1449], %swap3A_1452 {strides = array<i32>} : memref<32x128xf32, #tpu.memory_space<vmem>>, vector<1x16xf32>,
    %broadcast_in_dim3A_1453 = arith.constant 0.000000e+00 : f32
    %broadcast_in_dim3A_1454 = vector.broadcast %broadcast_in_dim3A_1453 : f32 to vector<16xf32>
    %swap3A_1455 = arith.constant 22 : i32
    %swap3A_1456 = arith.index_cast %swap3A_1455 : i32 to index
    %swap3A_1457 = arith.constant 80 : index
    %swap3A_1458 = tpu.vector_load %arg8[%swap3A_1456, %swap3A_1457] {strides = array<i32>} : memref<32x128xf32, #tpu.memory_space<vmem>>, vector<1x16xf32>,
    %swap3A_1459 = vector.shape_cast %swap3A_1458 : vector<1x16xf32> to vector<16xf32>
    %swap3A_1460 = vector.shape_cast %broadcast_in_dim3A_1454 : vector<16xf32> to vector<1x16xf32>
    tpu.vector_store %arg8[%swap3A_1456, %swap3A_1457], %swap3A_1460 {strides = array<i32>} : memref<32x128xf32, #tpu.memory_space<vmem>>, vector<1x16xf32>,
    %broadcast_in_dim3A_1461 = arith.constant 0.000000e+00 : f32
    %broadcast_in_dim3A_1462 = vector.broadcast %broadcast_in_dim3A_1461 : f32 to vector<16xf32>
    %swap3A_1463 = arith.constant 22 : i32
    %swap3A_1464 = arith.index_cast %swap3A_1463 : i32 to index
    %swap3A_1465 = arith.constant 96 : index
    %swap3A_1466 = tpu.vector_load %arg8[%swap3A_1464, %swap3A_1465] {strides = array<i32>} : memref<32x128xf32, #tpu.memory_space<vmem>>, vector<1x16xf32>,
    %swap3A_1467 = vector.shape_cast %swap3A_1466 : vector<1x16xf32> to vector<16xf32>
    %swap3A_1468 = vector.shape_cast %broadcast_in_dim3A_1462 : vector<16xf32> to vector<1x16xf32>
    tpu.vector_store %arg8[%swap3A_1464, %swap3A_1465], %swap3A_1468 {strides = array<i32>} : memref<32x128xf32, #tpu.memory_space<vmem>>, vector<1x16xf32>,
    %broadcast_in_dim3A_1469 = arith.constant 0.000000e+00 : f32
    %broadcast_in_dim3A_1470 = vector.broadcast %broadcast_in_dim3A_1469 : f32 to vector<16xf32>
    %swap3A_1471 = arith.constant 22 : i32
    %swap3A_1472 = arith.index_cast %swap3A_1471 : i32 to index
    %swap3A_1473 = arith.constant 112 : index
    %swap3A_1474 = tpu.vector_load %arg8[%swap3A_1472, %swap3A_1473] {strides = array<i32>} : memref<32x128xf32, #tpu.memory_space<vmem>>, vector<1x16xf32>,
    %swap3A_1475 = vector.shape_cast %swap3A_1474 : vector<1x16xf32> to vector<16xf32>
    %swap3A_1476 = vector.shape_cast %broadcast_in_dim3A_1470 : vector<16xf32> to vector<1x16xf32>
    tpu.vector_store %arg8[%swap3A_1472, %swap3A_1473], %swap3A_1476 {strides = array<i32>} : memref<32x128xf32, #tpu.memory_space<vmem>>, vector<1x16xf32>,
    %broadcast_in_dim3A_1477 = arith.constant 0.000000e+00 : f32
    %broadcast_in_dim3A_1478 = vector.broadcast %broadcast_in_dim3A_1477 : f32 to vector<16xf32>
    %swap3A_1479 = arith.constant 23 : i32
    %swap3A_1480 = arith.index_cast %swap3A_1479 : i32 to index
    %swap3A_1481 = arith.constant 0 : index
    %swap3A_1482 = tpu.vector_load %arg8[%swap3A_1480, %swap3A_1481] {strides = array<i32>} : memref<32x128xf32, #tpu.memory_space<vmem>>, vector<1x16xf32>,
    %swap3A_1483 = vector.shape_cast %swap3A_1482 : vector<1x16xf32> to vector<16xf32>
    %swap3A_1484 = vector.shape_cast %broadcast_in_dim3A_1478 : vector<16xf32> to vector<1x16xf32>
    tpu.vector_store %arg8[%swap3A_1480, %swap3A_1481], %swap3A_1484 {strides = array<i32>} : memref<32x128xf32, #tpu.memory_space<vmem>>, vector<1x16xf32>,
    %broadcast_in_dim3A_1485 = arith.constant 0.000000e+00 : f32
    %broadcast_in_dim3A_1486 = vector.broadcast %broadcast_in_dim3A_1485 : f32 to vector<16xf32>
    %swap3A_1487 = arith.constant 23 : i32
    %swap3A_1488 = arith.index_cast %swap3A_1487 : i32 to index
    %swap3A_1489 = arith.constant 16 : index
    %swap3A_1490 = tpu.vector_load %arg8[%swap3A_1488, %swap3A_1489] {strides = array<i32>} : memref<32x128xf32, #tpu.memory_space<vmem>>, vector<1x16xf32>,
    %swap3A_1491 = vector.shape_cast %swap3A_1490 : vector<1x16xf32> to vector<16xf32>
    %swap3A_1492 = vector.shape_cast %broadcast_in_dim3A_1486 : vector<16xf32> to vector<1x16xf32>
    tpu.vector_store %arg8[%swap3A_1488, %swap3A_1489], %swap3A_1492 {strides = array<i32>} : memref<32x128xf32, #tpu.memory_space<vmem>>, vector<1x16xf32>,
    %broadcast_in_dim3A_1493 = arith.constant 0.000000e+00 : f32
    %broadcast_in_dim3A_1494 = vector.broadcast %broadcast_in_dim3A_1493 : f32 to vector<16xf32>
    %swap3A_1495 = arith.constant 23 : i32
    %swap3A_1496 = arith.index_cast %swap3A_1495 : i32 to index
    %swap3A_1497 = arith.constant 32 : index
    %swap3A_1498 = tpu.vector_load %arg8[%swap3A_1496, %swap3A_1497] {strides = array<i32>} : memref<32x128xf32, #tpu.memory_space<vmem>>, vector<1x16xf32>,
    %swap3A_1499 = vector.shape_cast %swap3A_1498 : vector<1x16xf32> to vector<16xf32>
    %swap3A_1500 = vector.shape_cast %broadcast_in_dim3A_1494 : vector<16xf32> to vector<1x16xf32>
    tpu.vector_store %arg8[%swap3A_1496, %swap3A_1497], %swap3A_1500 {strides = array<i32>} : memref<32x128xf32, #tpu.memory_space<vmem>>, vector<1x16xf32>,
    %broadcast_in_dim3A_1501 = arith.constant 0.000000e+00 : f32
    %broadcast_in_dim3A_1502 = vector.broadcast %broadcast_in_dim3A_1501 : f32 to vector<16xf32>
    %swap3A_1503 = arith.constant 23 : i32
    %swap3A_1504 = arith.index_cast %swap3A_1503 : i32 to index
    %swap3A_1505 = arith.constant 48 : index
    %swap3A_1506 = tpu.vector_load %arg8[%swap3A_1504, %swap3A_1505] {strides = array<i32>} : memref<32x128xf32, #tpu.memory_space<vmem>>, vector<1x16xf32>,
    %swap3A_1507 = vector.shape_cast %swap3A_1506 : vector<1x16xf32> to vector<16xf32>
    %swap3A_1508 = vector.shape_cast %broadcast_in_dim3A_1502 : vector<16xf32> to vector<1x16xf32>
    tpu.vector_store %arg8[%swap3A_1504, %swap3A_1505], %swap3A_1508 {strides = array<i32>} : memref<32x128xf32, #tpu.memory_space<vmem>>, vector<1x16xf32>,
    %broadcast_in_dim3A_1509 = arith.constant 0.000000e+00 : f32
    %broadcast_in_dim3A_1510 = vector.broadcast %broadcast_in_dim3A_1509 : f32 to vector<16xf32>
    %swap3A_1511 = arith.constant 23 : i32
    %swap3A_1512 = arith.index_cast %swap3A_1511 : i32 to index
    %swap3A_1513 = arith.constant 64 : index
    %swap3A_1514 = tpu.vector_load %arg8[%swap3A_1512, %swap3A_1513] {strides = array<i32>} : memref<32x128xf32, #tpu.memory_space<vmem>>, vector<1x16xf32>,
    %swap3A_1515 = vector.shape_cast %swap3A_1514 : vector<1x16xf32> to vector<16xf32>
    %swap3A_1516 = vector.shape_cast %broadcast_in_dim3A_1510 : vector<16xf32> to vector<1x16xf32>
    tpu.vector_store %arg8[%swap3A_1512, %swap3A_1513], %swap3A_1516 {strides = array<i32>} : memref<32x128xf32, #tpu.memory_space<vmem>>, vector<1x16xf32>,
    %broadcast_in_dim3A_1517 = arith.constant 0.000000e+00 : f32
    %broadcast_in_dim3A_1518 = vector.broadcast %broadcast_in_dim3A_1517 : f32 to vector<16xf32>
    %swap3A_1519 = arith.constant 23 : i32
    %swap3A_1520 = arith.index_cast %swap3A_1519 : i32 to index
    %swap3A_1521 = arith.constant 80 : index
    %swap3A_1522 = tpu.vector_load %arg8[%swap3A_1520, %swap3A_1521] {strides = array<i32>} : memref<32x128xf32, #tpu.memory_space<vmem>>, vector<1x16xf32>,
    %swap3A_1523 = vector.shape_cast %swap3A_1522 : vector<1x16xf32> to vector<16xf32>
    %swap3A_1524 = vector.shape_cast %broadcast_in_dim3A_1518 : vector<16xf32> to vector<1x16xf32>
    tpu.vector_store %arg8[%swap3A_1520, %swap3A_1521], %swap3A_1524 {strides = array<i32>} : memref<32x128xf32, #tpu.memory_space<vmem>>, vector<1x16xf32>,
    %broadcast_in_dim3A_1525 = arith.constant 0.000000e+00 : f32
    %broadcast_in_dim3A_1526 = vector.broadcast %broadcast_in_dim3A_1525 : f32 to vector<16xf32>
    %swap3A_1527 = arith.constant 23 : i32
    %swap3A_1528 = arith.index_cast %swap3A_1527 : i32 to index
    %swap3A_1529 = arith.constant 96 : index
    %swap3A_1530 = tpu.vector_load %arg8[%swap3A_1528, %swap3A_1529] {strides = array<i32>} : memref<32x128xf32, #tpu.memory_space<vmem>>, vector<1x16xf32>,
    %swap3A_1531 = vector.shape_cast %swap3A_1530 : vector<1x16xf32> to vector<16xf32>
    %swap3A_1532 = vector.shape_cast %broadcast_in_dim3A_1526 : vector<16xf32> to vector<1x16xf32>
    tpu.vector_store %arg8[%swap3A_1528, %swap3A_1529], %swap3A_1532 {strides = array<i32>} : memref<32x128xf32, #tpu.memory_space<vmem>>, vector<1x16xf32>,
    %broadcast_in_dim3A_1533 = arith.constant 0.000000e+00 : f32
    %broadcast_in_dim3A_1534 = vector.broadcast %broadcast_in_dim3A_1533 : f32 to vector<16xf32>
    %swap3A_1535 = arith.constant 23 : i32
    %swap3A_1536 = arith.index_cast %swap3A_1535 : i32 to index
    %swap3A_1537 = arith.constant 112 : index
    %swap3A_1538 = tpu.vector_load %arg8[%swap3A_1536, %swap3A_1537] {strides = array<i32>} : memref<32x128xf32, #tpu.memory_space<vmem>>, vector<1x16xf32>,
    %swap3A_1539 = vector.shape_cast %swap3A_1538 : vector<1x16xf32> to vector<16xf32>
    %swap3A_1540 = vector.shape_cast %broadcast_in_dim3A_1534 : vector<16xf32> to vector<1x16xf32>
    tpu.vector_store %arg8[%swap3A_1536, %swap3A_1537], %swap3A_1540 {strides = array<i32>} : memref<32x128xf32, #tpu.memory_space<vmem>>, vector<1x16xf32>,
    %broadcast_in_dim3A_1541 = arith.constant 0.000000e+00 : f32
    %broadcast_in_dim3A_1542 = vector.broadcast %broadcast_in_dim3A_1541 : f32 to vector<16xf32>
    %swap3A_1543 = arith.constant 24 : i32
    %swap3A_1544 = arith.index_cast %swap3A_1543 : i32 to index
    %swap3A_1545 = arith.constant 0 : index
    %swap3A_1546 = tpu.vector_load %arg8[%swap3A_1544, %swap3A_1545] {strides = array<i32>} : memref<32x128xf32, #tpu.memory_space<vmem>>, vector<1x16xf32>,
    %swap3A_1547 = vector.shape_cast %swap3A_1546 : vector<1x16xf32> to vector<16xf32>
    %swap3A_1548 = vector.shape_cast %broadcast_in_dim3A_1542 : vector<16xf32> to vector<1x16xf32>
    tpu.vector_store %arg8[%swap3A_1544, %swap3A_1545], %swap3A_1548 {strides = array<i32>} : memref<32x128xf32, #tpu.memory_space<vmem>>, vector<1x16xf32>,
    %broadcast_in_dim3A_1549 = arith.constant 0.000000e+00 : f32
    %broadcast_in_dim3A_1550 = vector.broadcast %broadcast_in_dim3A_1549 : f32 to vector<16xf32>
    %swap3A_1551 = arith.constant 24 : i32
    %swap3A_1552 = arith.index_cast %swap3A_1551 : i32 to index
    %swap3A_1553 = arith.constant 16 : index
    %swap3A_1554 = tpu.vector_load %arg8[%swap3A_1552, %swap3A_1553] {strides = array<i32>} : memref<32x128xf32, #tpu.memory_space<vmem>>, vector<1x16xf32>,
    %swap3A_1555 = vector.shape_cast %swap3A_1554 : vector<1x16xf32> to vector<16xf32>
    %swap3A_1556 = vector.shape_cast %broadcast_in_dim3A_1550 : vector<16xf32> to vector<1x16xf32>
    tpu.vector_store %arg8[%swap3A_1552, %swap3A_1553], %swap3A_1556 {strides = array<i32>} : memref<32x128xf32, #tpu.memory_space<vmem>>, vector<1x16xf32>,
    %broadcast_in_dim3A_1557 = arith.constant 0.000000e+00 : f32
    %broadcast_in_dim3A_1558 = vector.broadcast %broadcast_in_dim3A_1557 : f32 to vector<16xf32>
    %swap3A_1559 = arith.constant 24 : i32
    %swap3A_1560 = arith.index_cast %swap3A_1559 : i32 to index
    %swap3A_1561 = arith.constant 32 : index
    %swap3A_1562 = tpu.vector_load %arg8[%swap3A_1560, %swap3A_1561] {strides = array<i32>} : memref<32x128xf32, #tpu.memory_space<vmem>>, vector<1x16xf32>,
    %swap3A_1563 = vector.shape_cast %swap3A_1562 : vector<1x16xf32> to vector<16xf32>
    %swap3A_1564 = vector.shape_cast %broadcast_in_dim3A_1558 : vector<16xf32> to vector<1x16xf32>
    tpu.vector_store %arg8[%swap3A_1560, %swap3A_1561], %swap3A_1564 {strides = array<i32>} : memref<32x128xf32, #tpu.memory_space<vmem>>, vector<1x16xf32>,
    %broadcast_in_dim3A_1565 = arith.constant 0.000000e+00 : f32
    %broadcast_in_dim3A_1566 = vector.broadcast %broadcast_in_dim3A_1565 : f32 to vector<16xf32>
    %swap3A_1567 = arith.constant 24 : i32
    %swap3A_1568 = arith.index_cast %swap3A_1567 : i32 to index
    %swap3A_1569 = arith.constant 48 : index
    %swap3A_1570 = tpu.vector_load %arg8[%swap3A_1568, %swap3A_1569] {strides = array<i32>} : memref<32x128xf32, #tpu.memory_space<vmem>>, vector<1x16xf32>,
    %swap3A_1571 = vector.shape_cast %swap3A_1570 : vector<1x16xf32> to vector<16xf32>
    %swap3A_1572 = vector.shape_cast %broadcast_in_dim3A_1566 : vector<16xf32> to vector<1x16xf32>
    tpu.vector_store %arg8[%swap3A_1568, %swap3A_1569], %swap3A_1572 {strides = array<i32>} : memref<32x128xf32, #tpu.memory_space<vmem>>, vector<1x16xf32>,
    %broadcast_in_dim3A_1573 = arith.constant 0.000000e+00 : f32
    %broadcast_in_dim3A_1574 = vector.broadcast %broadcast_in_dim3A_1573 : f32 to vector<16xf32>
    %swap3A_1575 = arith.constant 24 : i32
    %swap3A_1576 = arith.index_cast %swap3A_1575 : i32 to index
    %swap3A_1577 = arith.constant 64 : index
    %swap3A_1578 = tpu.vector_load %arg8[%swap3A_1576, %swap3A_1577] {strides = array<i32>} : memref<32x128xf32, #tpu.memory_space<vmem>>, vector<1x16xf32>,
    %swap3A_1579 = vector.shape_cast %swap3A_1578 : vector<1x16xf32> to vector<16xf32>
    %swap3A_1580 = vector.shape_cast %broadcast_in_dim3A_1574 : vector<16xf32> to vector<1x16xf32>
    tpu.vector_store %arg8[%swap3A_1576, %swap3A_1577], %swap3A_1580 {strides = array<i32>} : memref<32x128xf32, #tpu.memory_space<vmem>>, vector<1x16xf32>,
    %broadcast_in_dim3A_1581 = arith.constant 0.000000e+00 : f32
    %broadcast_in_dim3A_1582 = vector.broadcast %broadcast_in_dim3A_1581 : f32 to vector<16xf32>
    %swap3A_1583 = arith.constant 24 : i32
    %swap3A_1584 = arith.index_cast %swap3A_1583 : i32 to index
    %swap3A_1585 = arith.constant 80 : index
    %swap3A_1586 = tpu.vector_load %arg8[%swap3A_1584, %swap3A_1585] {strides = array<i32>} : memref<32x128xf32, #tpu.memory_space<vmem>>, vector<1x16xf32>,
    %swap3A_1587 = vector.shape_cast %swap3A_1586 : vector<1x16xf32> to vector<16xf32>
    %swap3A_1588 = vector.shape_cast %broadcast_in_dim3A_1582 : vector<16xf32> to vector<1x16xf32>
    tpu.vector_store %arg8[%swap3A_1584, %swap3A_1585], %swap3A_1588 {strides = array<i32>} : memref<32x128xf32, #tpu.memory_space<vmem>>, vector<1x16xf32>,
    %broadcast_in_dim3A_1589 = arith.constant 0.000000e+00 : f32
    %broadcast_in_dim3A_1590 = vector.broadcast %broadcast_in_dim3A_1589 : f32 to vector<16xf32>
    %swap3A_1591 = arith.constant 24 : i32
    %swap3A_1592 = arith.index_cast %swap3A_1591 : i32 to index
    %swap3A_1593 = arith.constant 96 : index
    %swap3A_1594 = tpu.vector_load %arg8[%swap3A_1592, %swap3A_1593] {strides = array<i32>} : memref<32x128xf32, #tpu.memory_space<vmem>>, vector<1x16xf32>,
    %swap3A_1595 = vector.shape_cast %swap3A_1594 : vector<1x16xf32> to vector<16xf32>
    %swap3A_1596 = vector.shape_cast %broadcast_in_dim3A_1590 : vector<16xf32> to vector<1x16xf32>
    tpu.vector_store %arg8[%swap3A_1592, %swap3A_1593], %swap3A_1596 {strides = array<i32>} : memref<32x128xf32, #tpu.memory_space<vmem>>, vector<1x16xf32>,
    %broadcast_in_dim3A_1597 = arith.constant 0.000000e+00 : f32
    %broadcast_in_dim3A_1598 = vector.broadcast %broadcast_in_dim3A_1597 : f32 to vector<16xf32>
    %swap3A_1599 = arith.constant 24 : i32
    %swap3A_1600 = arith.index_cast %swap3A_1599 : i32 to index
    %swap3A_1601 = arith.constant 112 : index
    %swap3A_1602 = tpu.vector_load %arg8[%swap3A_1600, %swap3A_1601] {strides = array<i32>} : memref<32x128xf32, #tpu.memory_space<vmem>>, vector<1x16xf32>,
    %swap3A_1603 = vector.shape_cast %swap3A_1602 : vector<1x16xf32> to vector<16xf32>
    %swap3A_1604 = vector.shape_cast %broadcast_in_dim3A_1598 : vector<16xf32> to vector<1x16xf32>
    tpu.vector_store %arg8[%swap3A_1600, %swap3A_1601], %swap3A_1604 {strides = array<i32>} : memref<32x128xf32, #tpu.memory_space<vmem>>, vector<1x16xf32>,
    %broadcast_in_dim3A_1605 = arith.constant 0.000000e+00 : f32
    %broadcast_in_dim3A_1606 = vector.broadcast %broadcast_in_dim3A_1605 : f32 to vector<16xf32>
    %swap3A_1607 = arith.constant 25 : i32
    %swap3A_1608 = arith.index_cast %swap3A_1607 : i32 to index
    %swap3A_1609 = arith.constant 0 : index
    %swap3A_1610 = tpu.vector_load %arg8[%swap3A_1608, %swap3A_1609] {strides = array<i32>} : memref<32x128xf32, #tpu.memory_space<vmem>>, vector<1x16xf32>,
    %swap3A_1611 = vector.shape_cast %swap3A_1610 : vector<1x16xf32> to vector<16xf32>
    %swap3A_1612 = vector.shape_cast %broadcast_in_dim3A_1606 : vector<16xf32> to vector<1x16xf32>
    tpu.vector_store %arg8[%swap3A_1608, %swap3A_1609], %swap3A_1612 {strides = array<i32>} : memref<32x128xf32, #tpu.memory_space<vmem>>, vector<1x16xf32>,
    %broadcast_in_dim3A_1613 = arith.constant 0.000000e+00 : f32
    %broadcast_in_dim3A_1614 = vector.broadcast %broadcast_in_dim3A_1613 : f32 to vector<16xf32>
    %swap3A_1615 = arith.constant 25 : i32
    %swap3A_1616 = arith.index_cast %swap3A_1615 : i32 to index
    %swap3A_1617 = arith.constant 16 : index
    %swap3A_1618 = tpu.vector_load %arg8[%swap3A_1616, %swap3A_1617] {strides = array<i32>} : memref<32x128xf32, #tpu.memory_space<vmem>>, vector<1x16xf32>,
    %swap3A_1619 = vector.shape_cast %swap3A_1618 : vector<1x16xf32> to vector<16xf32>
    %swap3A_1620 = vector.shape_cast %broadcast_in_dim3A_1614 : vector<16xf32> to vector<1x16xf32>
    tpu.vector_store %arg8[%swap3A_1616, %swap3A_1617], %swap3A_1620 {strides = array<i32>} : memref<32x128xf32, #tpu.memory_space<vmem>>, vector<1x16xf32>,
    %broadcast_in_dim3A_1621 = arith.constant 0.000000e+00 : f32
    %broadcast_in_dim3A_1622 = vector.broadcast %broadcast_in_dim3A_1621 : f32 to vector<16xf32>
    %swap3A_1623 = arith.constant 25 : i32
    %swap3A_1624 = arith.index_cast %swap3A_1623 : i32 to index
    %swap3A_1625 = arith.constant 32 : index
    %swap3A_1626 = tpu.vector_load %arg8[%swap3A_1624, %swap3A_1625] {strides = array<i32>} : memref<32x128xf32, #tpu.memory_space<vmem>>, vector<1x16xf32>,
    %swap3A_1627 = vector.shape_cast %swap3A_1626 : vector<1x16xf32> to vector<16xf32>
    %swap3A_1628 = vector.shape_cast %broadcast_in_dim3A_1622 : vector<16xf32> to vector<1x16xf32>
    tpu.vector_store %arg8[%swap3A_1624, %swap3A_1625], %swap3A_1628 {strides = array<i32>} : memref<32x128xf32, #tpu.memory_space<vmem>>, vector<1x16xf32>,
    %broadcast_in_dim3A_1629 = arith.constant 0.000000e+00 : f32
    %broadcast_in_dim3A_1630 = vector.broadcast %broadcast_in_dim3A_1629 : f32 to vector<16xf32>
    %swap3A_1631 = arith.constant 25 : i32
    %swap3A_1632 = arith.index_cast %swap3A_1631 : i32 to index
    %swap3A_1633 = arith.constant 48 : index
    %swap3A_1634 = tpu.vector_load %arg8[%swap3A_1632, %swap3A_1633] {strides = array<i32>} : memref<32x128xf32, #tpu.memory_space<vmem>>, vector<1x16xf32>,
    %swap3A_1635 = vector.shape_cast %swap3A_1634 : vector<1x16xf32> to vector<16xf32>
    %swap3A_1636 = vector.shape_cast %broadcast_in_dim3A_1630 : vector<16xf32> to vector<1x16xf32>
    tpu.vector_store %arg8[%swap3A_1632, %swap3A_1633], %swap3A_1636 {strides = array<i32>} : memref<32x128xf32, #tpu.memory_space<vmem>>, vector<1x16xf32>,
    %broadcast_in_dim3A_1637 = arith.constant 0.000000e+00 : f32
    %broadcast_in_dim3A_1638 = vector.broadcast %broadcast_in_dim3A_1637 : f32 to vector<16xf32>
    %swap3A_1639 = arith.constant 25 : i32
    %swap3A_1640 = arith.index_cast %swap3A_1639 : i32 to index
    %swap3A_1641 = arith.constant 64 : index
    %swap3A_1642 = tpu.vector_load %arg8[%swap3A_1640, %swap3A_1641] {strides = array<i32>} : memref<32x128xf32, #tpu.memory_space<vmem>>, vector<1x16xf32>,
    %swap3A_1643 = vector.shape_cast %swap3A_1642 : vector<1x16xf32> to vector<16xf32>
    %swap3A_1644 = vector.shape_cast %broadcast_in_dim3A_1638 : vector<16xf32> to vector<1x16xf32>
    tpu.vector_store %arg8[%swap3A_1640, %swap3A_1641], %swap3A_1644 {strides = array<i32>} : memref<32x128xf32, #tpu.memory_space<vmem>>, vector<1x16xf32>,
    %broadcast_in_dim3A_1645 = arith.constant 0.000000e+00 : f32
    %broadcast_in_dim3A_1646 = vector.broadcast %broadcast_in_dim3A_1645 : f32 to vector<16xf32>
    %swap3A_1647 = arith.constant 25 : i32
    %swap3A_1648 = arith.index_cast %swap3A_1647 : i32 to index
    %swap3A_1649 = arith.constant 80 : index
    %swap3A_1650 = tpu.vector_load %arg8[%swap3A_1648, %swap3A_1649] {strides = array<i32>} : memref<32x128xf32, #tpu.memory_space<vmem>>, vector<1x16xf32>,
    %swap3A_1651 = vector.shape_cast %swap3A_1650 : vector<1x16xf32> to vector<16xf32>
    %swap3A_1652 = vector.shape_cast %broadcast_in_dim3A_1646 : vector<16xf32> to vector<1x16xf32>
    tpu.vector_store %arg8[%swap3A_1648, %swap3A_1649], %swap3A_1652 {strides = array<i32>} : memref<32x128xf32, #tpu.memory_space<vmem>>, vector<1x16xf32>,
    %broadcast_in_dim3A_1653 = arith.constant 0.000000e+00 : f32
    %broadcast_in_dim3A_1654 = vector.broadcast %broadcast_in_dim3A_1653 : f32 to vector<16xf32>
    %swap3A_1655 = arith.constant 25 : i32
    %swap3A_1656 = arith.index_cast %swap3A_1655 : i32 to index
    %swap3A_1657 = arith.constant 96 : index
    %swap3A_1658 = tpu.vector_load %arg8[%swap3A_1656, %swap3A_1657] {strides = array<i32>} : memref<32x128xf32, #tpu.memory_space<vmem>>, vector<1x16xf32>,
    %swap3A_1659 = vector.shape_cast %swap3A_1658 : vector<1x16xf32> to vector<16xf32>
    %swap3A_1660 = vector.shape_cast %broadcast_in_dim3A_1654 : vector<16xf32> to vector<1x16xf32>
    tpu.vector_store %arg8[%swap3A_1656, %swap3A_1657], %swap3A_1660 {strides = array<i32>} : memref<32x128xf32, #tpu.memory_space<vmem>>, vector<1x16xf32>,
    %broadcast_in_dim3A_1661 = arith.constant 0.000000e+00 : f32
    %broadcast_in_dim3A_1662 = vector.broadcast %broadcast_in_dim3A_1661 : f32 to vector<16xf32>
    %swap3A_1663 = arith.constant 25 : i32
    %swap3A_1664 = arith.index_cast %swap3A_1663 : i32 to index
    %swap3A_1665 = arith.constant 112 : index
    %swap3A_1666 = tpu.vector_load %arg8[%swap3A_1664, %swap3A_1665] {strides = array<i32>} : memref<32x128xf32, #tpu.memory_space<vmem>>, vector<1x16xf32>,
    %swap3A_1667 = vector.shape_cast %swap3A_1666 : vector<1x16xf32> to vector<16xf32>
    %swap3A_1668 = vector.shape_cast %broadcast_in_dim3A_1662 : vector<16xf32> to vector<1x16xf32>
    tpu.vector_store %arg8[%swap3A_1664, %swap3A_1665], %swap3A_1668 {strides = array<i32>} : memref<32x128xf32, #tpu.memory_space<vmem>>, vector<1x16xf32>,
    %broadcast_in_dim3A_1669 = arith.constant 0.000000e+00 : f32
    %broadcast_in_dim3A_1670 = vector.broadcast %broadcast_in_dim3A_1669 : f32 to vector<16xf32>
    %swap3A_1671 = arith.constant 26 : i32
    %swap3A_1672 = arith.index_cast %swap3A_1671 : i32 to index
    %swap3A_1673 = arith.constant 0 : index
    %swap3A_1674 = tpu.vector_load %arg8[%swap3A_1672, %swap3A_1673] {strides = array<i32>} : memref<32x128xf32, #tpu.memory_space<vmem>>, vector<1x16xf32>,
    %swap3A_1675 = vector.shape_cast %swap3A_1674 : vector<1x16xf32> to vector<16xf32>
    %swap3A_1676 = vector.shape_cast %broadcast_in_dim3A_1670 : vector<16xf32> to vector<1x16xf32>
    tpu.vector_store %arg8[%swap3A_1672, %swap3A_1673], %swap3A_1676 {strides = array<i32>} : memref<32x128xf32, #tpu.memory_space<vmem>>, vector<1x16xf32>,
    %broadcast_in_dim3A_1677 = arith.constant 0.000000e+00 : f32
    %broadcast_in_dim3A_1678 = vector.broadcast %broadcast_in_dim3A_1677 : f32 to vector<16xf32>
    %swap3A_1679 = arith.constant 26 : i32
    %swap3A_1680 = arith.index_cast %swap3A_1679 : i32 to index
    %swap3A_1681 = arith.constant 16 : index
    %swap3A_1682 = tpu.vector_load %arg8[%swap3A_1680, %swap3A_1681] {strides = array<i32>} : memref<32x128xf32, #tpu.memory_space<vmem>>, vector<1x16xf32>,
    %swap3A_1683 = vector.shape_cast %swap3A_1682 : vector<1x16xf32> to vector<16xf32>
    %swap3A_1684 = vector.shape_cast %broadcast_in_dim3A_1678 : vector<16xf32> to vector<1x16xf32>
    tpu.vector_store %arg8[%swap3A_1680, %swap3A_1681], %swap3A_1684 {strides = array<i32>} : memref<32x128xf32, #tpu.memory_space<vmem>>, vector<1x16xf32>,
    %broadcast_in_dim3A_1685 = arith.constant 0.000000e+00 : f32
    %broadcast_in_dim3A_1686 = vector.broadcast %broadcast_in_dim3A_1685 : f32 to vector<16xf32>
    %swap3A_1687 = arith.constant 26 : i32
    %swap3A_1688 = arith.index_cast %swap3A_1687 : i32 to index
    %swap3A_1689 = arith.constant 32 : index
    %swap3A_1690 = tpu.vector_load %arg8[%swap3A_1688, %swap3A_1689] {strides = array<i32>} : memref<32x128xf32, #tpu.memory_space<vmem>>, vector<1x16xf32>,
    %swap3A_1691 = vector.shape_cast %swap3A_1690 : vector<1x16xf32> to vector<16xf32>
    %swap3A_1692 = vector.shape_cast %broadcast_in_dim3A_1686 : vector<16xf32> to vector<1x16xf32>
    tpu.vector_store %arg8[%swap3A_1688, %swap3A_1689], %swap3A_1692 {strides = array<i32>} : memref<32x128xf32, #tpu.memory_space<vmem>>, vector<1x16xf32>,
    %broadcast_in_dim3A_1693 = arith.constant 0.000000e+00 : f32
    %broadcast_in_dim3A_1694 = vector.broadcast %broadcast_in_dim3A_1693 : f32 to vector<16xf32>
    %swap3A_1695 = arith.constant 26 : i32
    %swap3A_1696 = arith.index_cast %swap3A_1695 : i32 to index
    %swap3A_1697 = arith.constant 48 : index
    %swap3A_1698 = tpu.vector_load %arg8[%swap3A_1696, %swap3A_1697] {strides = array<i32>} : memref<32x128xf32, #tpu.memory_space<vmem>>, vector<1x16xf32>,
    %swap3A_1699 = vector.shape_cast %swap3A_1698 : vector<1x16xf32> to vector<16xf32>
    %swap3A_1700 = vector.shape_cast %broadcast_in_dim3A_1694 : vector<16xf32> to vector<1x16xf32>
    tpu.vector_store %arg8[%swap3A_1696, %swap3A_1697], %swap3A_1700 {strides = array<i32>} : memref<32x128xf32, #tpu.memory_space<vmem>>, vector<1x16xf32>,
    %broadcast_in_dim3A_1701 = arith.constant 0.000000e+00 : f32
    %broadcast_in_dim3A_1702 = vector.broadcast %broadcast_in_dim3A_1701 : f32 to vector<16xf32>
    %swap3A_1703 = arith.constant 26 : i32
    %swap3A_1704 = arith.index_cast %swap3A_1703 : i32 to index
    %swap3A_1705 = arith.constant 64 : index
    %swap3A_1706 = tpu.vector_load %arg8[%swap3A_1704, %swap3A_1705] {strides = array<i32>} : memref<32x128xf32, #tpu.memory_space<vmem>>, vector<1x16xf32>,
    %swap3A_1707 = vector.shape_cast %swap3A_1706 : vector<1x16xf32> to vector<16xf32>
    %swap3A_1708 = vector.shape_cast %broadcast_in_dim3A_1702 : vector<16xf32> to vector<1x16xf32>
    tpu.vector_store %arg8[%swap3A_1704, %swap3A_1705], %swap3A_1708 {strides = array<i32>} : memref<32x128xf32, #tpu.memory_space<vmem>>, vector<1x16xf32>,
    %broadcast_in_dim3A_1709 = arith.constant 0.000000e+00 : f32
    %broadcast_in_dim3A_1710 = vector.broadcast %broadcast_in_dim3A_1709 : f32 to vector<16xf32>
    %swap3A_1711 = arith.constant 26 : i32
    %swap3A_1712 = arith.index_cast %swap3A_1711 : i32 to index
    %swap3A_1713 = arith.constant 80 : index
    %swap3A_1714 = tpu.vector_load %arg8[%swap3A_1712, %swap3A_1713] {strides = array<i32>} : memref<32x128xf32, #tpu.memory_space<vmem>>, vector<1x16xf32>,
    %swap3A_1715 = vector.shape_cast %swap3A_1714 : vector<1x16xf32> to vector<16xf32>
    %swap3A_1716 = vector.shape_cast %broadcast_in_dim3A_1710 : vector<16xf32> to vector<1x16xf32>
    tpu.vector_store %arg8[%swap3A_1712, %swap3A_1713], %swap3A_1716 {strides = array<i32>} : memref<32x128xf32, #tpu.memory_space<vmem>>, vector<1x16xf32>,
    %broadcast_in_dim3A_1717 = arith.constant 0.000000e+00 : f32
    %broadcast_in_dim3A_1718 = vector.broadcast %broadcast_in_dim3A_1717 : f32 to vector<16xf32>
    %swap3A_1719 = arith.constant 26 : i32
    %swap3A_1720 = arith.index_cast %swap3A_1719 : i32 to index
    %swap3A_1721 = arith.constant 96 : index
    %swap3A_1722 = tpu.vector_load %arg8[%swap3A_1720, %swap3A_1721] {strides = array<i32>} : memref<32x128xf32, #tpu.memory_space<vmem>>, vector<1x16xf32>,
    %swap3A_1723 = vector.shape_cast %swap3A_1722 : vector<1x16xf32> to vector<16xf32>
    %swap3A_1724 = vector.shape_cast %broadcast_in_dim3A_1718 : vector<16xf32> to vector<1x16xf32>
    tpu.vector_store %arg8[%swap3A_1720, %swap3A_1721], %swap3A_1724 {strides = array<i32>} : memref<32x128xf32, #tpu.memory_space<vmem>>, vector<1x16xf32>,
    %broadcast_in_dim3A_1725 = arith.constant 0.000000e+00 : f32
    %broadcast_in_dim3A_1726 = vector.broadcast %broadcast_in_dim3A_1725 : f32 to vector<16xf32>
    %swap3A_1727 = arith.constant 26 : i32
    %swap3A_1728 = arith.index_cast %swap3A_1727 : i32 to index
    %swap3A_1729 = arith.constant 112 : index
    %swap3A_1730 = tpu.vector_load %arg8[%swap3A_1728, %swap3A_1729] {strides = array<i32>} : memref<32x128xf32, #tpu.memory_space<vmem>>, vector<1x16xf32>,
    %swap3A_1731 = vector.shape_cast %swap3A_1730 : vector<1x16xf32> to vector<16xf32>
    %swap3A_1732 = vector.shape_cast %broadcast_in_dim3A_1726 : vector<16xf32> to vector<1x16xf32>
    tpu.vector_store %arg8[%swap3A_1728, %swap3A_1729], %swap3A_1732 {strides = array<i32>} : memref<32x128xf32, #tpu.memory_space<vmem>>, vector<1x16xf32>,
    %broadcast_in_dim3A_1733 = arith.constant 0.000000e+00 : f32
    %broadcast_in_dim3A_1734 = vector.broadcast %broadcast_in_dim3A_1733 : f32 to vector<16xf32>
    %swap3A_1735 = arith.constant 27 : i32
    %swap3A_1736 = arith.index_cast %swap3A_1735 : i32 to index
    %swap3A_1737 = arith.constant 0 : index
    %swap3A_1738 = tpu.vector_load %arg8[%swap3A_1736, %swap3A_1737] {strides = array<i32>} : memref<32x128xf32, #tpu.memory_space<vmem>>, vector<1x16xf32>,
    %swap3A_1739 = vector.shape_cast %swap3A_1738 : vector<1x16xf32> to vector<16xf32>
    %swap3A_1740 = vector.shape_cast %broadcast_in_dim3A_1734 : vector<16xf32> to vector<1x16xf32>
    tpu.vector_store %arg8[%swap3A_1736, %swap3A_1737], %swap3A_1740 {strides = array<i32>} : memref<32x128xf32, #tpu.memory_space<vmem>>, vector<1x16xf32>,
    %broadcast_in_dim3A_1741 = arith.constant 0.000000e+00 : f32
    %broadcast_in_dim3A_1742 = vector.broadcast %broadcast_in_dim3A_1741 : f32 to vector<16xf32>
    %swap3A_1743 = arith.constant 27 : i32
    %swap3A_1744 = arith.index_cast %swap3A_1743 : i32 to index
    %swap3A_1745 = arith.constant 16 : index
    %swap3A_1746 = tpu.vector_load %arg8[%swap3A_1744, %swap3A_1745] {strides = array<i32>} : memref<32x128xf32, #tpu.memory_space<vmem>>, vector<1x16xf32>,
    %swap3A_1747 = vector.shape_cast %swap3A_1746 : vector<1x16xf32> to vector<16xf32>
    %swap3A_1748 = vector.shape_cast %broadcast_in_dim3A_1742 : vector<16xf32> to vector<1x16xf32>
    tpu.vector_store %arg8[%swap3A_1744, %swap3A_1745], %swap3A_1748 {strides = array<i32>} : memref<32x128xf32, #tpu.memory_space<vmem>>, vector<1x16xf32>,
    %broadcast_in_dim3A_1749 = arith.constant 0.000000e+00 : f32
    %broadcast_in_dim3A_1750 = vector.broadcast %broadcast_in_dim3A_1749 : f32 to vector<16xf32>
    %swap3A_1751 = arith.constant 27 : i32
    %swap3A_1752 = arith.index_cast %swap3A_1751 : i32 to index
    %swap3A_1753 = arith.constant 32 : index
    %swap3A_1754 = tpu.vector_load %arg8[%swap3A_1752, %swap3A_1753] {strides = array<i32>} : memref<32x128xf32, #tpu.memory_space<vmem>>, vector<1x16xf32>,
    %swap3A_1755 = vector.shape_cast %swap3A_1754 : vector<1x16xf32> to vector<16xf32>
    %swap3A_1756 = vector.shape_cast %broadcast_in_dim3A_1750 : vector<16xf32> to vector<1x16xf32>
    tpu.vector_store %arg8[%swap3A_1752, %swap3A_1753], %swap3A_1756 {strides = array<i32>} : memref<32x128xf32, #tpu.memory_space<vmem>>, vector<1x16xf32>,
    %broadcast_in_dim3A_1757 = arith.constant 0.000000e+00 : f32
    %broadcast_in_dim3A_1758 = vector.broadcast %broadcast_in_dim3A_1757 : f32 to vector<16xf32>
    %swap3A_1759 = arith.constant 27 : i32
    %swap3A_1760 = arith.index_cast %swap3A_1759 : i32 to index
    %swap3A_1761 = arith.constant 48 : index
    %swap3A_1762 = tpu.vector_load %arg8[%swap3A_1760, %swap3A_1761] {strides = array<i32>} : memref<32x128xf32, #tpu.memory_space<vmem>>, vector<1x16xf32>,
    %swap3A_1763 = vector.shape_cast %swap3A_1762 : vector<1x16xf32> to vector<16xf32>
    %swap3A_1764 = vector.shape_cast %broadcast_in_dim3A_1758 : vector<16xf32> to vector<1x16xf32>
    tpu.vector_store %arg8[%swap3A_1760, %swap3A_1761], %swap3A_1764 {strides = array<i32>} : memref<32x128xf32, #tpu.memory_space<vmem>>, vector<1x16xf32>,
    %broadcast_in_dim3A_1765 = arith.constant 0.000000e+00 : f32
    %broadcast_in_dim3A_1766 = vector.broadcast %broadcast_in_dim3A_1765 : f32 to vector<16xf32>
    %swap3A_1767 = arith.constant 27 : i32
    %swap3A_1768 = arith.index_cast %swap3A_1767 : i32 to index
    %swap3A_1769 = arith.constant 64 : index
    %swap3A_1770 = tpu.vector_load %arg8[%swap3A_1768, %swap3A_1769] {strides = array<i32>} : memref<32x128xf32, #tpu.memory_space<vmem>>, vector<1x16xf32>,
    %swap3A_1771 = vector.shape_cast %swap3A_1770 : vector<1x16xf32> to vector<16xf32>
    %swap3A_1772 = vector.shape_cast %broadcast_in_dim3A_1766 : vector<16xf32> to vector<1x16xf32>
    tpu.vector_store %arg8[%swap3A_1768, %swap3A_1769], %swap3A_1772 {strides = array<i32>} : memref<32x128xf32, #tpu.memory_space<vmem>>, vector<1x16xf32>,
    %broadcast_in_dim3A_1773 = arith.constant 0.000000e+00 : f32
    %broadcast_in_dim3A_1774 = vector.broadcast %broadcast_in_dim3A_1773 : f32 to vector<16xf32>
    %swap3A_1775 = arith.constant 27 : i32
    %swap3A_1776 = arith.index_cast %swap3A_1775 : i32 to index
    %swap3A_1777 = arith.constant 80 : index
    %swap3A_1778 = tpu.vector_load %arg8[%swap3A_1776, %swap3A_1777] {strides = array<i32>} : memref<32x128xf32, #tpu.memory_space<vmem>>, vector<1x16xf32>,
    %swap3A_1779 = vector.shape_cast %swap3A_1778 : vector<1x16xf32> to vector<16xf32>
    %swap3A_1780 = vector.shape_cast %broadcast_in_dim3A_1774 : vector<16xf32> to vector<1x16xf32>
    tpu.vector_store %arg8[%swap3A_1776, %swap3A_1777], %swap3A_1780 {strides = array<i32>} : memref<32x128xf32, #tpu.memory_space<vmem>>, vector<1x16xf32>,
    %broadcast_in_dim3A_1781 = arith.constant 0.000000e+00 : f32
    %broadcast_in_dim3A_1782 = vector.broadcast %broadcast_in_dim3A_1781 : f32 to vector<16xf32>
    %swap3A_1783 = arith.constant 27 : i32
    %swap3A_1784 = arith.index_cast %swap3A_1783 : i32 to index
    %swap3A_1785 = arith.constant 96 : index
    %swap3A_1786 = tpu.vector_load %arg8[%swap3A_1784, %swap3A_1785] {strides = array<i32>} : memref<32x128xf32, #tpu.memory_space<vmem>>, vector<1x16xf32>,
    %swap3A_1787 = vector.shape_cast %swap3A_1786 : vector<1x16xf32> to vector<16xf32>
    %swap3A_1788 = vector.shape_cast %broadcast_in_dim3A_1782 : vector<16xf32> to vector<1x16xf32>
    tpu.vector_store %arg8[%swap3A_1784, %swap3A_1785], %swap3A_1788 {strides = array<i32>} : memref<32x128xf32, #tpu.memory_space<vmem>>, vector<1x16xf32>,
    %broadcast_in_dim3A_1789 = arith.constant 0.000000e+00 : f32
    %broadcast_in_dim3A_1790 = vector.broadcast %broadcast_in_dim3A_1789 : f32 to vector<16xf32>
    %swap3A_1791 = arith.constant 27 : i32
    %swap3A_1792 = arith.index_cast %swap3A_1791 : i32 to index
    %swap3A_1793 = arith.constant 112 : index
    %swap3A_1794 = tpu.vector_load %arg8[%swap3A_1792, %swap3A_1793] {strides = array<i32>} : memref<32x128xf32, #tpu.memory_space<vmem>>, vector<1x16xf32>,
    %swap3A_1795 = vector.shape_cast %swap3A_1794 : vector<1x16xf32> to vector<16xf32>
    %swap3A_1796 = vector.shape_cast %broadcast_in_dim3A_1790 : vector<16xf32> to vector<1x16xf32>
    tpu.vector_store %arg8[%swap3A_1792, %swap3A_1793], %swap3A_1796 {strides = array<i32>} : memref<32x128xf32, #tpu.memory_space<vmem>>, vector<1x16xf32>,
    %broadcast_in_dim3A_1797 = arith.constant 0.000000e+00 : f32
    %broadcast_in_dim3A_1798 = vector.broadcast %broadcast_in_dim3A_1797 : f32 to vector<16xf32>
    %swap3A_1799 = arith.constant 28 : i32
    %swap3A_1800 = arith.index_cast %swap3A_1799 : i32 to index
    %swap3A_1801 = arith.constant 0 : index
    %swap3A_1802 = tpu.vector_load %arg8[%swap3A_1800, %swap3A_1801] {strides = array<i32>} : memref<32x128xf32, #tpu.memory_space<vmem>>, vector<1x16xf32>,
    %swap3A_1803 = vector.shape_cast %swap3A_1802 : vector<1x16xf32> to vector<16xf32>
    %swap3A_1804 = vector.shape_cast %broadcast_in_dim3A_1798 : vector<16xf32> to vector<1x16xf32>
    tpu.vector_store %arg8[%swap3A_1800, %swap3A_1801], %swap3A_1804 {strides = array<i32>} : memref<32x128xf32, #tpu.memory_space<vmem>>, vector<1x16xf32>,
    %broadcast_in_dim3A_1805 = arith.constant 0.000000e+00 : f32
    %broadcast_in_dim3A_1806 = vector.broadcast %broadcast_in_dim3A_1805 : f32 to vector<16xf32>
    %swap3A_1807 = arith.constant 28 : i32
    %swap3A_1808 = arith.index_cast %swap3A_1807 : i32 to index
    %swap3A_1809 = arith.constant 16 : index
    %swap3A_1810 = tpu.vector_load %arg8[%swap3A_1808, %swap3A_1809] {strides = array<i32>} : memref<32x128xf32, #tpu.memory_space<vmem>>, vector<1x16xf32>,
    %swap3A_1811 = vector.shape_cast %swap3A_1810 : vector<1x16xf32> to vector<16xf32>
    %swap3A_1812 = vector.shape_cast %broadcast_in_dim3A_1806 : vector<16xf32> to vector<1x16xf32>
    tpu.vector_store %arg8[%swap3A_1808, %swap3A_1809], %swap3A_1812 {strides = array<i32>} : memref<32x128xf32, #tpu.memory_space<vmem>>, vector<1x16xf32>,
    %broadcast_in_dim3A_1813 = arith.constant 0.000000e+00 : f32
    %broadcast_in_dim3A_1814 = vector.broadcast %broadcast_in_dim3A_1813 : f32 to vector<16xf32>
    %swap3A_1815 = arith.constant 28 : i32
    %swap3A_1816 = arith.index_cast %swap3A_1815 : i32 to index
    %swap3A_1817 = arith.constant 32 : index
    %swap3A_1818 = tpu.vector_load %arg8[%swap3A_1816, %swap3A_1817] {strides = array<i32>} : memref<32x128xf32, #tpu.memory_space<vmem>>, vector<1x16xf32>,
    %swap3A_1819 = vector.shape_cast %swap3A_1818 : vector<1x16xf32> to vector<16xf32>
    %swap3A_1820 = vector.shape_cast %broadcast_in_dim3A_1814 : vector<16xf32> to vector<1x16xf32>
    tpu.vector_store %arg8[%swap3A_1816, %swap3A_1817], %swap3A_1820 {strides = array<i32>} : memref<32x128xf32, #tpu.memory_space<vmem>>, vector<1x16xf32>,
    %broadcast_in_dim3A_1821 = arith.constant 0.000000e+00 : f32
    %broadcast_in_dim3A_1822 = vector.broadcast %broadcast_in_dim3A_1821 : f32 to vector<16xf32>
    %swap3A_1823 = arith.constant 28 : i32
    %swap3A_1824 = arith.index_cast %swap3A_1823 : i32 to index
    %swap3A_1825 = arith.constant 48 : index
    %swap3A_1826 = tpu.vector_load %arg8[%swap3A_1824, %swap3A_1825] {strides = array<i32>} : memref<32x128xf32, #tpu.memory_space<vmem>>, vector<1x16xf32>,
    %swap3A_1827 = vector.shape_cast %swap3A_1826 : vector<1x16xf32> to vector<16xf32>
    %swap3A_1828 = vector.shape_cast %broadcast_in_dim3A_1822 : vector<16xf32> to vector<1x16xf32>
    tpu.vector_store %arg8[%swap3A_1824, %swap3A_1825], %swap3A_1828 {strides = array<i32>} : memref<32x128xf32, #tpu.memory_space<vmem>>, vector<1x16xf32>,
    %broadcast_in_dim3A_1829 = arith.constant 0.000000e+00 : f32
    %broadcast_in_dim3A_1830 = vector.broadcast %broadcast_in_dim3A_1829 : f32 to vector<16xf32>
    %swap3A_1831 = arith.constant 28 : i32
    %swap3A_1832 = arith.index_cast %swap3A_1831 : i32 to index
    %swap3A_1833 = arith.constant 64 : index
    %swap3A_1834 = tpu.vector_load %arg8[%swap3A_1832, %swap3A_1833] {strides = array<i32>} : memref<32x128xf32, #tpu.memory_space<vmem>>, vector<1x16xf32>,
    %swap3A_1835 = vector.shape_cast %swap3A_1834 : vector<1x16xf32> to vector<16xf32>
    %swap3A_1836 = vector.shape_cast %broadcast_in_dim3A_1830 : vector<16xf32> to vector<1x16xf32>
    tpu.vector_store %arg8[%swap3A_1832, %swap3A_1833], %swap3A_1836 {strides = array<i32>} : memref<32x128xf32, #tpu.memory_space<vmem>>, vector<1x16xf32>,
    %broadcast_in_dim3A_1837 = arith.constant 0.000000e+00 : f32
    %broadcast_in_dim3A_1838 = vector.broadcast %broadcast_in_dim3A_1837 : f32 to vector<16xf32>
    %swap3A_1839 = arith.constant 28 : i32
    %swap3A_1840 = arith.index_cast %swap3A_1839 : i32 to index
    %swap3A_1841 = arith.constant 80 : index
    %swap3A_1842 = tpu.vector_load %arg8[%swap3A_1840, %swap3A_1841] {strides = array<i32>} : memref<32x128xf32, #tpu.memory_space<vmem>>, vector<1x16xf32>,
    %swap3A_1843 = vector.shape_cast %swap3A_1842 : vector<1x16xf32> to vector<16xf32>
    %swap3A_1844 = vector.shape_cast %broadcast_in_dim3A_1838 : vector<16xf32> to vector<1x16xf32>
    tpu.vector_store %arg8[%swap3A_1840, %swap3A_1841], %swap3A_1844 {strides = array<i32>} : memref<32x128xf32, #tpu.memory_space<vmem>>, vector<1x16xf32>,
    %broadcast_in_dim3A_1845 = arith.constant 0.000000e+00 : f32
    %broadcast_in_dim3A_1846 = vector.broadcast %broadcast_in_dim3A_1845 : f32 to vector<16xf32>
    %swap3A_1847 = arith.constant 28 : i32
    %swap3A_1848 = arith.index_cast %swap3A_1847 : i32 to index
    %swap3A_1849 = arith.constant 96 : index
    %swap3A_1850 = tpu.vector_load %arg8[%swap3A_1848, %swap3A_1849] {strides = array<i32>} : memref<32x128xf32, #tpu.memory_space<vmem>>, vector<1x16xf32>,
    %swap3A_1851 = vector.shape_cast %swap3A_1850 : vector<1x16xf32> to vector<16xf32>
    %swap3A_1852 = vector.shape_cast %broadcast_in_dim3A_1846 : vector<16xf32> to vector<1x16xf32>
    tpu.vector_store %arg8[%swap3A_1848, %swap3A_1849], %swap3A_1852 {strides = array<i32>} : memref<32x128xf32, #tpu.memory_space<vmem>>, vector<1x16xf32>,
    %broadcast_in_dim3A_1853 = arith.constant 0.000000e+00 : f32
    %broadcast_in_dim3A_1854 = vector.broadcast %broadcast_in_dim3A_1853 : f32 to vector<16xf32>
    %swap3A_1855 = arith.constant 28 : i32
    %swap3A_1856 = arith.index_cast %swap3A_1855 : i32 to index
    %swap3A_1857 = arith.constant 112 : index
    %swap3A_1858 = tpu.vector_load %arg8[%swap3A_1856, %swap3A_1857] {strides = array<i32>} : memref<32x128xf32, #tpu.memory_space<vmem>>, vector<1x16xf32>,
    %swap3A_1859 = vector.shape_cast %swap3A_1858 : vector<1x16xf32> to vector<16xf32>
    %swap3A_1860 = vector.shape_cast %broadcast_in_dim3A_1854 : vector<16xf32> to vector<1x16xf32>
    tpu.vector_store %arg8[%swap3A_1856, %swap3A_1857], %swap3A_1860 {strides = array<i32>} : memref<32x128xf32, #tpu.memory_space<vmem>>, vector<1x16xf32>,
    %broadcast_in_dim3A_1861 = arith.constant 0.000000e+00 : f32
    %broadcast_in_dim3A_1862 = vector.broadcast %broadcast_in_dim3A_1861 : f32 to vector<16xf32>
    %swap3A_1863 = arith.constant 29 : i32
    %swap3A_1864 = arith.index_cast %swap3A_1863 : i32 to index
    %swap3A_1865 = arith.constant 0 : index
    %swap3A_1866 = tpu.vector_load %arg8[%swap3A_1864, %swap3A_1865] {strides = array<i32>} : memref<32x128xf32, #tpu.memory_space<vmem>>, vector<1x16xf32>,
    %swap3A_1867 = vector.shape_cast %swap3A_1866 : vector<1x16xf32> to vector<16xf32>
    %swap3A_1868 = vector.shape_cast %broadcast_in_dim3A_1862 : vector<16xf32> to vector<1x16xf32>
    tpu.vector_store %arg8[%swap3A_1864, %swap3A_1865], %swap3A_1868 {strides = array<i32>} : memref<32x128xf32, #tpu.memory_space<vmem>>, vector<1x16xf32>,
    %broadcast_in_dim3A_1869 = arith.constant 0.000000e+00 : f32
    %broadcast_in_dim3A_1870 = vector.broadcast %broadcast_in_dim3A_1869 : f32 to vector<16xf32>
    %swap3A_1871 = arith.constant 29 : i32
    %swap3A_1872 = arith.index_cast %swap3A_1871 : i32 to index
    %swap3A_1873 = arith.constant 16 : index
    %swap3A_1874 = tpu.vector_load %arg8[%swap3A_1872, %swap3A_1873] {strides = array<i32>} : memref<32x128xf32, #tpu.memory_space<vmem>>, vector<1x16xf32>,
    %swap3A_1875 = vector.shape_cast %swap3A_1874 : vector<1x16xf32> to vector<16xf32>
    %swap3A_1876 = vector.shape_cast %broadcast_in_dim3A_1870 : vector<16xf32> to vector<1x16xf32>
    tpu.vector_store %arg8[%swap3A_1872, %swap3A_1873], %swap3A_1876 {strides = array<i32>} : memref<32x128xf32, #tpu.memory_space<vmem>>, vector<1x16xf32>,
    %broadcast_in_dim3A_1877 = arith.constant 0.000000e+00 : f32
    %broadcast_in_dim3A_1878 = vector.broadcast %broadcast_in_dim3A_1877 : f32 to vector<16xf32>
    %swap3A_1879 = arith.constant 29 : i32
    %swap3A_1880 = arith.index_cast %swap3A_1879 : i32 to index
    %swap3A_1881 = arith.constant 32 : index
    %swap3A_1882 = tpu.vector_load %arg8[%swap3A_1880, %swap3A_1881] {strides = array<i32>} : memref<32x128xf32, #tpu.memory_space<vmem>>, vector<1x16xf32>,
    %swap3A_1883 = vector.shape_cast %swap3A_1882 : vector<1x16xf32> to vector<16xf32>
    %swap3A_1884 = vector.shape_cast %broadcast_in_dim3A_1878 : vector<16xf32> to vector<1x16xf32>
    tpu.vector_store %arg8[%swap3A_1880, %swap3A_1881], %swap3A_1884 {strides = array<i32>} : memref<32x128xf32, #tpu.memory_space<vmem>>, vector<1x16xf32>,
    %broadcast_in_dim3A_1885 = arith.constant 0.000000e+00 : f32
    %broadcast_in_dim3A_1886 = vector.broadcast %broadcast_in_dim3A_1885 : f32 to vector<16xf32>
    %swap3A_1887 = arith.constant 29 : i32
    %swap3A_1888 = arith.index_cast %swap3A_1887 : i32 to index
    %swap3A_1889 = arith.constant 48 : index
    %swap3A_1890 = tpu.vector_load %arg8[%swap3A_1888, %swap3A_1889] {strides = array<i32>} : memref<32x128xf32, #tpu.memory_space<vmem>>, vector<1x16xf32>,
    %swap3A_1891 = vector.shape_cast %swap3A_1890 : vector<1x16xf32> to vector<16xf32>
    %swap3A_1892 = vector.shape_cast %broadcast_in_dim3A_1886 : vector<16xf32> to vector<1x16xf32>
    tpu.vector_store %arg8[%swap3A_1888, %swap3A_1889], %swap3A_1892 {strides = array<i32>} : memref<32x128xf32, #tpu.memory_space<vmem>>, vector<1x16xf32>,
    %broadcast_in_dim3A_1893 = arith.constant 0.000000e+00 : f32
    %broadcast_in_dim3A_1894 = vector.broadcast %broadcast_in_dim3A_1893 : f32 to vector<16xf32>
    %swap3A_1895 = arith.constant 29 : i32
    %swap3A_1896 = arith.index_cast %swap3A_1895 : i32 to index
    %swap3A_1897 = arith.constant 64 : index
    %swap3A_1898 = tpu.vector_load %arg8[%swap3A_1896, %swap3A_1897] {strides = array<i32>} : memref<32x128xf32, #tpu.memory_space<vmem>>, vector<1x16xf32>,
    %swap3A_1899 = vector.shape_cast %swap3A_1898 : vector<1x16xf32> to vector<16xf32>
    %swap3A_1900 = vector.shape_cast %broadcast_in_dim3A_1894 : vector<16xf32> to vector<1x16xf32>
    tpu.vector_store %arg8[%swap3A_1896, %swap3A_1897], %swap3A_1900 {strides = array<i32>} : memref<32x128xf32, #tpu.memory_space<vmem>>, vector<1x16xf32>,
    %broadcast_in_dim3A_1901 = arith.constant 0.000000e+00 : f32
    %broadcast_in_dim3A_1902 = vector.broadcast %broadcast_in_dim3A_1901 : f32 to vector<16xf32>
    %swap3A_1903 = arith.constant 29 : i32
    %swap3A_1904 = arith.index_cast %swap3A_1903 : i32 to index
    %swap3A_1905 = arith.constant 80 : index
    %swap3A_1906 = tpu.vector_load %arg8[%swap3A_1904, %swap3A_1905] {strides = array<i32>} : memref<32x128xf32, #tpu.memory_space<vmem>>, vector<1x16xf32>,
    %swap3A_1907 = vector.shape_cast %swap3A_1906 : vector<1x16xf32> to vector<16xf32>
    %swap3A_1908 = vector.shape_cast %broadcast_in_dim3A_1902 : vector<16xf32> to vector<1x16xf32>
    tpu.vector_store %arg8[%swap3A_1904, %swap3A_1905], %swap3A_1908 {strides = array<i32>} : memref<32x128xf32, #tpu.memory_space<vmem>>, vector<1x16xf32>,
    %broadcast_in_dim3A_1909 = arith.constant 0.000000e+00 : f32
    %broadcast_in_dim3A_1910 = vector.broadcast %broadcast_in_dim3A_1909 : f32 to vector<16xf32>
    %swap3A_1911 = arith.constant 29 : i32
    %swap3A_1912 = arith.index_cast %swap3A_1911 : i32 to index
    %swap3A_1913 = arith.constant 96 : index
    %swap3A_1914 = tpu.vector_load %arg8[%swap3A_1912, %swap3A_1913] {strides = array<i32>} : memref<32x128xf32, #tpu.memory_space<vmem>>, vector<1x16xf32>,
    %swap3A_1915 = vector.shape_cast %swap3A_1914 : vector<1x16xf32> to vector<16xf32>
    %swap3A_1916 = vector.shape_cast %broadcast_in_dim3A_1910 : vector<16xf32> to vector<1x16xf32>
    tpu.vector_store %arg8[%swap3A_1912, %swap3A_1913], %swap3A_1916 {strides = array<i32>} : memref<32x128xf32, #tpu.memory_space<vmem>>, vector<1x16xf32>,
    %broadcast_in_dim3A_1917 = arith.constant 0.000000e+00 : f32
    %broadcast_in_dim3A_1918 = vector.broadcast %broadcast_in_dim3A_1917 : f32 to vector<16xf32>
    %swap3A_1919 = arith.constant 29 : i32
    %swap3A_1920 = arith.index_cast %swap3A_1919 : i32 to index
    %swap3A_1921 = arith.constant 112 : index
    %swap3A_1922 = tpu.vector_load %arg8[%swap3A_1920, %swap3A_1921] {strides = array<i32>} : memref<32x128xf32, #tpu.memory_space<vmem>>, vector<1x16xf32>,
    %swap3A_1923 = vector.shape_cast %swap3A_1922 : vector<1x16xf32> to vector<16xf32>
    %swap3A_1924 = vector.shape_cast %broadcast_in_dim3A_1918 : vector<16xf32> to vector<1x16xf32>
    tpu.vector_store %arg8[%swap3A_1920, %swap3A_1921], %swap3A_1924 {strides = array<i32>} : memref<32x128xf32, #tpu.memory_space<vmem>>, vector<1x16xf32>,
    %broadcast_in_dim3A_1925 = arith.constant 0.000000e+00 : f32
    %broadcast_in_dim3A_1926 = vector.broadcast %broadcast_in_dim3A_1925 : f32 to vector<16xf32>
    %swap3A_1927 = arith.constant 30 : i32
    %swap3A_1928 = arith.index_cast %swap3A_1927 : i32 to index
    %swap3A_1929 = arith.constant 0 : index
    %swap3A_1930 = tpu.vector_load %arg8[%swap3A_1928, %swap3A_1929] {strides = array<i32>} : memref<32x128xf32, #tpu.memory_space<vmem>>, vector<1x16xf32>,
    %swap3A_1931 = vector.shape_cast %swap3A_1930 : vector<1x16xf32> to vector<16xf32>
    %swap3A_1932 = vector.shape_cast %broadcast_in_dim3A_1926 : vector<16xf32> to vector<1x16xf32>
    tpu.vector_store %arg8[%swap3A_1928, %swap3A_1929], %swap3A_1932 {strides = array<i32>} : memref<32x128xf32, #tpu.memory_space<vmem>>, vector<1x16xf32>,
    %broadcast_in_dim3A_1933 = arith.constant 0.000000e+00 : f32
    %broadcast_in_dim3A_1934 = vector.broadcast %broadcast_in_dim3A_1933 : f32 to vector<16xf32>
    %swap3A_1935 = arith.constant 30 : i32
    %swap3A_1936 = arith.index_cast %swap3A_1935 : i32 to index
    %swap3A_1937 = arith.constant 16 : index
    %swap3A_1938 = tpu.vector_load %arg8[%swap3A_1936, %swap3A_1937] {strides = array<i32>} : memref<32x128xf32, #tpu.memory_space<vmem>>, vector<1x16xf32>,
    %swap3A_1939 = vector.shape_cast %swap3A_1938 : vector<1x16xf32> to vector<16xf32>
    %swap3A_1940 = vector.shape_cast %broadcast_in_dim3A_1934 : vector<16xf32> to vector<1x16xf32>
    tpu.vector_store %arg8[%swap3A_1936, %swap3A_1937], %swap3A_1940 {strides = array<i32>} : memref<32x128xf32, #tpu.memory_space<vmem>>, vector<1x16xf32>,
    %broadcast_in_dim3A_1941 = arith.constant 0.000000e+00 : f32
    %broadcast_in_dim3A_1942 = vector.broadcast %broadcast_in_dim3A_1941 : f32 to vector<16xf32>
    %swap3A_1943 = arith.constant 30 : i32
    %swap3A_1944 = arith.index_cast %swap3A_1943 : i32 to index
    %swap3A_1945 = arith.constant 32 : index
    %swap3A_1946 = tpu.vector_load %arg8[%swap3A_1944, %swap3A_1945] {strides = array<i32>} : memref<32x128xf32, #tpu.memory_space<vmem>>, vector<1x16xf32>,
    %swap3A_1947 = vector.shape_cast %swap3A_1946 : vector<1x16xf32> to vector<16xf32>
    %swap3A_1948 = vector.shape_cast %broadcast_in_dim3A_1942 : vector<16xf32> to vector<1x16xf32>
    tpu.vector_store %arg8[%swap3A_1944, %swap3A_1945], %swap3A_1948 {strides = array<i32>} : memref<32x128xf32, #tpu.memory_space<vmem>>, vector<1x16xf32>,
    %broadcast_in_dim3A_1949 = arith.constant 0.000000e+00 : f32
    %broadcast_in_dim3A_1950 = vector.broadcast %broadcast_in_dim3A_1949 : f32 to vector<16xf32>
    %swap3A_1951 = arith.constant 30 : i32
    %swap3A_1952 = arith.index_cast %swap3A_1951 : i32 to index
    %swap3A_1953 = arith.constant 48 : index
    %swap3A_1954 = tpu.vector_load %arg8[%swap3A_1952, %swap3A_1953] {strides = array<i32>} : memref<32x128xf32, #tpu.memory_space<vmem>>, vector<1x16xf32>,
    %swap3A_1955 = vector.shape_cast %swap3A_1954 : vector<1x16xf32> to vector<16xf32>
    %swap3A_1956 = vector.shape_cast %broadcast_in_dim3A_1950 : vector<16xf32> to vector<1x16xf32>
    tpu.vector_store %arg8[%swap3A_1952, %swap3A_1953], %swap3A_1956 {strides = array<i32>} : memref<32x128xf32, #tpu.memory_space<vmem>>, vector<1x16xf32>,
    %broadcast_in_dim3A_1957 = arith.constant 0.000000e+00 : f32
    %broadcast_in_dim3A_1958 = vector.broadcast %broadcast_in_dim3A_1957 : f32 to vector<16xf32>
    %swap3A_1959 = arith.constant 30 : i32
    %swap3A_1960 = arith.index_cast %swap3A_1959 : i32 to index
    %swap3A_1961 = arith.constant 64 : index
    %swap3A_1962 = tpu.vector_load %arg8[%swap3A_1960, %swap3A_1961] {strides = array<i32>} : memref<32x128xf32, #tpu.memory_space<vmem>>, vector<1x16xf32>,
    %swap3A_1963 = vector.shape_cast %swap3A_1962 : vector<1x16xf32> to vector<16xf32>
    %swap3A_1964 = vector.shape_cast %broadcast_in_dim3A_1958 : vector<16xf32> to vector<1x16xf32>
    tpu.vector_store %arg8[%swap3A_1960, %swap3A_1961], %swap3A_1964 {strides = array<i32>} : memref<32x128xf32, #tpu.memory_space<vmem>>, vector<1x16xf32>,
    %broadcast_in_dim3A_1965 = arith.constant 0.000000e+00 : f32
    %broadcast_in_dim3A_1966 = vector.broadcast %broadcast_in_dim3A_1965 : f32 to vector<16xf32>
    %swap3A_1967 = arith.constant 30 : i32
    %swap3A_1968 = arith.index_cast %swap3A_1967 : i32 to index
    %swap3A_1969 = arith.constant 80 : index
    %swap3A_1970 = tpu.vector_load %arg8[%swap3A_1968, %swap3A_1969] {strides = array<i32>} : memref<32x128xf32, #tpu.memory_space<vmem>>, vector<1x16xf32>,
    %swap3A_1971 = vector.shape_cast %swap3A_1970 : vector<1x16xf32> to vector<16xf32>
    %swap3A_1972 = vector.shape_cast %broadcast_in_dim3A_1966 : vector<16xf32> to vector<1x16xf32>
    tpu.vector_store %arg8[%swap3A_1968, %swap3A_1969], %swap3A_1972 {strides = array<i32>} : memref<32x128xf32, #tpu.memory_space<vmem>>, vector<1x16xf32>,
    %broadcast_in_dim3A_1973 = arith.constant 0.000000e+00 : f32
    %broadcast_in_dim3A_1974 = vector.broadcast %broadcast_in_dim3A_1973 : f32 to vector<16xf32>
    %swap3A_1975 = arith.constant 30 : i32
    %swap3A_1976 = arith.index_cast %swap3A_1975 : i32 to index
    %swap3A_1977 = arith.constant 96 : index
    %swap3A_1978 = tpu.vector_load %arg8[%swap3A_1976, %swap3A_1977] {strides = array<i32>} : memref<32x128xf32, #tpu.memory_space<vmem>>, vector<1x16xf32>,
    %swap3A_1979 = vector.shape_cast %swap3A_1978 : vector<1x16xf32> to vector<16xf32>
    %swap3A_1980 = vector.shape_cast %broadcast_in_dim3A_1974 : vector<16xf32> to vector<1x16xf32>
    tpu.vector_store %arg8[%swap3A_1976, %swap3A_1977], %swap3A_1980 {strides = array<i32>} : memref<32x128xf32, #tpu.memory_space<vmem>>, vector<1x16xf32>,
    %broadcast_in_dim3A_1981 = arith.constant 0.000000e+00 : f32
    %broadcast_in_dim3A_1982 = vector.broadcast %broadcast_in_dim3A_1981 : f32 to vector<16xf32>
    %swap3A_1983 = arith.constant 30 : i32
    %swap3A_1984 = arith.index_cast %swap3A_1983 : i32 to index
    %swap3A_1985 = arith.constant 112 : index
    %swap3A_1986 = tpu.vector_load %arg8[%swap3A_1984, %swap3A_1985] {strides = array<i32>} : memref<32x128xf32, #tpu.memory_space<vmem>>, vector<1x16xf32>,
    %swap3A_1987 = vector.shape_cast %swap3A_1986 : vector<1x16xf32> to vector<16xf32>
    %swap3A_1988 = vector.shape_cast %broadcast_in_dim3A_1982 : vector<16xf32> to vector<1x16xf32>
    tpu.vector_store %arg8[%swap3A_1984, %swap3A_1985], %swap3A_1988 {strides = array<i32>} : memref<32x128xf32, #tpu.memory_space<vmem>>, vector<1x16xf32>,
    %broadcast_in_dim3A_1989 = arith.constant 0.000000e+00 : f32
    %broadcast_in_dim3A_1990 = vector.broadcast %broadcast_in_dim3A_1989 : f32 to vector<16xf32>
    %swap3A_1991 = arith.constant 31 : i32
    %swap3A_1992 = arith.index_cast %swap3A_1991 : i32 to index
    %swap3A_1993 = arith.constant 0 : index
    %swap3A_1994 = tpu.vector_load %arg8[%swap3A_1992, %swap3A_1993] {strides = array<i32>} : memref<32x128xf32, #tpu.memory_space<vmem>>, vector<1x16xf32>,
    %swap3A_1995 = vector.shape_cast %swap3A_1994 : vector<1x16xf32> to vector<16xf32>
    %swap3A_1996 = vector.shape_cast %broadcast_in_dim3A_1990 : vector<16xf32> to vector<1x16xf32>
    tpu.vector_store %arg8[%swap3A_1992, %swap3A_1993], %swap3A_1996 {strides = array<i32>} : memref<32x128xf32, #tpu.memory_space<vmem>>, vector<1x16xf32>,
    %broadcast_in_dim3A_1997 = arith.constant 0.000000e+00 : f32
    %broadcast_in_dim3A_1998 = vector.broadcast %broadcast_in_dim3A_1997 : f32 to vector<16xf32>
    %swap3A_1999 = arith.constant 31 : i32
    %swap3A_2000 = arith.index_cast %swap3A_1999 : i32 to index
    %swap3A_2001 = arith.constant 16 : index
    %swap3A_2002 = tpu.vector_load %arg8[%swap3A_2000, %swap3A_2001] {strides = array<i32>} : memref<32x128xf32, #tpu.memory_space<vmem>>, vector<1x16xf32>,
    %swap3A_2003 = vector.shape_cast %swap3A_2002 : vector<1x16xf32> to vector<16xf32>
    %swap3A_2004 = vector.shape_cast %broadcast_in_dim3A_1998 : vector<16xf32> to vector<1x16xf32>
    tpu.vector_store %arg8[%swap3A_2000, %swap3A_2001], %swap3A_2004 {strides = array<i32>} : memref<32x128xf32, #tpu.memory_space<vmem>>, vector<1x16xf32>,
    %broadcast_in_dim3A_2005 = arith.constant 0.000000e+00 : f32
    %broadcast_in_dim3A_2006 = vector.broadcast %broadcast_in_dim3A_2005 : f32 to vector<16xf32>
    %swap3A_2007 = arith.constant 31 : i32
    %swap3A_2008 = arith.index_cast %swap3A_2007 : i32 to index
    %swap3A_2009 = arith.constant 32 : index
    %swap3A_2010 = tpu.vector_load %arg8[%swap3A_2008, %swap3A_2009] {strides = array<i32>} : memref<32x128xf32, #tpu.memory_space<vmem>>, vector<1x16xf32>,
    %swap3A_2011 = vector.shape_cast %swap3A_2010 : vector<1x16xf32> to vector<16xf32>
    %swap3A_2012 = vector.shape_cast %broadcast_in_dim3A_2006 : vector<16xf32> to vector<1x16xf32>
    tpu.vector_store %arg8[%swap3A_2008, %swap3A_2009], %swap3A_2012 {strides = array<i32>} : memref<32x128xf32, #tpu.memory_space<vmem>>, vector<1x16xf32>,
    %broadcast_in_dim3A_2013 = arith.constant 0.000000e+00 : f32
    %broadcast_in_dim3A_2014 = vector.broadcast %broadcast_in_dim3A_2013 : f32 to vector<16xf32>
    %swap3A_2015 = arith.constant 31 : i32
    %swap3A_2016 = arith.index_cast %swap3A_2015 : i32 to index
    %swap3A_2017 = arith.constant 48 : index
    %swap3A_2018 = tpu.vector_load %arg8[%swap3A_2016, %swap3A_2017] {strides = array<i32>} : memref<32x128xf32, #tpu.memory_space<vmem>>, vector<1x16xf32>,
    %swap3A_2019 = vector.shape_cast %swap3A_2018 : vector<1x16xf32> to vector<16xf32>
    %swap3A_2020 = vector.shape_cast %broadcast_in_dim3A_2014 : vector<16xf32> to vector<1x16xf32>
    tpu.vector_store %arg8[%swap3A_2016, %swap3A_2017], %swap3A_2020 {strides = array<i32>} : memref<32x128xf32, #tpu.memory_space<vmem>>, vector<1x16xf32>,
    %broadcast_in_dim3A_2021 = arith.constant 0.000000e+00 : f32
    %broadcast_in_dim3A_2022 = vector.broadcast %broadcast_in_dim3A_2021 : f32 to vector<16xf32>
    %swap3A_2023 = arith.constant 31 : i32
    %swap3A_2024 = arith.index_cast %swap3A_2023 : i32 to index
    %swap3A_2025 = arith.constant 64 : index
    %swap3A_2026 = tpu.vector_load %arg8[%swap3A_2024, %swap3A_2025] {strides = array<i32>} : memref<32x128xf32, #tpu.memory_space<vmem>>, vector<1x16xf32>,
    %swap3A_2027 = vector.shape_cast %swap3A_2026 : vector<1x16xf32> to vector<16xf32>
    %swap3A_2028 = vector.shape_cast %broadcast_in_dim3A_2022 : vector<16xf32> to vector<1x16xf32>
    tpu.vector_store %arg8[%swap3A_2024, %swap3A_2025], %swap3A_2028 {strides = array<i32>} : memref<32x128xf32, #tpu.memory_space<vmem>>, vector<1x16xf32>,
    %broadcast_in_dim3A_2029 = arith.constant 0.000000e+00 : f32
    %broadcast_in_dim3A_2030 = vector.broadcast %broadcast_in_dim3A_2029 : f32 to vector<16xf32>
    %swap3A_2031 = arith.constant 31 : i32
    %swap3A_2032 = arith.index_cast %swap3A_2031 : i32 to index
    %swap3A_2033 = arith.constant 80 : index
    %swap3A_2034 = tpu.vector_load %arg8[%swap3A_2032, %swap3A_2033] {strides = array<i32>} : memref<32x128xf32, #tpu.memory_space<vmem>>, vector<1x16xf32>,
    %swap3A_2035 = vector.shape_cast %swap3A_2034 : vector<1x16xf32> to vector<16xf32>
    %swap3A_2036 = vector.shape_cast %broadcast_in_dim3A_2030 : vector<16xf32> to vector<1x16xf32>
    tpu.vector_store %arg8[%swap3A_2032, %swap3A_2033], %swap3A_2036 {strides = array<i32>} : memref<32x128xf32, #tpu.memory_space<vmem>>, vector<1x16xf32>,
    %broadcast_in_dim3A_2037 = arith.constant 0.000000e+00 : f32
    %broadcast_in_dim3A_2038 = vector.broadcast %broadcast_in_dim3A_2037 : f32 to vector<16xf32>
    %swap3A_2039 = arith.constant 31 : i32
    %swap3A_2040 = arith.index_cast %swap3A_2039 : i32 to index
    %swap3A_2041 = arith.constant 96 : index
    %swap3A_2042 = tpu.vector_load %arg8[%swap3A_2040, %swap3A_2041] {strides = array<i32>} : memref<32x128xf32, #tpu.memory_space<vmem>>, vector<1x16xf32>,
    %swap3A_2043 = vector.shape_cast %swap3A_2042 : vector<1x16xf32> to vector<16xf32>
    %swap3A_2044 = vector.shape_cast %broadcast_in_dim3A_2038 : vector<16xf32> to vector<1x16xf32>
    tpu.vector_store %arg8[%swap3A_2040, %swap3A_2041], %swap3A_2044 {strides = array<i32>} : memref<32x128xf32, #tpu.memory_space<vmem>>, vector<1x16xf32>,
    %broadcast_in_dim3A_2045 = arith.constant 0.000000e+00 : f32
    %broadcast_in_dim3A_2046 = vector.broadcast %broadcast_in_dim3A_2045 : f32 to vector<16xf32>
    %swap3A_2047 = arith.constant 31 : i32
    %swap3A_2048 = arith.index_cast %swap3A_2047 : i32 to index
    %swap3A_2049 = arith.constant 112 : index
    %swap3A_2050 = tpu.vector_load %arg8[%swap3A_2048, %swap3A_2049] {strides = array<i32>} : memref<32x128xf32, #tpu.memory_space<vmem>>, vector<1x16xf32>,
    %swap3A_2051 = vector.shape_cast %swap3A_2050 : vector<1x16xf32> to vector<16xf32>
    %swap3A_2052 = vector.shape_cast %broadcast_in_dim3A_2046 : vector<16xf32> to vector<1x16xf32>
    tpu.vector_store %arg8[%swap3A_2048, %swap3A_2049], %swap3A_2052 {strides = array<i32>} : memref<32x128xf32, #tpu.memory_space<vmem>>, vector<1x16xf32>,
    %mul3A_2053 = arith.constant 32 : i32
    %mul3A_2054 = arith.muli %arg1, %mul3A_2053 : i32
    "tpu.region"() ({
      %run_scoped3A = tpu.sem_alloc : memref<!tpu.dma_semaphore, #tpu.memory_space<semaphore_mem>>
      %dma_start3A = arith.constant 0 : i32
      %dma_start3A_2064 = tpu.memref_slice %arg5[%mul3A_2054, %dma_start3A] : memref<512x128xf32, #tpu.memory_space<vmem_shared>> -> memref<32x128xf32, #tpu.memory_space<vmem_shared>>
      %dma_start3A_2065 = arith.constant 0 : i32
      %dma_start3A_2066 = tpu.memref_slice %arg5[%mul3A_2054, %dma_start3A_2065] : memref<512x128xf32, #tpu.memory_space<vmem_shared>> -> memref<32x128xf32, #tpu.memory_space<vmem_shared>>
      tpu.enqueue_dma source(%arg8 : memref<32x128xf32, #tpu.memory_space<vmem>>) target(%dma_start3A_2066 : memref<32x128xf32, #tpu.memory_space<vmem_shared>>) target_semaphore(%run_scoped3A : memref<!tpu.dma_semaphore, #tpu.memory_space<semaphore_mem>>)
      %dma_wait3A = arith.constant 0 : i32
      %dma_wait3A_2067 = tpu.memref_slice %arg5[%mul3A_2054, %dma_wait3A] : memref<512x128xf32, #tpu.memory_space<vmem_shared>> -> memref<32x128xf32, #tpu.memory_space<vmem_shared>>
      %dma_wait3A_2068 = arith.constant 0 : i32
      %dma_wait3A_2069 = tpu.memref_slice %arg5[%mul3A_2054, %dma_wait3A_2068] : memref<512x128xf32, #tpu.memory_space<vmem_shared>> -> memref<32x128xf32, #tpu.memory_space<vmem_shared>>
      tpu.wait_dma2 semaphore(%run_scoped3A : memref<!tpu.dma_semaphore, #tpu.memory_space<semaphore_mem>>) src(%arg8 : memref<32x128xf32, #tpu.memory_space<vmem>>) dst(%dma_wait3A_2069 : memref<32x128xf32, #tpu.memory_space<vmem_shared>>)
      tpu.yield
    }) : () -> ()
    %barrier3A = arith.constant 0 : index
    tpu.barrier barrier_id(%barrier3A)
    %scan3A = arith.constant 0 : i32
    %scan3A_2055 = arith.constant 4 : i32
    %scan3A_2056 = arith.addi %scan3A, %scan3A_2055 : i32
    %scan3A_2057 = arith.constant 1 : i32
    scf.for %scan3A_2064 = %scan3A to %scan3A_2056 step %scan3A_2057  : i32 {
      %mul3A_2065 = arith.constant 1 : i32
      %mul3A_2066 = arith.muli %scan3A_2064, %mul3A_2065 : i32
      %add3A_2067 = arith.constant 0 : i32
      %add3A_2068 = arith.addi %add3A_2067, %mul3A_2066 : i32
      %lt3A_2069 = arith.cmpi slt, %add3A_2068, %select_n3A : i32
      %convert_element_type3A = arith.extui %lt3A_2069 : i1 to i32
      %cond3A = arith.constant 0 : i32
      %cond3A_2070 = arith.cmpi ne, %convert_element_type3A, %cond3A : i32
      scf.if %cond3A_2070 {
        %add3A_2071 = arith.addi %add3A_6, %add3A_2068 : i32
        %mul3A_2072 = arith.constant 800 : i32
        %mul3A_2073 = arith.muli %add3A_2071, %mul3A_2072 : i32
        "tpu.region"() ({
          %run_scoped3A = tpu.sem_alloc : memref<!tpu.dma_semaphore, #tpu.memory_space<semaphore_mem>>
          %dma_start3A = tpu.memref_slice %arg3[%mul3A_2073] : memref<100000xi32, #tpu.memory_space<hbm>> -> memref<800xi32, #tpu.memory_space<hbm>>
          %dma_start3A_2074 = tpu.memref_slice %arg3[%mul3A_2073] : memref<100000xi32, #tpu.memory_space<hbm>> -> memref<800xi32, #tpu.memory_space<hbm>>
          tpu.enqueue_dma source(%dma_start3A_2074 : memref<800xi32, #tpu.memory_space<hbm>>) target(%arg7 : memref<800xi32, #tpu.memory_space<vmem>>) target_semaphore(%run_scoped3A : memref<!tpu.dma_semaphore, #tpu.memory_space<semaphore_mem>>)
          %dma_wait3A = tpu.memref_slice %arg3[%mul3A_2073] : memref<100000xi32, #tpu.memory_space<hbm>> -> memref<800xi32, #tpu.memory_space<hbm>>
          %dma_wait3A_2075 = tpu.memref_slice %arg3[%mul3A_2073] : memref<100000xi32, #tpu.memory_space<hbm>> -> memref<800xi32, #tpu.memory_space<hbm>>
          tpu.wait_dma2 semaphore(%run_scoped3A : memref<!tpu.dma_semaphore, #tpu.memory_space<semaphore_mem>>) src(%dma_wait3A_2075 : memref<800xi32, #tpu.memory_space<hbm>>) dst(%arg7 : memref<800xi32, #tpu.memory_space<vmem>>)
          tpu.yield
        }) : () -> ()
        "tpu.region"() ({
          %run_scoped3A = tpu.sem_alloc : memref<!tpu.dma_semaphore, #tpu.memory_space<semaphore_mem>>
          %dma_start3A = arith.constant 0 : i32
          %dma_start3A_2074 = tpu.memref_slice %arg2[%mul3A_2073, %dma_start3A] : memref<100000x128xf32, #tpu.memory_space<hbm>> -> memref<800x128xf32, #tpu.memory_space<hbm>>
          %dma_start3A_2075 = arith.constant 0 : i32
          %dma_start3A_2076 = tpu.memref_slice %arg2[%mul3A_2073, %dma_start3A_2075] : memref<100000x128xf32, #tpu.memory_space<hbm>> -> memref<800x128xf32, #tpu.memory_space<hbm>>
          tpu.enqueue_dma source(%dma_start3A_2076 : memref<800x128xf32, #tpu.memory_space<hbm>>) target(%arg6 : memref<800x128xf32, #tpu.memory_space<vmem>>) target_semaphore(%run_scoped3A : memref<!tpu.dma_semaphore, #tpu.memory_space<semaphore_mem>>)
          %dma_wait3A = arith.constant 0 : i32
          %dma_wait3A_2077 = tpu.memref_slice %arg2[%mul3A_2073, %dma_wait3A] : memref<100000x128xf32, #tpu.memory_space<hbm>> -> memref<800x128xf32, #tpu.memory_space<hbm>>
          %dma_wait3A_2078 = arith.constant 0 : i32
          %dma_wait3A_2079 = tpu.memref_slice %arg2[%mul3A_2073, %dma_wait3A_2078] : memref<100000x128xf32, #tpu.memory_space<hbm>> -> memref<800x128xf32, #tpu.memory_space<hbm>>
          tpu.wait_dma2 semaphore(%run_scoped3A : memref<!tpu.dma_semaphore, #tpu.memory_space<semaphore_mem>>) src(%dma_wait3A_2079 : memref<800x128xf32, #tpu.memory_space<hbm>>) dst(%arg6 : memref<800x128xf32, #tpu.memory_space<vmem>>)
          tpu.yield
        }) : () -> ()
        "tpu.region"() ({
          %run_scoped3A = tpu.sem_alloc : memref<!tpu.dma_semaphore, #tpu.memory_space<semaphore_mem>>
          %dma_start3A = arith.constant 0 : i32
          %dma_start3A_2074 = arith.constant 0 : i32
          %dma_start3A_2075 = tpu.memref_slice %arg5[%dma_start3A, %dma_start3A_2074] : memref<512x128xf32, #tpu.memory_space<vmem_shared>> -> memref<512x128xf32, #tpu.memory_space<vmem_shared>>
          tpu.enqueue_indirect_dma source(%arg6 : memref<800x128xf32, #tpu.memory_space<vmem>>) target(%dma_start3A_2075 : memref<512x128xf32, #tpu.memory_space<vmem_shared>>) offsets(%arg7 : memref<800xi32, #tpu.memory_space<vmem>>) semaphore(%run_scoped3A : memref<!tpu.dma_semaphore, #tpu.memory_space<semaphore_mem>>) {add = true}
          %dma_wait3A = arith.constant 0 : i32
          %dma_wait3A_2076 = arith.constant 0 : i32
          %dma_wait3A_2077 = tpu.memref_slice %arg5[%dma_wait3A, %dma_wait3A_2076] : memref<512x128xf32, #tpu.memory_space<vmem_shared>> -> memref<512x128xf32, #tpu.memory_space<vmem_shared>>
          tpu.wait_indirect_dma semaphore(%run_scoped3A : memref<!tpu.dma_semaphore, #tpu.memory_space<semaphore_mem>>) src(%arg6 : memref<800x128xf32, #tpu.memory_space<vmem>>) dst(%dma_wait3A_2077 : memref<512x128xf32, #tpu.memory_space<vmem_shared>>)
          tpu.yield
        }) : () -> ()
      } else {
      }
    }
    %scan3A_2058 = arith.constant 4 : i32
    %barrier3A_2059 = arith.constant 0 : index
    tpu.barrier barrier_id(%barrier3A_2059)
    %mul3A_2060 = arith.constant 32 : i32
    %mul3A_2061 = arith.muli %arg1, %mul3A_2060 : i32
    %mul3A_2062 = arith.constant 32 : i32
    %mul3A_2063 = arith.muli %arg1, %mul3A_2062 : i32
    "tpu.region"() ({
      %run_scoped3A = tpu.sem_alloc : memref<!tpu.dma_semaphore, #tpu.memory_space<semaphore_mem>>
      %dma_start3A = arith.constant 0 : i32
      %dma_start3A_2064 = tpu.memref_slice %arg4[%arg0, %mul3A_2063, %dma_start3A] : memref<2x512x128xf32, #tpu.memory_space<hbm>> -> memref<1x32x128xf32, #tpu.memory_space<hbm>>
      %dma_start3A_2065 = tpu.memref_squeeze %dma_start3A_2064 : memref<1x32x128xf32, #tpu.memory_space<hbm>> -> memref<32x128xf32, #tpu.memory_space<hbm>>
      %dma_start3A_2066 = arith.constant 0 : i32
      %dma_start3A_2067 = tpu.memref_slice %arg5[%mul3A_2061, %dma_start3A_2066] : memref<512x128xf32, #tpu.memory_space<vmem_shared>> -> memref<32x128xf32, #tpu.memory_space<vmem_shared>>
      tpu.enqueue_dma source(%dma_start3A_2067 : memref<32x128xf32, #tpu.memory_space<vmem_shared>>) target(%dma_start3A_2065 : memref<32x128xf32, #tpu.memory_space<hbm>>) target_semaphore(%run_scoped3A : memref<!tpu.dma_semaphore, #tpu.memory_space<semaphore_mem>>)
      %dma_wait3A = arith.constant 0 : i32
      %dma_wait3A_2068 = tpu.memref_slice %arg4[%arg0, %mul3A_2063, %dma_wait3A] : memref<2x512x128xf32, #tpu.memory_space<hbm>> -> memref<1x32x128xf32, #tpu.memory_space<hbm>>
      %dma_wait3A_2069 = tpu.memref_squeeze %dma_wait3A_2068 : memref<1x32x128xf32, #tpu.memory_space<hbm>> -> memref<32x128xf32, #tpu.memory_space<hbm>>
      %dma_wait3A_2070 = arith.constant 0 : i32
      %dma_wait3A_2071 = tpu.memref_slice %arg5[%mul3A_2061, %dma_wait3A_2070] : memref<512x128xf32, #tpu.memory_space<vmem_shared>> -> memref<32x128xf32, #tpu.memory_space<vmem_shared>>
      tpu.wait_dma2 semaphore(%run_scoped3A : memref<!tpu.dma_semaphore, #tpu.memory_space<semaphore_mem>>) src(%dma_wait3A_2071 : memref<32x128xf32, #tpu.memory_space<vmem_shared>>) dst(%dma_wait3A_2069 : memref<32x128xf32, #tpu.memory_space<hbm>>)
      tpu.yield
    }) : () -> ()
    return
  }
}

module attributes {stable_mosaic.version = 14 : i64} {
  func.func @_tc_main_body(%arg0: i32, %arg1: memref<2x512x128xf32, #tpu.memory_space<vmem>>, %arg2: memref<512x128xf32, #tpu.memory_space<vmem>>, %arg3: memref<128x128xf32, #tpu.memory_space<vmem>>, %arg4: memref<1x128xf32, #tpu.memory_space<vmem>>, %arg5: memref<5000x1xi32, #tpu.memory_space<vmem>>, %arg6: memref<5000x128xf32, #tpu.memory_space<vmem>>, %arg7: memref<512x128xf32, #tpu.memory_space<vmem>>, %arg8: memref<5000x128xf32, #tpu.memory_space<vmem>>, %arg9: memref<512x128xbf16, #tpu.memory_space<vmem>>) attributes {dimension_semantics = [#tpu.dimension_semantics<arbitrary>], iteration_bounds = array<i64: 20>, scalar_prefetch = 0 : i64, scratch_operands = 1 : i64, tpu.core_type = #tpu.core_type<tc>, window_params = [{pipeline_mode = #tpu.pipeline_mode<synchronous>, transform_indices = @transform_0, window_bounds = array<i64: 2, 512, 128>}, {pipeline_mode = #tpu.pipeline_mode<synchronous>, transform_indices = @transform_1, window_bounds = array<i64: 512, 128>}, {pipeline_mode = #tpu.pipeline_mode<synchronous>, transform_indices = @transform_2, window_bounds = array<i64: 128, 128>}, {pipeline_mode = #tpu.pipeline_mode<synchronous>, transform_indices = @transform_3, window_bounds = array<i64: 1, 128>}, {transform_indices = @transform_4, window_bounds = array<i64: 5000, 1>}, {transform_indices = @transform_5, window_bounds = array<i64: 5000, 128>}, {pipeline_mode = #tpu.pipeline_mode<synchronous>, transform_indices = @transform_6, window_bounds = array<i64: 512, 128>}, {transform_indices = @transform_7, window_bounds = array<i64: 5000, 128>}]} {
    %eq3A = arith.constant 0 : i32
    %eq3A_0 = arith.cmpi eq, %arg0, %eq3A : i32
    %convert_element_type3A = arith.extui %eq3A_0 : i1 to i32
    %cond3A = arith.constant 0 : i32
    %cond3A_1 = arith.cmpi ne, %convert_element_type3A, %cond3A : i32
    scf.if %cond3A_1 {
      %get3A_18 = arith.constant 0 : index
      %get3A_19 = arith.constant 0 : index
      %get3A_20 = arith.constant 0 : index
      %get3A_21 = vector.load %arg1[%get3A_18, %get3A_19, %get3A_20] : memref<2x512x128xf32, #tpu.memory_space<vmem>>, vector<1x512x128xf32>
      %get3A_22 = vector.shape_cast %get3A_21 : vector<1x512x128xf32> to vector<512x128xf32>
      %get3A_23 = arith.constant 1 : index
      %get3A_24 = arith.constant 0 : index
      %get3A_25 = arith.constant 0 : index
      %get3A_26 = vector.load %arg1[%get3A_23, %get3A_24, %get3A_25] : memref<2x512x128xf32, #tpu.memory_space<vmem>>, vector<1x512x128xf32>
      %get3A_27 = vector.shape_cast %get3A_26 : vector<1x512x128xf32> to vector<512x128xf32>
      %add3A_28 = arith.addf %get3A_22, %get3A_27 : vector<512x128xf32>
      %get3A_29 = arith.constant 0 : index
      %get3A_30 = arith.constant 0 : index
      %get3A_31 = vector.load %arg2[%get3A_29, %get3A_30] : memref<512x128xf32, #tpu.memory_space<vmem>>, vector<512x128xf32>
      %add3A_32 = arith.addf %get3A_31, %add3A_28 : vector<512x128xf32>
      %get3A_33 = arith.constant 0 : index
      %get3A_34 = arith.constant 0 : index
      %get3A_35 = vector.load %arg3[%get3A_33, %get3A_34] : memref<128x128xf32, #tpu.memory_space<vmem>>, vector<128x128xf32>
      %dot_general3A_36 = arith.constant dense<0.000000e+00> : vector<512x128xf32>
      %dot_general3A_37 = tpu.matmul %add3A_32, %get3A_35, %dot_general3A_36 {dimension_numbers = #tpu.dot_dimension_numbers<[1], [0], [0], [1], [0, 0, 1, 1], [], []>, transpose_lhs_hint = false} : vector<512x128xf32>, vector<128x128xf32>, vector<512x128xf32> -> vector<512x128xf32>
      %get3A_38 = arith.constant 0 : index
      %get3A_39 = arith.constant 0 : index
      %get3A_40 = vector.load %arg4[%get3A_38, %get3A_39] : memref<1x128xf32, #tpu.memory_space<vmem>>, vector<1x128xf32>
      %add3A_41 = vector.broadcast %get3A_40 : vector<1x128xf32> to vector<512x128xf32>
      %add3A_42 = arith.addf %dot_general3A_37, %add3A_41 : vector<512x128xf32>
      %get3A_43 = arith.constant 0 : index
      %get3A_44 = arith.constant 0 : index
      %get3A_45 = vector.load %arg2[%get3A_43, %get3A_44] : memref<512x128xf32, #tpu.memory_space<vmem>>, vector<512x128xf32>
      %max3A = arith.constant 0.000000e+00 : f32
      %max3A_46 = vector.broadcast %max3A : f32 to vector<512x128xf32>
      %max3A_47 = arith.maximumf %add3A_42, %max3A_46 : vector<512x128xf32>
      %add3A_48 = arith.addf %get3A_45, %max3A_47 : vector<512x128xf32>
      %swap3A_49 = arith.constant 0 : index
      %swap3A_50 = arith.constant 0 : index
      %swap3A_51 = vector.load %arg7[%swap3A_49, %swap3A_50] : memref<512x128xf32, #tpu.memory_space<vmem>>, vector<512x128xf32>
      tpu.vector_store %arg7[%swap3A_49, %swap3A_50], %add3A_48 {strides = array<i32>} : memref<512x128xf32, #tpu.memory_space<vmem>>, vector<512x128xf32>,
      %convert_element_type3A_52 = arith.truncf %add3A_48 : vector<512x128xf32> to vector<512x128xbf16>
      %swap3A_53 = arith.constant 0 : index
      %swap3A_54 = arith.constant 0 : index
      %swap3A_55 = vector.load %arg9[%swap3A_53, %swap3A_54] : memref<512x128xbf16, #tpu.memory_space<vmem>>, vector<512x128xbf16>
      tpu.vector_store %arg9[%swap3A_53, %swap3A_54], %convert_element_type3A_52 {strides = array<i32>} : memref<512x128xbf16, #tpu.memory_space<vmem>>, vector<512x128xbf16>,
    } else {
    }
    %get3A = arith.constant 0 : index
    %get3A_2 = arith.constant 0 : index
    %get3A_3 = vector.load %arg5[%get3A, %get3A_2] : memref<5000x1xi32, #tpu.memory_space<vmem>>, vector<5000x1xi32>
    %iota3A = tpu.iota {dimensions = array<i32: 1>} : vector<5000x512xi32>
    %eq3A_4 = vector.broadcast %get3A_3 : vector<5000x1xi32> to vector<5000x512xi32>
    %eq3A_5 = arith.cmpi eq, %eq3A_4, %iota3A : vector<5000x512xi32>
    %convert_element_type3A_6 = arith.extui %eq3A_5 : vector<5000x512xi1> to vector<5000x512xi32>
    %convert_element_type3A_7 = arith.sitofp %convert_element_type3A_6 : vector<5000x512xi32> to vector<5000x512xf32>
    %convert_element_type3A_8 = arith.truncf %convert_element_type3A_7 : vector<5000x512xf32> to vector<5000x512xbf16>
    %get3A_9 = arith.constant 0 : index
    %get3A_10 = arith.constant 0 : index
    %get3A_11 = vector.load %arg9[%get3A_9, %get3A_10] : memref<512x128xbf16, #tpu.memory_space<vmem>>, vector<512x128xbf16>
    %dot_general3A = arith.constant dense<0.000000e+00> : vector<5000x128xf32>
    %dot_general3A_12 = tpu.matmul %convert_element_type3A_8, %get3A_11, %dot_general3A {dimension_numbers = #tpu.dot_dimension_numbers<[1], [0], [0], [1], [0, 0, 1, 1], [], []>, transpose_lhs_hint = false} : vector<5000x512xbf16>, vector<512x128xbf16>, vector<5000x128xf32> -> vector<5000x128xf32>
    %get3A_13 = arith.constant 0 : index
    %get3A_14 = arith.constant 0 : index
    %get3A_15 = vector.load %arg6[%get3A_13, %get3A_14] : memref<5000x128xf32, #tpu.memory_space<vmem>>, vector<5000x128xf32>
    %add3A = arith.addf %get3A_15, %dot_general3A_12 : vector<5000x128xf32>
    %swap3A = arith.constant 0 : index
    %swap3A_16 = arith.constant 0 : index
    %swap3A_17 = vector.load %arg8[%swap3A, %swap3A_16] : memref<5000x128xf32, #tpu.memory_space<vmem>>, vector<5000x128xf32>
    tpu.vector_store %arg8[%swap3A, %swap3A_16], %add3A {strides = array<i32>} : memref<5000x128xf32, #tpu.memory_space<vmem>>, vector<5000x128xf32>,
    return
  }
  func.func @transform_0(%arg0: i32) -> (i32, i32, i32) {
    %c0_i32 = arith.constant 0 : i32
    %c0_i32_0 = arith.constant 0 : i32
    %c0_i32_1 = arith.constant 0 : i32
    %c0_i32_2 = arith.constant 0 : i32
    return %c0_i32, %c0_i32_0, %c0_i32_1 : i32, i32, i32
  }
  func.func @transform_1(%arg0: i32) -> (i32, i32) {
    %c0_i32 = arith.constant 0 : i32
    %c0_i32_0 = arith.constant 0 : i32
    %c0_i32_1 = arith.constant 0 : i32
    return %c0_i32, %c0_i32_0 : i32, i32
  }
  func.func @transform_2(%arg0: i32) -> (i32, i32) {
    %c0_i32 = arith.constant 0 : i32
    %c0_i32_0 = arith.constant 0 : i32
    %c0_i32_1 = arith.constant 0 : i32
    return %c0_i32, %c0_i32_0 : i32, i32
  }
  func.func @transform_3(%arg0: i32) -> (i32, i32) {
    %c0_i32 = arith.constant 0 : i32
    %c0_i32_0 = arith.constant 0 : i32
    %c0_i32_1 = arith.constant 0 : i32
    return %c0_i32, %c0_i32_0 : i32, i32
  }
  func.func @transform_4(%arg0: i32) -> (i32, i32) {
    %c0_i32 = arith.constant 0 : i32
    %c0_i32_0 = arith.constant 0 : i32
    return %arg0, %c0_i32 : i32, i32
  }
  func.func @transform_5(%arg0: i32) -> (i32, i32) {
    %c0_i32 = arith.constant 0 : i32
    %c0_i32_0 = arith.constant 0 : i32
    return %arg0, %c0_i32 : i32, i32
  }
  func.func @transform_6(%arg0: i32) -> (i32, i32) {
    %c0_i32 = arith.constant 0 : i32
    %c0_i32_0 = arith.constant 0 : i32
    %c0_i32_1 = arith.constant 0 : i32
    return %c0_i32, %c0_i32_0 : i32, i32
  }
  func.func @transform_7(%arg0: i32) -> (i32, i32) {
    %c0_i32 = arith.constant 0 : i32
    %c0_i32_0 = arith.constant 0 : i32
    return %arg0, %c0_i32 : i32, i32
  }
}

</mosaic_0001>

<sc_bundles>
// kernel: kernel.4.cloned.1.call-start
scs
__scs_entry_jumppad:
0x0: {  	(pc) =	sbr.rel $0x88, $3  }
0x1: {  	(tag) =	ssettag $0x0;
	lr =	simm.s32 $0x1  }
0x2: {  	[smem:$0x3F9C] =	sst lr;
	_ =	strace $0xD0000000  }
0x3: {  	_ = 	snop  }
0x4: {  	_ = 	snop  }
0x5: {  	_ = 	snop  }
0x6: {  	_ = 	snop  }
0x7: {  	_ = 	snop  }
__scs_overlays_trampoline_lowered:
0x8: {  	[smem:$0x3FAB] =	sst s0  }
0x9: {  	[smem:$0x3FAC] =	sst s1  }
0xa: {  	[smem:$0x3FAD] =	sst s2  }
0xb: {  	[smem:$0x3FAE] =	sst s3  }
0xc: {  	[smem:$0x3FAF] =	sst s4  }
0xd: {  	[smem:$0x3FB0] =	sst s5  }
0xe: {  	[smem:$0x3FB1] =	sst s6  }
0xf: {  	[smem:$0x3FB2] =	sst s7  }
0x10: {  	[smem:$0x3FB3] =	sst s8  }
0x11: {  	[smem:$0x3FB4] =	sst s9;
	s0 =	simm.s32 @!p0 $0x0  }
0x12: {  	s1 =	sld [smem:$0x3F9A];
	s0 =	simm.s32 @p0 $0x1  }
0x13: {  	[smem:$0x3FB5] =	sst s0;
	s0 =	simm.s32 @!p1 $0x0  }
0x14: {  	s2 =	sld [smem:$0x3F99];
	s0 =	simm.s32 @p1 $0x1  }
0x15: {  	[smem:$0x3FB6] =	sst s0;
	s0 =	simm.s32 @!p2 $0x0  }
0x16: {  	s3 =	sld [smem:$0x3FDB];
	s0 =	simm.s32 @p2 $0x1  }
0x17: {  	s4 =	simm.s32 $0x1BF5;
	[smem:$0x3FB8] =	sst s0  }
0x18: {  	s0 =	sld [smem:$0x3F9B];
	_ =	swait.ge [sflag:s4], $0x0  }
0x19: {  	s7 =	sld [smem:$0x3F9C]  }
0x1a: {  	s8 =	sadd.s32 $0xFFFFE003, lr  }
0x1b: {  	s9 =	sadd.s32 $0xFFFFFEF7, lr;
	s5 =	simm.s32 $0xFFFFFFFF;
	p2 =	slt.u32 s8, $0xFFFFF086  }
0x1c: {  	p1 =	slt.u32 s9, $0xF7A;
	s5 =	simm.s32 @!p2 $0x0  }
0x1d: {  	s5 =	simm.s32 @p1 $0x1;
	p0 =	seq.s32 s7, s2  }
0x1e: {  	s7 =	smul.u32 @!p0 $0xF7A, s2;
	p2 =	seq.s32 @!p0 s5, $0x0  }
0x1f: {  	s9 =	smul.u32 $0xF7A, s1;
	s8 =	simm.s32 @!p0 $0x1BF5;
	p2 =	por !p2, p0  }
0x20: {  	[sflag:s8] =	ssyncset.s32 @!p0 $0xFFFFF086;
	s6 =	sadd.s32 @!p0 s3, s7;
	s7 =	simm.s32 @!p0 $0x108  }
0x21: {  	s3 =	sadd.s32 s3, s9;
	s6 =	sadd.s32 @!p0 $0x88, s6;
	s7 =	simm.s32 @p2 $0x1082  }
0x22: {  	[simem:s7], [sflag:s8] =	dma.local @!p0 [hbm:s6], $0xF7A  }
0x23: {  	s9 =	sor.u32 $0xD0000000, s2;
	s6 =	simm.s32 $0x108;
	_ =	swait.ge @!p0 [sflag:s8], $0x0  }
0x24: {  	s3 =	sadd.s32 $0x88, s3;
	s6 =	simm.s32 @!p1 $0x1082;
	[sflag:s4] =	ssyncset.s32 $0xFFFFF086  }
0x25: {  	[simem:s6], [sflag:s4] =	dma.local [hbm:s3], $0xF7A  }
0x26: {  	[smem:$0x3F9C] =	sst s1;
	(tag) =	ssettag s2;
	_ =	strace s9  }
0x27: {  	s1 =	sld [smem:$0x3FAC]  }
0x28: {  	s2 =	sld [smem:$0x3FAD]  }
0x29: {  	s4 =	sld [smem:$0x3FAF]  }
0x2a: {  	p0 =	seq.s32 s5, $0x0;
	s5 =	sld [smem:$0x3FB0]  }
0x2b: {  	s6 =	sld [smem:$0x3FB1]  }
0x2c: {  	s7 =	sld [smem:$0x3FB2]  }
0x2d: {  	s3 =	simm.s32 $0x108;
	s8 =	sld [smem:$0x3FB3]  }
0x2e: {  	s3 =	simm.s32 @!p0 $0x1082;
	s9 =	sld [smem:$0x3FB4]  }
0x2f: {  	lr =	sadd.s32 s0, s3;
	s0 =	sld [smem:$0x3FAB]  }
0x30: {  	s3 =	sld [smem:$0x3FAE]  }
0x31: {  	[smem:$0x3FB7] =	sst s10  }
0x32: {  	s10 =	sld [smem:$0x3FB5];
	_ =	sdelay $0x3  }
0x33: {  	p0 =	seq.s32 s10, $0x1;
	s10 =	sld [smem:$0x3FB7];
	_ =	sdelay $0x3  }
0x34: {  	[smem:$0x3FB7] =	sst s10  }
0x35: {  	s10 =	sld [smem:$0x3FB6];
	_ =	sdelay $0x3  }
0x36: {  	p1 =	seq.s32 s10, $0x1;
	s10 =	sld [smem:$0x3FB7];
	_ =	sdelay $0x3  }
0x37: {  	[smem:$0x3FB7] =	sst s10  }
0x38: {  	s10 =	sld [smem:$0x3FB8]  }
0x39: {  	_ = 	snop;
	(pc) =	sbr.ind lr, $3  }
0x3a: {  	_ = 	snop  }
0x3b: {  	_ = 	snop  }
0x3c: {  	p2 =	seq.s32 s10, $0x1;
	s10 =	sld [smem:$0x3FB7]  }
0x3d: {  	_ =	shalt  }
0x3e: {  	_ =	shalt  }
0x3f: {  	_ =	shalt  }
0x40: {  	_ =	shalt  }
0x41: {  	_ =	shalt  }
0x42: {  	_ =	shalt  }
0x43: {  	_ =	shalt  }
0x44: {  	_ =	shalt  }
0x45: {  	_ =	shalt  }
0x46: {  	_ =	shalt  }
0x47: {  	_ =	shalt  }
0x48: {  	_ =	shalt  }
0x49: {  	_ =	shalt  }
0x4a: {  	_ =	shalt  }
0x4b: {  	_ =	shalt  }
0x4c: {  	_ =	shalt  }
0x4d: {  	_ =	shalt  }
0x4e: {  	_ =	shalt  }
0x4f: {  	_ =	shalt  }
0x50: {  	_ =	shalt  }
0x51: {  	_ =	shalt  }
0x52: {  	_ =	shalt  }
0x53: {  	_ =	shalt  }
0x54: {  	_ =	shalt  }
0x55: {  	_ =	shalt  }
0x56: {  	_ =	shalt  }
0x57: {  	_ =	shalt  }
0x58: {  	_ =	shalt  }
0x59: {  	_ =	shalt  }
0x5a: {  	_ =	shalt  }
0x5b: {  	_ =	shalt  }
0x5c: {  	_ =	shalt  }
0x5d: {  	_ =	shalt  }
0x5e: {  	_ =	shalt  }
0x5f: {  	_ =	shalt  }
0x60: {  	_ =	shalt  }
0x61: {  	_ =	shalt  }
0x62: {  	_ =	shalt  }
0x63: {  	_ =	shalt  }
0x64: {  	_ =	shalt  }
0x65: {  	_ =	shalt  }
0x66: {  	_ =	shalt  }
0x67: {  	_ =	shalt  }
0x68: {  	_ =	shalt  }
0x69: {  	_ =	shalt  }
0x6a: {  	_ =	shalt  }
0x6b: {  	_ =	shalt  }
0x6c: {  	_ =	shalt  }
0x6d: {  	_ =	shalt  }
0x6e: {  	_ =	shalt  }
0x6f: {  	_ =	shalt  }
0x70: {  	_ =	shalt  }
0x71: {  	_ =	shalt  }
0x72: {  	_ =	shalt  }
0x73: {  	_ =	shalt  }
0x74: {  	_ =	shalt  }
0x75: {  	_ =	shalt  }
0x76: {  	_ =	shalt  }
0x77: {  	_ =	shalt  }
0x78: {  	_ =	shalt  }
0x79: {  	_ =	shalt  }
0x7a: {  	_ =	shalt  }
0x7b: {  	_ =	shalt  }
0x7c: {  	_ =	shalt  }
0x7d: {  	_ =	shalt  }
0x7e: {  	_ =	shalt  }
0x7f: {  	_ =	shalt  }
0x80: {  	_ =	shalt  }
0x81: {  	_ =	shalt  }
0x82: {  	_ =	shalt  }
0x83: {  	_ =	shalt  }
0x84: {  	_ =	shalt  }
0x85: {  	_ =	shalt  }
0x86: {  	_ =	shalt  }
0x87: {  	_ =	shalt  }
.Lfunc_end0:
.L_simem_size_0:
called_computation_lowered:
.L_overlay_start_0:
0x88: {  	s2 =	sld [smem:$0x3FD9]  }
0x89: {  	s3 =	sld [smem:$0x3FFE];
	_ =	sdelay $0x1  }
0x8a: {  	s1 =	srdreg.scid  }
0x8b: {  	s0 =	sand.u32 $0x1, s1  }
0x8c: {  	s15 =	sshll.u32 s0, $0xA;
	s2 =	sadd.s32 s3, s2  }
0x8d: {  	s2 =	sadd.s32 s2, s15  }
0x8e: {  	[smem:$0x3FC3] =	sst s2  }
0x8f: {  	_ = 	snop  }
0x90: {  	s2 =	sld [smem:$0x3FD0];
	_ =	sdelay $0x1  }
0x91: {  	s16 =	sld [smem:$0x3FC9]  }
0x92: {  	s5 =	simm.s32 $0xA;
	s6 =	simm.s32 $0x10;
	s4 =	sld [smem:$0x3FC7]  }
0x93: {  	[smem:s6], [sflag:s5] =	dma.local [hbm:s2], $0x1  }
0x94: {  	_ =	swait.eq [sflag:s5], $0x1  }
0x95: {  	[sflag:s5] =	ssyncset.done $0x0  }
0x96: {  	[sflag:s5] =	ssyncadd.s32 $0xFFFFFFFF  }
0x97: {  	s17 =	sld [smem:$0x11];
	(tm) =	ssettm $0x1  }
0x98: {  	s18 =	sld [smem:$0x3FFB];
	_ =	sdelay $0x3  }
0x99: {  	_ =	strace s18  }
0x9a: {  	s5 =	sld [smem:$0x3FFC];
	_ =	sdelay $0x3  }
0x9b: {  	_ =	strace s5  }
0x9c: {  	s5 =	sld [smem:$0x3FFD];
	_ =	sdelay $0x3  }
0x9d: {  	_ =	strace s5  }
0x9e: {  	_ =	strace $0x8FFFFFFF  }
0x9f: {  	s19 =	sld [smem:$0x3FDB];
	_ =	sdelay $0x1  }
0xa0: {  	s20 =	simm.s32 $_scs_section_size  }
0xa1: {  	s7 =	simm.s32 $_size__tile_overlayer_lowered;
	s8 =	simm.s32 $_tile_overlayer_lowered  }
0xa2: {  	s23 =	simm.s32 $0x1BFF;
	s22 =	sshll.u32 s8, $0x1;
	s5 =	sadd.s32 s20, s19  }
0xa3: {  	s9 =	simm.s32 $0x0;
	s21 =	sshll.u32 s7, $0x1;
	s7 =	sadd.s32 s22, s5  }
0xa4: {  	[timem:s9], [sflag:s23] =	dma.local [hbm:s7], s21  }
0xa5: {  	_ =	swait.ge [sflag:s23], s21  }
0xa6: {  	s6 =	ssub.s32 $0x0, s21;
	[sflag:s23] =	ssyncset.done $0x0  }
0xa7: {  	[sflag:s23] =	ssyncadd.s32 s6;
	_ =	sdelay $0x1  }
0xa8: {  	s24 =	simm.s32 $0x1B8B  }
0xa9: {  	_ =	swait.ge [sflag:s24], $0x1  }
0xaa: {  	[sflag:s24] =	ssyncset.done $0x0  }
0xab: {  	s25 =	simm.s32 $0x1B8E;
	[sflag:s24] =	ssyncadd.s32 $0xFFFFFFFF  }
0xac: {  	s26 =	simm.s32 $execute0_lowered;
	[smem:$0x3FD2] =	sst s25  }
0xad: {  	s6 =	sshll.u32 s26, $0x1;
	_ =	strace $0x80000046;
	[dreg:$0x1] =	wrdreg $0xFFFFFFFF  }
0xae: {  	s28 =	simm.s32 $_size_execute0_lowered;
	s5 =	sadd.s32 s5, s6;
	[dreg:$0x0] =	wrdreg $0x0  }
0xaf: {  	s6 =	sshll.u32 s28, $0x1;
	[dreg:$0x2] =	wrdreg s5  }
0xb0: {  	[dreg:$0x3] =	wrdreg s6  }
0xb1: {  	[dreg:$0x4] =	wrdreg $0xC0  }
0xb2: {  	_ =	task [dreg:s9], $0x5FFFF  }
0xb3: {  	[dreg:$0x1] =	wrdreg $0xFFFFFFFF  }
0xb4: {  	[dreg:$0x0] =	wrdreg $0x60  }
0xb5: {  	[dreg:$0x2] =	wrdreg s16  }
0xb6: {  	[dreg:$0x3] =	wrdreg s4  }
0xb7: {  	[dreg:$0x4] =	wrdreg s17  }
0xb8: {  	[dreg:$0x5] =	wrdreg $0x0  }
0xb9: {  	[dreg:$0x6] =	wrdreg $0x9  }
0xba: {  	_ =	task.clear_ibuf [dreg:s9], $0x7FFFF;
	_ =	strace $0x90000046  }
0xbb: {  	s29 =	simm.s32 $0x9;
	_ =	strace $0x80000048  }
0xbc: {  	_ =	swait.ge [sflag:s29], $0x1  }
0xbd: {  	[sflag:s29] =	ssyncadd.s32 $0xFFFFFFFF  }
0xbe: {  	_ =	strace $0x90000048  }
0xbf: {  	_ =	sfence  }
0xc0: {  	s30 =	sld [smem:$0x0];
	_ =	sdelay $0x2  }
0xc1: {  	s31 =	sshll.u32 s1, $0xD;
	s1 =	sshrl.u32 s1, $0x2  }
0xc2: {  	s3 =	sand.u32 $0x4000, s31;
	s1 =	sadd.s32 s1, s30  }
0xc3: {  	s0 =	sor.u32 s3, s0;
	s1 =	sshll.u32 s1, $0x11  }
0xc4: {  	s0 =	sor.u32 s1, s0  }
0xc5: {  	s0 =	sadd.s32 $0x8F2B, s0  }
0xc6: {  	[sflag:s0] =	ssyncadd.remote.s32 $0x1  }
0xc7: {  	_ =	sfence.sel $0xFFFF  }
0xc8: {  	[dreg:$0x0] =	wrdreg $0xFFFFFFFF;
	(pc) =	sbr.abs _section_cstart, $3  }
0xc9: {  	[dreg:$0x1] =	wrdreg $0xFFFFFFFF  }
0xca: {  	_ =	task.clear_ibuf [dreg:s9], $0x2FFFF;
	_ =	strace $0x9FFFFFFF  }
0xcb: {  	(tm) =	ssettm $0x7FFFFFFF  }
tec
execute0_lowered:
.L_overlay_start_1:
0x0: {  	(tag) =	ssettag $0x1  }
0x1: {  	s10 =	rddreg [dreg:$0x0]  }
0x2: {  	s7 =	rddreg [dreg:$0x1]  }
0x3: {  	s25 =	rddreg [dreg:$0x2]  }
0x4: {  	s1 =	rddreg [dreg:$0x3];
	s2 =	simm.s32 $0x0  }
0x5: {  	v0 =	vimm.f32 $0.0e+00;
	[smem:$0x7FF] =	sst s2  }
0x6: {  	s0 =	rddreg [dreg:$0x4];
	_ =	strace $0x80000047;
	[tilespmem:$0x1A3A0] =	vst v0  }
0x7: {  	[tilespmem:$0x1A3B0] =	vst v0  }
0x8: {  	[tilespmem:$0x1A3C0] =	vst v0  }
0x9: {  	[tilespmem:$0x1A3D0] =	vst v0  }
0xa: {  	[tilespmem:$0x1A3E0] =	vst v0  }
0xb: {  	[tilespmem:$0x1A3F0] =	vst v0  }
0xc: {  	[tilespmem:$0x1A400] =	vst v0  }
0xd: {  	[tilespmem:$0x1A410] =	vst v0  }
0xe: {  	[tilespmem:$0x1A420] =	vst v0  }
0xf: {  	[tilespmem:$0x1A430] =	vst v0  }
0x10: {  	[tilespmem:$0x1A440] =	vst v0  }
0x11: {  	[tilespmem:$0x1A450] =	vst v0  }
0x12: {  	[tilespmem:$0x1A380] =	vst v0  }
0x13: {  	[tilespmem:$0x1B370] =	vst v0  }
0x14: {  	[tilespmem:$0x1B360] =	vst v0  }
0x15: {  	[tilespmem:$0x1B350] =	vst v0  }
0x16: {  	[tilespmem:$0x1B340] =	vst v0  }
0x17: {  	[tilespmem:$0x1B330] =	vst v0  }
0x18: {  	[tilespmem:$0x1B320] =	vst v0  }
0x19: {  	[tilespmem:$0x1B310] =	vst v0  }
0x1a: {  	[tilespmem:$0x1B300] =	vst v0  }
0x1b: {  	[tilespmem:$0x1B2F0] =	vst v0  }
0x1c: {  	[tilespmem:$0x1B2E0] =	vst v0  }
0x1d: {  	[tilespmem:$0x1B2D0] =	vst v0  }
0x1e: {  	[tilespmem:$0x1B2C0] =	vst v0  }
0x1f: {  	[tilespmem:$0x1B2B0] =	vst v0  }
0x20: {  	[tilespmem:$0x1B2A0] =	vst v0  }
0x21: {  	[tilespmem:$0x1B290] =	vst v0  }
0x22: {  	[tilespmem:$0x1B280] =	vst v0  }
0x23: {  	[tilespmem:$0x1B270] =	vst v0  }
0x24: {  	[tilespmem:$0x1B260] =	vst v0  }
0x25: {  	[tilespmem:$0x1B250] =	vst v0  }
0x26: {  	[tilespmem:$0x1B240] =	vst v0  }
0x27: {  	[tilespmem:$0x1B230] =	vst v0  }
0x28: {  	[tilespmem:$0x1B220] =	vst v0  }
0x29: {  	[tilespmem:$0x1B210] =	vst v0  }
0x2a: {  	[tilespmem:$0x1B200] =	vst v0  }
0x2b: {  	[tilespmem:$0x1B1F0] =	vst v0  }
0x2c: {  	[tilespmem:$0x1B1E0] =	vst v0  }
0x2d: {  	[tilespmem:$0x1B1D0] =	vst v0  }
0x2e: {  	[tilespmem:$0x1B1C0] =	vst v0  }
0x2f: {  	[tilespmem:$0x1B1B0] =	vst v0  }
0x30: {  	[tilespmem:$0x1B1A0] =	vst v0  }
0x31: {  	[tilespmem:$0x1B190] =	vst v0  }
0x32: {  	[tilespmem:$0x1B180] =	vst v0  }
0x33: {  	[tilespmem:$0x1B170] =	vst v0  }
0x34: {  	[tilespmem:$0x1B160] =	vst v0  }
0x35: {  	[tilespmem:$0x1B150] =	vst v0  }
0x36: {  	[tilespmem:$0x1B140] =	vst v0  }
0x37: {  	[tilespmem:$0x1B130] =	vst v0  }
0x38: {  	[tilespmem:$0x1B120] =	vst v0  }
0x39: {  	[tilespmem:$0x1B110] =	vst v0  }
0x3a: {  	[tilespmem:$0x1B100] =	vst v0  }
0x3b: {  	[tilespmem:$0x1B0F0] =	vst v0  }
0x3c: {  	[tilespmem:$0x1B0E0] =	vst v0  }
0x3d: {  	[tilespmem:$0x1B0D0] =	vst v0  }
0x3e: {  	[tilespmem:$0x1B0C0] =	vst v0  }
0x3f: {  	[tilespmem:$0x1B0B0] =	vst v0  }
0x40: {  	[tilespmem:$0x1B0A0] =	vst v0  }
0x41: {  	[tilespmem:$0x1B090] =	vst v0  }
0x42: {  	[tilespmem:$0x1B080] =	vst v0  }
0x43: {  	[tilespmem:$0x1B070] =	vst v0  }
0x44: {  	[tilespmem:$0x1B060] =	vst v0  }
0x45: {  	[tilespmem:$0x1B050] =	vst v0  }
0x46: {  	[tilespmem:$0x1B040] =	vst v0  }
0x47: {  	[tilespmem:$0x1B030] =	vst v0  }
0x48: {  	[tilespmem:$0x1B020] =	vst v0  }
0x49: {  	[tilespmem:$0x1B010] =	vst v0  }
0x4a: {  	[tilespmem:$0x1B000] =	vst v0  }
0x4b: {  	[tilespmem:$0x1AFF0] =	vst v0  }
0x4c: {  	[tilespmem:$0x1AFE0] =	vst v0  }
0x4d: {  	[tilespmem:$0x1AFD0] =	vst v0  }
0x4e: {  	[tilespmem:$0x1AFC0] =	vst v0  }
0x4f: {  	[tilespmem:$0x1AFB0] =	vst v0  }
0x50: {  	[tilespmem:$0x1AFA0] =	vst v0  }
0x51: {  	[tilespmem:$0x1AF90] =	vst v0  }
0x52: {  	[tilespmem:$0x1AF80] =	vst v0  }
0x53: {  	[tilespmem:$0x1AF70] =	vst v0  }
0x54: {  	[tilespmem:$0x1AF60] =	vst v0  }
0x55: {  	[tilespmem:$0x1AF50] =	vst v0  }
0x56: {  	[tilespmem:$0x1AF40] =	vst v0  }
0x57: {  	[tilespmem:$0x1AF30] =	vst v0  }
0x58: {  	[tilespmem:$0x1AF20] =	vst v0  }
0x59: {  	[tilespmem:$0x1AF10] =	vst v0  }
0x5a: {  	[tilespmem:$0x1AF00] =	vst v0  }
0x5b: {  	[tilespmem:$0x1AEF0] =	vst v0  }
0x5c: {  	[tilespmem:$0x1AEE0] =	vst v0  }
0x5d: {  	[tilespmem:$0x1AED0] =	vst v0  }
0x5e: {  	[tilespmem:$0x1AEC0] =	vst v0  }
0x5f: {  	[tilespmem:$0x1AEB0] =	vst v0  }
0x60: {  	[tilespmem:$0x1AEA0] =	vst v0  }
0x61: {  	[tilespmem:$0x1AE90] =	vst v0  }
0x62: {  	[tilespmem:$0x1AE80] =	vst v0  }
0x63: {  	[tilespmem:$0x1AE70] =	vst v0  }
0x64: {  	[tilespmem:$0x1AE60] =	vst v0  }
0x65: {  	[tilespmem:$0x1AE50] =	vst v0  }
0x66: {  	[tilespmem:$0x1AE40] =	vst v0  }
0x67: {  	[tilespmem:$0x1AE30] =	vst v0  }
0x68: {  	[tilespmem:$0x1AE20] =	vst v0  }
0x69: {  	[tilespmem:$0x1AE10] =	vst v0  }
0x6a: {  	[tilespmem:$0x1AE00] =	vst v0  }
0x6b: {  	[tilespmem:$0x1ADF0] =	vst v0  }
0x6c: {  	[tilespmem:$0x1ADE0] =	vst v0  }
0x6d: {  	[tilespmem:$0x1ADD0] =	vst v0  }
0x6e: {  	[tilespmem:$0x1ADC0] =	vst v0  }
0x6f: {  	[tilespmem:$0x1ADB0] =	vst v0  }
0x70: {  	[tilespmem:$0x1ADA0] =	vst v0  }
0x71: {  	[tilespmem:$0x1AD90] =	vst v0  }
0x72: {  	[tilespmem:$0x1AD80] =	vst v0  }
0x73: {  	[tilespmem:$0x1AD70] =	vst v0  }
0x74: {  	[tilespmem:$0x1AD60] =	vst v0  }
0x75: {  	[tilespmem:$0x1AD50] =	vst v0  }
0x76: {  	[tilespmem:$0x1AD40] =	vst v0  }
0x77: {  	[tilespmem:$0x1AD30] =	vst v0  }
0x78: {  	[tilespmem:$0x1AD20] =	vst v0  }
0x79: {  	[tilespmem:$0x1AD10] =	vst v0  }
0x7a: {  	[tilespmem:$0x1AD00] =	vst v0  }
0x7b: {  	[tilespmem:$0x1ACF0] =	vst v0  }
0x7c: {  	[tilespmem:$0x1ACE0] =	vst v0  }
0x7d: {  	[tilespmem:$0x1ACD0] =	vst v0  }
0x7e: {  	[tilespmem:$0x1ACC0] =	vst v0  }
0x7f: {  	[tilespmem:$0x1ACB0] =	vst v0  }
0x80: {  	[tilespmem:$0x1ACA0] =	vst v0  }
0x81: {  	[tilespmem:$0x1AC90] =	vst v0  }
0x82: {  	[tilespmem:$0x1AC80] =	vst v0  }
0x83: {  	[tilespmem:$0x1AC70] =	vst v0  }
0x84: {  	[tilespmem:$0x1AC60] =	vst v0  }
0x85: {  	[tilespmem:$0x1AC50] =	vst v0  }
0x86: {  	[tilespmem:$0x1AC40] =	vst v0  }
0x87: {  	[tilespmem:$0x1AC30] =	vst v0  }
0x88: {  	[tilespmem:$0x1AC20] =	vst v0  }
0x89: {  	[tilespmem:$0x1AC10] =	vst v0  }
0x8a: {  	[tilespmem:$0x1AC00] =	vst v0  }
0x8b: {  	[tilespmem:$0x1ABF0] =	vst v0  }
0x8c: {  	[tilespmem:$0x1ABE0] =	vst v0  }
0x8d: {  	[tilespmem:$0x1ABD0] =	vst v0  }
0x8e: {  	[tilespmem:$0x1ABC0] =	vst v0  }
0x8f: {  	[tilespmem:$0x1ABB0] =	vst v0  }
0x90: {  	[tilespmem:$0x1ABA0] =	vst v0  }
0x91: {  	[tilespmem:$0x1AB90] =	vst v0  }
0x92: {  	[tilespmem:$0x1AB80] =	vst v0  }
0x93: {  	[tilespmem:$0x1AB70] =	vst v0  }
0x94: {  	[tilespmem:$0x1AB60] =	vst v0  }
0x95: {  	[tilespmem:$0x1AB50] =	vst v0  }
0x96: {  	[tilespmem:$0x1AB40] =	vst v0  }
0x97: {  	[tilespmem:$0x1AB30] =	vst v0  }
0x98: {  	[tilespmem:$0x1AB20] =	vst v0  }
0x99: {  	[tilespmem:$0x1AB10] =	vst v0  }
0x9a: {  	[tilespmem:$0x1AB00] =	vst v0  }
0x9b: {  	[tilespmem:$0x1AAF0] =	vst v0  }
0x9c: {  	[tilespmem:$0x1AAE0] =	vst v0  }
0x9d: {  	[tilespmem:$0x1AAD0] =	vst v0  }
0x9e: {  	[tilespmem:$0x1AAC0] =	vst v0  }
0x9f: {  	[tilespmem:$0x1AAB0] =	vst v0  }
0xa0: {  	[tilespmem:$0x1AAA0] =	vst v0  }
0xa1: {  	[tilespmem:$0x1AA90] =	vst v0  }
0xa2: {  	[tilespmem:$0x1AA80] =	vst v0  }
0xa3: {  	[tilespmem:$0x1AA70] =	vst v0  }
0xa4: {  	[tilespmem:$0x1AA60] =	vst v0  }
0xa5: {  	[tilespmem:$0x1AA50] =	vst v0  }
0xa6: {  	[tilespmem:$0x1AA40] =	vst v0  }
0xa7: {  	[tilespmem:$0x1AA30] =	vst v0  }
0xa8: {  	[tilespmem:$0x1AA20] =	vst v0  }
0xa9: {  	[tilespmem:$0x1AA10] =	vst v0  }
0xaa: {  	[tilespmem:$0x1AA00] =	vst v0  }
0xab: {  	[tilespmem:$0x1A9F0] =	vst v0  }
0xac: {  	[tilespmem:$0x1A9E0] =	vst v0  }
0xad: {  	[tilespmem:$0x1A9D0] =	vst v0  }
0xae: {  	[tilespmem:$0x1A9C0] =	vst v0  }
0xaf: {  	[tilespmem:$0x1A9B0] =	vst v0  }
0xb0: {  	[tilespmem:$0x1A9A0] =	vst v0  }
0xb1: {  	[tilespmem:$0x1A990] =	vst v0  }
0xb2: {  	[tilespmem:$0x1A980] =	vst v0  }
0xb3: {  	[tilespmem:$0x1A970] =	vst v0  }
0xb4: {  	[tilespmem:$0x1A960] =	vst v0  }
0xb5: {  	[tilespmem:$0x1A950] =	vst v0  }
0xb6: {  	[tilespmem:$0x1A940] =	vst v0  }
0xb7: {  	[tilespmem:$0x1A930] =	vst v0  }
0xb8: {  	[tilespmem:$0x1A920] =	vst v0  }
0xb9: {  	[tilespmem:$0x1A910] =	vst v0  }
0xba: {  	[tilespmem:$0x1A900] =	vst v0  }
0xbb: {  	[tilespmem:$0x1A8F0] =	vst v0  }
0xbc: {  	[tilespmem:$0x1A8E0] =	vst v0  }
0xbd: {  	[tilespmem:$0x1A8D0] =	vst v0  }
0xbe: {  	[tilespmem:$0x1A8C0] =	vst v0  }
0xbf: {  	[tilespmem:$0x1A8B0] =	vst v0  }
0xc0: {  	[tilespmem:$0x1A8A0] =	vst v0  }
0xc1: {  	[tilespmem:$0x1A890] =	vst v0  }
0xc2: {  	[tilespmem:$0x1A880] =	vst v0  }
0xc3: {  	[tilespmem:$0x1A870] =	vst v0  }
0xc4: {  	[tilespmem:$0x1A860] =	vst v0  }
0xc5: {  	[tilespmem:$0x1A850] =	vst v0  }
0xc6: {  	[tilespmem:$0x1A840] =	vst v0  }
0xc7: {  	[tilespmem:$0x1A830] =	vst v0  }
0xc8: {  	[tilespmem:$0x1A820] =	vst v0  }
0xc9: {  	[tilespmem:$0x1A810] =	vst v0  }
0xca: {  	[tilespmem:$0x1A800] =	vst v0  }
0xcb: {  	[tilespmem:$0x1A7F0] =	vst v0  }
0xcc: {  	[tilespmem:$0x1A7E0] =	vst v0  }
0xcd: {  	[tilespmem:$0x1A7D0] =	vst v0  }
0xce: {  	[tilespmem:$0x1A7C0] =	vst v0  }
0xcf: {  	[tilespmem:$0x1A7B0] =	vst v0  }
0xd0: {  	[tilespmem:$0x1A7A0] =	vst v0  }
0xd1: {  	[tilespmem:$0x1A790] =	vst v0  }
0xd2: {  	[tilespmem:$0x1A780] =	vst v0  }
0xd3: {  	[tilespmem:$0x1A770] =	vst v0  }
0xd4: {  	[tilespmem:$0x1A760] =	vst v0  }
0xd5: {  	[tilespmem:$0x1A750] =	vst v0  }
0xd6: {  	[tilespmem:$0x1A740] =	vst v0  }
0xd7: {  	[tilespmem:$0x1A730] =	vst v0  }
0xd8: {  	[tilespmem:$0x1A720] =	vst v0  }
0xd9: {  	[tilespmem:$0x1A710] =	vst v0  }
0xda: {  	[tilespmem:$0x1A700] =	vst v0  }
0xdb: {  	[tilespmem:$0x1A6F0] =	vst v0  }
0xdc: {  	[tilespmem:$0x1A6E0] =	vst v0  }
0xdd: {  	[tilespmem:$0x1A6D0] =	vst v0  }
0xde: {  	[tilespmem:$0x1A6C0] =	vst v0  }
0xdf: {  	[tilespmem:$0x1A6B0] =	vst v0  }
0xe0: {  	[tilespmem:$0x1A6A0] =	vst v0  }
0xe1: {  	[tilespmem:$0x1A690] =	vst v0  }
0xe2: {  	[tilespmem:$0x1A680] =	vst v0  }
0xe3: {  	[tilespmem:$0x1A670] =	vst v0  }
0xe4: {  	[tilespmem:$0x1A660] =	vst v0  }
0xe5: {  	[tilespmem:$0x1A650] =	vst v0  }
0xe6: {  	[tilespmem:$0x1A640] =	vst v0  }
0xe7: {  	[tilespmem:$0x1A630] =	vst v0  }
0xe8: {  	[tilespmem:$0x1A620] =	vst v0  }
0xe9: {  	[tilespmem:$0x1A610] =	vst v0  }
0xea: {  	[tilespmem:$0x1A600] =	vst v0  }
0xeb: {  	[tilespmem:$0x1A5F0] =	vst v0  }
0xec: {  	[tilespmem:$0x1A5E0] =	vst v0  }
0xed: {  	[tilespmem:$0x1A5D0] =	vst v0  }
0xee: {  	[tilespmem:$0x1A5C0] =	vst v0  }
0xef: {  	[tilespmem:$0x1A5B0] =	vst v0  }
0xf0: {  	[tilespmem:$0x1A5A0] =	vst v0  }
0xf1: {  	[tilespmem:$0x1A590] =	vst v0  }
0xf2: {  	[tilespmem:$0x1A580] =	vst v0  }
0xf3: {  	[tilespmem:$0x1A570] =	vst v0  }
0xf4: {  	[tilespmem:$0x1A560] =	vst v0  }
0xf5: {  	[tilespmem:$0x1A550] =	vst v0  }
0xf6: {  	[tilespmem:$0x1A540] =	vst v0  }
0xf7: {  	[tilespmem:$0x1A530] =	vst v0  }
0xf8: {  	[tilespmem:$0x1A520] =	vst v0  }
0xf9: {  	[tilespmem:$0x1A510] =	vst v0  }
0xfa: {  	[tilespmem:$0x1A500] =	vst v0  }
0xfb: {  	[tilespmem:$0x1A4F0] =	vst v0  }
0xfc: {  	[tilespmem:$0x1A4E0] =	vst v0  }
0xfd: {  	[tilespmem:$0x1A4D0] =	vst v0  }
0xfe: {  	[tilespmem:$0x1A4C0] =	vst v0  }
0xff: {  	[tilespmem:$0x1A4B0] =	vst v0  }
0x100: {  	s4 =	srdreg.scid;
	s3 =	stileid.u32;
	[tilespmem:$0x1A4A0] =	vst v0  }
0x101: {  	s26 =	sand.u32 $0x1, s4;
	s24 =	sshll.u32 s3, $0x1;
	[tilespmem:$0x1A490] =	vst v0  }
0x102: {  	s17 =	sor.u32 s26, s24;
	[tilespmem:$0x1A480] =	vst v0  }
0x103: {  	[tilespmem:$0x1A460] =	vst v0;
	s4 =	smul.u32 $0x3, s17  }
0x104: {  	s6 =	simm.s32 $0x1A380;
	s30 =	sshll.u32 s3, $0xC;
	s5 =	smin.u32 s17, $0x1D;
	[tilespmem:$0x1A470] =	vst v0  }
0x105: {  	[tilespmem:$0x1A390] =	vst v0;
	s11 =	sadd.s32 s5, s4;
	s4 =	sadd.s32 s30, s1;
	s5 =	simm.s32 $0x1  }
0x106: {  	[spmem:s4] =	stream.linear.scatter [tilespmem:s6], [sflag:$0x1], $0x1000, $0x38;
	[tilespmem:$0x1B380] =	vst v63  }
0x107: {  	_ =	swait.ge [sflag:s5], $0x1000  }
0x108: {  	s8 =	smul.u32 $0x64, s11;
	[sflag:s5] =	ssyncset.done $0x0  }
0x109: {  	s9 =	simm.s32 $0x2;
	[sflag:s5] =	ssyncadd.s32 $0xFFFFF000  }
0x10a: {  	s7 =	sadd.s32 s7, s8;
	s8 =	simm.s32 $0x1A000;
	[bflag:$0x0] =	sbarrier.arrive $0xFFFF  }
0x10b: {  	[tilespmem:s8], [sflag:$0x2] =	stream.linear.gather [hbm4b:s7+s2], $0x320, $0x38;
	[tilespmem:$0x1B380] =	vst v63  }
0x10c: {  	s11 =	smul.u32 $0x3200, s11;
	_ =	swait.ge [sflag:s9], $0x320  }
0x10d: {  	[sflag:s9] =	ssyncset.done $0x0  }
0x10e: {  	s10 =	sadd.s32 s10, s11;
	s11 =	simm.s32 $0x1000;
	[sflag:s9] =	ssyncadd.s32 $0xFFFFFCE0  }
0x10f: {  	[tilespmem:s11], [sflag:$0x2] =	stream.linear.gather [hbm4b:s10+s2], $0x19000, $0x38;
	[tilespmem:$0x1B380] =	vst v63  }
0x110: {  	_ =	swait.ge [sflag:s9], $0x19000  }
0x111: {  	[sflag:s9] =	ssyncset.done $0x0  }
0x112: {  	s12 =	simm.s32 $0x320;
	[sflag:s9] =	ssyncadd.s32 $0xFFFE7000  }
0x113: {  	[spmem:s1] =	stream.indirect.scatter.add.f32 [tilespmem:s11], [sflag:$0x1], $0x80, s8, s12, $0xb8;
	[tilespmem:$0x1B380] =	vst v63  }
0x114: {  	_ =	swait.ge [sflag:s5], $0x19000  }
0x115: {  	[sflag:s5] =	ssyncset.done $0x0  }
0x116: {  	s13 =	sadd.s32 $0x64, s7;
	[sflag:s5] =	ssyncadd.s32 $0xFFFE7000  }
0x117: {  	[tilespmem:s8], [sflag:$0x2] =	stream.linear.gather [hbm4b:s13+s2], $0x320, $0x38;
	[tilespmem:$0x1B380] =	vst v63  }
0x118: {  	_ =	swait.ge [sflag:s9], $0x320  }
0x119: {  	[sflag:s9] =	ssyncset.done $0x0  }
0x11a: {  	s14 =	sadd.s32 $0x3200, s10;
	[sflag:s9] =	ssyncadd.s32 $0xFFFFFCE0  }
0x11b: {  	[tilespmem:s11], [sflag:$0x2] =	stream.linear.gather [hbm4b:s14+s2], $0x19000, $0x38;
	[tilespmem:$0x1B380] =	vst v63  }
0x11c: {  	_ =	swait.ge [sflag:s9], $0x19000  }
0x11d: {  	[sflag:s9] =	ssyncset.done $0x0  }
0x11e: {  	[sflag:s9] =	ssyncadd.s32 $0xFFFE7000  }
0x11f: {  	[spmem:s1] =	stream.indirect.scatter.add.f32 [tilespmem:s11], [sflag:$0x1], $0x80, s8, s12, $0xb8;
	[tilespmem:$0x1B380] =	vst v63  }
0x120: {  	_ =	swait.ge [sflag:s5], $0x19000  }
0x121: {  	[sflag:s5] =	ssyncset.done $0x0  }
0x122: {  	s15 =	sadd.s32 $0xC8, s7;
	[sflag:s5] =	ssyncadd.s32 $0xFFFE7000  }
0x123: {  	[tilespmem:s8], [sflag:$0x2] =	stream.linear.gather [hbm4b:s15+s2], $0x320, $0x38;
	[tilespmem:$0x1B380] =	vst v63  }
0x124: {  	_ =	swait.ge [sflag:s9], $0x320  }
0x125: {  	[sflag:s9] =	ssyncset.done $0x0  }
0x126: {  	s16 =	sadd.s32 $0x6400, s10;
	[sflag:s9] =	ssyncadd.s32 $0xFFFFFCE0  }
0x127: {  	[tilespmem:s11], [sflag:$0x2] =	stream.linear.gather [hbm4b:s16+s2], $0x19000, $0x38;
	[tilespmem:$0x1B380] =	vst v63  }
0x128: {  	_ =	swait.ge [sflag:s9], $0x19000  }
0x129: {  	[sflag:s9] =	ssyncset.done $0x0  }
0x12a: {  	[sflag:s9] =	ssyncadd.s32 $0xFFFE7000  }
0x12b: {  	[spmem:s1] =	stream.indirect.scatter.add.f32 [tilespmem:s11], [sflag:$0x1], $0x80, s8, s12, $0xb8;
	[tilespmem:$0x1B380] =	vst v63  }
0x12c: {  	p0 =	sgt.u32 s17, $0x1C;
	_ =	swait.ge [sflag:s5], $0x19000  }
0x12d: {  	s18 =	simm.s32 @!p0 $0x2;
	s19 =	simm.s32 @!p0 $0x0;
	[sflag:s5] =	ssyncset.done $0x0  }
0x12e: {  	s20 =	simm.s32 @!p0 $0x1A000;
	s17 =	sadd.s32 $0x12C, s7;
	[sflag:s5] =	ssyncadd.s32 $0xFFFE7000  }
0x12f: {  	[tilespmem:s20], [sflag:$0x2] =	stream.linear.gather @!p0 [hbm4b:s17+s19], $0x320, $0x38;
	[tilespmem:$0x1B380] =	vst v63  }
0x130: {  	_ =	swait.ge @!p0 [sflag:s18], $0x320  }
0x131: {  	s29 =	sshll.u32 s3, $0x9;
	s24 =	ssub.s32 $0x2, s26;
	[sflag:s18] =	ssyncset.done @!p0 $0x0  }
0x132: {  	s22 =	simm.s32 @!p0 $0x1000;
	s21 =	sadd.s32 $0x9600, s10;
	[sflag:s18] =	ssyncadd.s32 @!p0 $0xFFFFFCE0  }
0x133: {  	[tilespmem:s22], [sflag:$0x2] =	stream.linear.gather @!p0 [hbm4b:s21+s19], $0x19000, $0x38;
	[tilespmem:$0x1B380] =	vst v63  }
0x134: {  	s31 =	sshll.u32 s3, $0x6;
	s28 =	sshrl.u32 s24, $0x1;
	_ =	swait.ge @!p0 [sflag:s18], $0x19000  }
0x135: {  	s23 =	simm.s32 @!p0 $0x320;
	s28 =	ssub.s32 s24, s28;
	[sflag:s18] =	ssyncset.done @!p0 $0x0  }
0x136: {  	s24 =	simm.s32 @!p0 $0x1;
	s28 =	smax.u32 s28, $0x1;
	[sflag:s18] =	ssyncadd.s32 @!p0 $0xFFFE7000  }
0x137: {  	[spmem:s1] =	stream.indirect.scatter.add.f32 @!p0 [tilespmem:s22], [sflag:$0x1], $0x80, s20, s23, $0xb8;
	[tilespmem:$0x1B380] =	vst v63  }
0x138: {  	s25 =	sadd.s32 s25, s29;
	s28 =	sadd.s32 $0xFFFFFFFF, s28;
	_ =	swait.ge @!p0 [sflag:s24], $0x19000  }
0x139: {  	s26 =	sshll.u32 s26, $0xD;
	p1 =	sne.s32 s28, $0x0;
	[sflag:s24] =	ssyncset.done @!p0 $0x0  }
.Ltmp0:
0x13a: {  	s25 =	sadd.s32 s26, s25;
	[sflag:s24] =	ssyncadd.s32 @!p0 $0xFFFE7000;
	(pc) =	sbr.rel @!p1 .LBB2_2-.Ltmp0, $4  }
0x13b: {  	s26 =	sor.u32 $0x1C01, s31;
	s29 =	sshrl.u32 s4, $0x3;
	[bflag:$0x0] =	sbarrier.arrive $0xFFFF  }
0x13c: {  	[hbm:s25], [sflag:s26] =	dma.local [spmem:s29], $0x200  }
0x13d: {  	_ =	swait.ge [sflag:s5], $0x200  }
0x13e: {  	[sflag:s5] =	ssyncset.done $0x0  }
.LBB2_1:
0x13f: {  	s28 =	sadd.s32 $0xFFFFFFFF, s28;
	[sflag:s5] =	ssyncadd.s32 $0xFFFFFE00  }
0x140: {  	[tilespmem:$0x1A3A0] =	vst v0;
	p1 =	sne.s32 s28, $0x0  }
0x141: {  	[tilespmem:$0x1A3B0] =	vst v0  }
0x142: {  	[tilespmem:$0x1A3C0] =	vst v0  }
0x143: {  	[tilespmem:$0x1A3D0] =	vst v0  }
0x144: {  	[tilespmem:$0x1A3E0] =	vst v0  }
0x145: {  	[tilespmem:$0x1A3F0] =	vst v0  }
0x146: {  	[tilespmem:$0x1A400] =	vst v0  }
0x147: {  	[tilespmem:$0x1A410] =	vst v0  }
0x148: {  	[tilespmem:$0x1A420] =	vst v0  }
0x149: {  	[tilespmem:$0x1A430] =	vst v0  }
0x14a: {  	[tilespmem:$0x1A440] =	vst v0  }
0x14b: {  	[tilespmem:$0x1A450] =	vst v0  }
0x14c: {  	[tilespmem:$0x1A380] =	vst v0  }
0x14d: {  	[tilespmem:$0x1B370] =	vst v0  }
0x14e: {  	[tilespmem:$0x1B360] =	vst v0  }
0x14f: {  	[tilespmem:$0x1B350] =	vst v0  }
0x150: {  	[tilespmem:$0x1B340] =	vst v0  }
0x151: {  	[tilespmem:$0x1B330] =	vst v0  }
0x152: {  	[tilespmem:$0x1B320] =	vst v0  }
0x153: {  	[tilespmem:$0x1B310] =	vst v0  }
0x154: {  	[tilespmem:$0x1B300] =	vst v0  }
0x155: {  	[tilespmem:$0x1B2F0] =	vst v0  }
0x156: {  	[tilespmem:$0x1B2E0] =	vst v0  }
0x157: {  	[tilespmem:$0x1B2D0] =	vst v0  }
0x158: {  	[tilespmem:$0x1B2C0] =	vst v0  }
0x159: {  	[tilespmem:$0x1B2B0] =	vst v0  }
0x15a: {  	[tilespmem:$0x1B2A0] =	vst v0  }
0x15b: {  	[tilespmem:$0x1B290] =	vst v0  }
0x15c: {  	[tilespmem:$0x1B280] =	vst v0  }
0x15d: {  	[tilespmem:$0x1B270] =	vst v0  }
0x15e: {  	[tilespmem:$0x1B260] =	vst v0  }
0x15f: {  	[tilespmem:$0x1B250] =	vst v0  }
0x160: {  	[tilespmem:$0x1B240] =	vst v0  }
0x161: {  	[tilespmem:$0x1B230] =	vst v0  }
0x162: {  	[tilespmem:$0x1B220] =	vst v0  }
0x163: {  	[tilespmem:$0x1B210] =	vst v0  }
0x164: {  	[tilespmem:$0x1B200] =	vst v0  }
0x165: {  	[tilespmem:$0x1B1F0] =	vst v0  }
0x166: {  	[tilespmem:$0x1B1E0] =	vst v0  }
0x167: {  	[tilespmem:$0x1B1D0] =	vst v0  }
0x168: {  	[tilespmem:$0x1B1C0] =	vst v0  }
0x169: {  	[tilespmem:$0x1B1B0] =	vst v0  }
0x16a: {  	[tilespmem:$0x1B1A0] =	vst v0  }
0x16b: {  	[tilespmem:$0x1B190] =	vst v0  }
0x16c: {  	[tilespmem:$0x1B180] =	vst v0  }
0x16d: {  	[tilespmem:$0x1B170] =	vst v0  }
0x16e: {  	[tilespmem:$0x1B160] =	vst v0  }
0x16f: {  	[tilespmem:$0x1B150] =	vst v0  }
0x170: {  	[tilespmem:$0x1B140] =	vst v0  }
0x171: {  	[tilespmem:$0x1B130] =	vst v0  }
0x172: {  	[tilespmem:$0x1B120] =	vst v0  }
0x173: {  	[tilespmem:$0x1B110] =	vst v0  }
0x174: {  	[tilespmem:$0x1B100] =	vst v0  }
0x175: {  	[tilespmem:$0x1B0F0] =	vst v0  }
0x176: {  	[tilespmem:$0x1B0E0] =	vst v0  }
0x177: {  	[tilespmem:$0x1B0D0] =	vst v0  }
0x178: {  	[tilespmem:$0x1B0C0] =	vst v0  }
0x179: {  	[tilespmem:$0x1B0B0] =	vst v0  }
0x17a: {  	[tilespmem:$0x1B0A0] =	vst v0  }
0x17b: {  	[tilespmem:$0x1B090] =	vst v0  }
0x17c: {  	[tilespmem:$0x1B080] =	vst v0  }
0x17d: {  	[tilespmem:$0x1B070] =	vst v0  }
0x17e: {  	[tilespmem:$0x1B060] =	vst v0  }
0x17f: {  	[tilespmem:$0x1B050] =	vst v0  }
0x180: {  	[tilespmem:$0x1B040] =	vst v0  }
0x181: {  	[tilespmem:$0x1B030] =	vst v0  }
0x182: {  	[tilespmem:$0x1B020] =	vst v0  }
0x183: {  	[tilespmem:$0x1B010] =	vst v0  }
0x184: {  	[tilespmem:$0x1B000] =	vst v0  }
0x185: {  	[tilespmem:$0x1AFF0] =	vst v0  }
0x186: {  	[tilespmem:$0x1AFE0] =	vst v0  }
0x187: {  	[tilespmem:$0x1AFD0] =	vst v0  }
0x188: {  	[tilespmem:$0x1AFC0] =	vst v0  }
0x189: {  	[tilespmem:$0x1AFB0] =	vst v0  }
0x18a: {  	[tilespmem:$0x1AFA0] =	vst v0  }
0x18b: {  	[tilespmem:$0x1AF90] =	vst v0  }
0x18c: {  	[tilespmem:$0x1AF80] =	vst v0  }
0x18d: {  	[tilespmem:$0x1AF70] =	vst v0  }
0x18e: {  	[tilespmem:$0x1AF60] =	vst v0  }
0x18f: {  	[tilespmem:$0x1AF50] =	vst v0  }
0x190: {  	[tilespmem:$0x1AF40] =	vst v0  }
0x191: {  	[tilespmem:$0x1AF30] =	vst v0  }
0x192: {  	[tilespmem:$0x1AF20] =	vst v0  }
0x193: {  	[tilespmem:$0x1AF10] =	vst v0  }
0x194: {  	[tilespmem:$0x1AF00] =	vst v0  }
0x195: {  	[tilespmem:$0x1AEF0] =	vst v0  }
0x196: {  	[tilespmem:$0x1AEE0] =	vst v0  }
0x197: {  	[tilespmem:$0x1AED0] =	vst v0  }
0x198: {  	[tilespmem:$0x1AEC0] =	vst v0  }
0x199: {  	[tilespmem:$0x1AEB0] =	vst v0  }
0x19a: {  	[tilespmem:$0x1AEA0] =	vst v0  }
0x19b: {  	[tilespmem:$0x1AE90] =	vst v0  }
0x19c: {  	[tilespmem:$0x1AE80] =	vst v0  }
0x19d: {  	[tilespmem:$0x1AE70] =	vst v0  }
0x19e: {  	[tilespmem:$0x1AE60] =	vst v0  }
0x19f: {  	[tilespmem:$0x1AE50] =	vst v0  }
0x1a0: {  	[tilespmem:$0x1AE40] =	vst v0  }
0x1a1: {  	[tilespmem:$0x1AE30] =	vst v0  }
0x1a2: {  	[tilespmem:$0x1AE20] =	vst v0  }
0x1a3: {  	[tilespmem:$0x1AE10] =	vst v0  }
0x1a4: {  	[tilespmem:$0x1AE00] =	vst v0  }
0x1a5: {  	[tilespmem:$0x1ADF0] =	vst v0  }
0x1a6: {  	[tilespmem:$0x1ADE0] =	vst v0  }
0x1a7: {  	[tilespmem:$0x1ADD0] =	vst v0  }
0x1a8: {  	[tilespmem:$0x1ADC0] =	vst v0  }
0x1a9: {  	[tilespmem:$0x1ADB0] =	vst v0  }
0x1aa: {  	[tilespmem:$0x1ADA0] =	vst v0  }
0x1ab: {  	[tilespmem:$0x1AD90] =	vst v0  }
0x1ac: {  	[tilespmem:$0x1AD80] =	vst v0  }
0x1ad: {  	[tilespmem:$0x1AD70] =	vst v0  }
0x1ae: {  	[tilespmem:$0x1AD60] =	vst v0  }
0x1af: {  	[tilespmem:$0x1AD50] =	vst v0  }
0x1b0: {  	[tilespmem:$0x1AD40] =	vst v0  }
0x1b1: {  	[tilespmem:$0x1AD30] =	vst v0  }
0x1b2: {  	[tilespmem:$0x1AD20] =	vst v0  }
0x1b3: {  	[tilespmem:$0x1AD10] =	vst v0  }
0x1b4: {  	[tilespmem:$0x1AD00] =	vst v0  }
0x1b5: {  	[tilespmem:$0x1ACF0] =	vst v0  }
0x1b6: {  	[tilespmem:$0x1ACE0] =	vst v0  }
0x1b7: {  	[tilespmem:$0x1ACD0] =	vst v0  }
0x1b8: {  	[tilespmem:$0x1ACC0] =	vst v0  }
0x1b9: {  	[tilespmem:$0x1ACB0] =	vst v0  }
0x1ba: {  	[tilespmem:$0x1ACA0] =	vst v0  }
0x1bb: {  	[tilespmem:$0x1AC90] =	vst v0  }
0x1bc: {  	[tilespmem:$0x1AC80] =	vst v0  }
0x1bd: {  	[tilespmem:$0x1AC70] =	vst v0  }
0x1be: {  	[tilespmem:$0x1AC60] =	vst v0  }
0x1bf: {  	[tilespmem:$0x1AC50] =	vst v0  }
0x1c0: {  	[tilespmem:$0x1AC40] =	vst v0  }
0x1c1: {  	[tilespmem:$0x1AC30] =	vst v0  }
0x1c2: {  	[tilespmem:$0x1AC20] =	vst v0  }
0x1c3: {  	[tilespmem:$0x1AC10] =	vst v0  }
0x1c4: {  	[tilespmem:$0x1AC00] =	vst v0  }
0x1c5: {  	[tilespmem:$0x1ABF0] =	vst v0  }
0x1c6: {  	[tilespmem:$0x1ABE0] =	vst v0  }
0x1c7: {  	[tilespmem:$0x1ABD0] =	vst v0  }
0x1c8: {  	[tilespmem:$0x1ABC0] =	vst v0  }
0x1c9: {  	[tilespmem:$0x1ABB0] =	vst v0  }
0x1ca: {  	[tilespmem:$0x1ABA0] =	vst v0  }
0x1cb: {  	[tilespmem:$0x1AB90] =	vst v0  }
0x1cc: {  	[tilespmem:$0x1AB80] =	vst v0  }
0x1cd: {  	[tilespmem:$0x1AB70] =	vst v0  }
0x1ce: {  	[tilespmem:$0x1AB60] =	vst v0  }
0x1cf: {  	[tilespmem:$0x1AB50] =	vst v0  }
0x1d0: {  	[tilespmem:$0x1AB40] =	vst v0  }
0x1d1: {  	[tilespmem:$0x1AB30] =	vst v0  }
0x1d2: {  	[tilespmem:$0x1AB20] =	vst v0  }
0x1d3: {  	[tilespmem:$0x1AB10] =	vst v0  }
0x1d4: {  	[tilespmem:$0x1AB00] =	vst v0  }
0x1d5: {  	[tilespmem:$0x1AAF0] =	vst v0  }
0x1d6: {  	[tilespmem:$0x1AAE0] =	vst v0  }
0x1d7: {  	[tilespmem:$0x1AAD0] =	vst v0  }
0x1d8: {  	[tilespmem:$0x1AAC0] =	vst v0  }
0x1d9: {  	[tilespmem:$0x1AAB0] =	vst v0  }
0x1da: {  	[tilespmem:$0x1AAA0] =	vst v0  }
0x1db: {  	[tilespmem:$0x1AA90] =	vst v0  }
0x1dc: {  	[tilespmem:$0x1AA80] =	vst v0  }
0x1dd: {  	[tilespmem:$0x1AA70] =	vst v0  }
0x1de: {  	[tilespmem:$0x1AA60] =	vst v0  }
0x1df: {  	[tilespmem:$0x1AA50] =	vst v0  }
0x1e0: {  	[tilespmem:$0x1AA40] =	vst v0  }
0x1e1: {  	[tilespmem:$0x1AA30] =	vst v0  }
0x1e2: {  	[tilespmem:$0x1AA20] =	vst v0  }
0x1e3: {  	[tilespmem:$0x1AA10] =	vst v0  }
0x1e4: {  	[tilespmem:$0x1AA00] =	vst v0  }
0x1e5: {  	[tilespmem:$0x1A9F0] =	vst v0  }
0x1e6: {  	[tilespmem:$0x1A9E0] =	vst v0  }
0x1e7: {  	[tilespmem:$0x1A9D0] =	vst v0  }
0x1e8: {  	[tilespmem:$0x1A9C0] =	vst v0  }
0x1e9: {  	[tilespmem:$0x1A9B0] =	vst v0  }
0x1ea: {  	[tilespmem:$0x1A9A0] =	vst v0  }
0x1eb: {  	[tilespmem:$0x1A990] =	vst v0  }
0x1ec: {  	[tilespmem:$0x1A980] =	vst v0  }
0x1ed: {  	[tilespmem:$0x1A970] =	vst v0  }
0x1ee: {  	[tilespmem:$0x1A960] =	vst v0  }
0x1ef: {  	[tilespmem:$0x1A950] =	vst v0  }
0x1f0: {  	[tilespmem:$0x1A940] =	vst v0  }
0x1f1: {  	[tilespmem:$0x1A930] =	vst v0  }
0x1f2: {  	[tilespmem:$0x1A920] =	vst v0  }
0x1f3: {  	[tilespmem:$0x1A910] =	vst v0  }
0x1f4: {  	[tilespmem:$0x1A900] =	vst v0  }
0x1f5: {  	[tilespmem:$0x1A8F0] =	vst v0  }
0x1f6: {  	[tilespmem:$0x1A8E0] =	vst v0  }
0x1f7: {  	[tilespmem:$0x1A8D0] =	vst v0  }
0x1f8: {  	[tilespmem:$0x1A8C0] =	vst v0  }
0x1f9: {  	[tilespmem:$0x1A8B0] =	vst v0  }
0x1fa: {  	[tilespmem:$0x1A8A0] =	vst v0  }
0x1fb: {  	[tilespmem:$0x1A890] =	vst v0  }
0x1fc: {  	[tilespmem:$0x1A880] =	vst v0  }
0x1fd: {  	[tilespmem:$0x1A870] =	vst v0  }
0x1fe: {  	[tilespmem:$0x1A860] =	vst v0  }
0x1ff: {  	[tilespmem:$0x1A850] =	vst v0  }
0x200: {  	[tilespmem:$0x1A840] =	vst v0  }
0x201: {  	[tilespmem:$0x1A830] =	vst v0  }
0x202: {  	[tilespmem:$0x1A820] =	vst v0  }
0x203: {  	[tilespmem:$0x1A810] =	vst v0  }
0x204: {  	[tilespmem:$0x1A800] =	vst v0  }
0x205: {  	[tilespmem:$0x1A7F0] =	vst v0  }
0x206: {  	[tilespmem:$0x1A7E0] =	vst v0  }
0x207: {  	[tilespmem:$0x1A7D0] =	vst v0  }
0x208: {  	[tilespmem:$0x1A7C0] =	vst v0  }
0x209: {  	[tilespmem:$0x1A7B0] =	vst v0  }
0x20a: {  	[tilespmem:$0x1A7A0] =	vst v0  }
0x20b: {  	[tilespmem:$0x1A790] =	vst v0  }
0x20c: {  	[tilespmem:$0x1A780] =	vst v0  }
0x20d: {  	[tilespmem:$0x1A770] =	vst v0  }
0x20e: {  	[tilespmem:$0x1A760] =	vst v0  }
0x20f: {  	[tilespmem:$0x1A750] =	vst v0  }
0x210: {  	[tilespmem:$0x1A740] =	vst v0  }
0x211: {  	[tilespmem:$0x1A730] =	vst v0  }
0x212: {  	[tilespmem:$0x1A720] =	vst v0  }
0x213: {  	[tilespmem:$0x1A710] =	vst v0  }
0x214: {  	[tilespmem:$0x1A700] =	vst v0  }
0x215: {  	[tilespmem:$0x1A6F0] =	vst v0  }
0x216: {  	[tilespmem:$0x1A6E0] =	vst v0  }
0x217: {  	[tilespmem:$0x1A6D0] =	vst v0  }
0x218: {  	[tilespmem:$0x1A6C0] =	vst v0  }
0x219: {  	[tilespmem:$0x1A6B0] =	vst v0  }
0x21a: {  	[tilespmem:$0x1A6A0] =	vst v0  }
0x21b: {  	[tilespmem:$0x1A690] =	vst v0  }
0x21c: {  	[tilespmem:$0x1A680] =	vst v0  }
0x21d: {  	[tilespmem:$0x1A670] =	vst v0  }
0x21e: {  	[tilespmem:$0x1A660] =	vst v0  }
0x21f: {  	[tilespmem:$0x1A650] =	vst v0  }
0x220: {  	[tilespmem:$0x1A640] =	vst v0  }
0x221: {  	[tilespmem:$0x1A630] =	vst v0  }
0x222: {  	[tilespmem:$0x1A620] =	vst v0  }
0x223: {  	[tilespmem:$0x1A610] =	vst v0  }
0x224: {  	[tilespmem:$0x1A600] =	vst v0  }
0x225: {  	[tilespmem:$0x1A5F0] =	vst v0  }
0x226: {  	[tilespmem:$0x1A5E0] =	vst v0  }
0x227: {  	[tilespmem:$0x1A5D0] =	vst v0  }
0x228: {  	[tilespmem:$0x1A5C0] =	vst v0  }
0x229: {  	[tilespmem:$0x1A5B0] =	vst v0  }
0x22a: {  	[tilespmem:$0x1A5A0] =	vst v0  }
0x22b: {  	[tilespmem:$0x1A590] =	vst v0  }
0x22c: {  	[tilespmem:$0x1A580] =	vst v0  }
0x22d: {  	[tilespmem:$0x1A570] =	vst v0  }
0x22e: {  	[tilespmem:$0x1A560] =	vst v0  }
0x22f: {  	[tilespmem:$0x1A550] =	vst v0  }
0x230: {  	[tilespmem:$0x1A540] =	vst v0  }
0x231: {  	[tilespmem:$0x1A530] =	vst v0  }
0x232: {  	[tilespmem:$0x1A520] =	vst v0  }
0x233: {  	[tilespmem:$0x1A510] =	vst v0  }
0x234: {  	[tilespmem:$0x1A500] =	vst v0  }
0x235: {  	[tilespmem:$0x1A4F0] =	vst v0  }
0x236: {  	[tilespmem:$0x1A4E0] =	vst v0  }
0x237: {  	[tilespmem:$0x1A4D0] =	vst v0  }
0x238: {  	[tilespmem:$0x1A4C0] =	vst v0  }
0x239: {  	[tilespmem:$0x1A4B0] =	vst v0  }
0x23a: {  	[tilespmem:$0x1A4A0] =	vst v0  }
0x23b: {  	[tilespmem:$0x1A490] =	vst v0  }
0x23c: {  	[tilespmem:$0x1A480] =	vst v0  }
0x23d: {  	[tilespmem:$0x1A470] =	vst v0  }
0x23e: {  	[tilespmem:$0x1A460] =	vst v0  }
0x23f: {  	[tilespmem:$0x1A390] =	vst v0  }
0x240: {  	[spmem:s4] =	stream.linear.scatter [tilespmem:s6], [sflag:$0x1], $0x1000, $0x38;
	[tilespmem:$0x1B380] =	vst v63  }
0x241: {  	_ =	swait.ge [sflag:s5], $0x1000  }
0x242: {  	[sflag:s5] =	ssyncset.done $0x0  }
0x243: {  	[sflag:s5] =	ssyncadd.s32 $0xFFFFF000  }
0x244: {  	[bflag:$0x0] =	sbarrier.arrive $0xFFFF  }
0x245: {  	[tilespmem:s8], [sflag:$0x2] =	stream.linear.gather [hbm4b:s7+s2], $0x320, $0x38;
	[tilespmem:$0x1B380] =	vst v63  }
0x246: {  	_ =	swait.ge [sflag:s9], $0x320  }
0x247: {  	[sflag:s9] =	ssyncset.done $0x0  }
0x248: {  	[sflag:s9] =	ssyncadd.s32 $0xFFFFFCE0  }
0x249: {  	[tilespmem:s11], [sflag:$0x2] =	stream.linear.gather [hbm4b:s10+s2], $0x19000, $0x38;
	[tilespmem:$0x1B380] =	vst v63  }
0x24a: {  	_ =	swait.ge [sflag:s9], $0x19000  }
0x24b: {  	[sflag:s9] =	ssyncset.done $0x0  }
0x24c: {  	[sflag:s9] =	ssyncadd.s32 $0xFFFE7000  }
0x24d: {  	[spmem:s1] =	stream.indirect.scatter.add.f32 [tilespmem:s11], [sflag:$0x1], $0x80, s8, s12, $0xb8;
	[tilespmem:$0x1B380] =	vst v63  }
0x24e: {  	_ =	swait.ge [sflag:s5], $0x19000  }
0x24f: {  	[sflag:s5] =	ssyncset.done $0x0  }
0x250: {  	[sflag:s5] =	ssyncadd.s32 $0xFFFE7000  }
0x251: {  	[tilespmem:s8], [sflag:$0x2] =	stream.linear.gather [hbm4b:s13+s2], $0x320, $0x38;
	[tilespmem:$0x1B380] =	vst v63  }
0x252: {  	_ =	swait.ge [sflag:s9], $0x320  }
0x253: {  	[sflag:s9] =	ssyncset.done $0x0  }
0x254: {  	[sflag:s9] =	ssyncadd.s32 $0xFFFFFCE0  }
0x255: {  	[tilespmem:s11], [sflag:$0x2] =	stream.linear.gather [hbm4b:s14+s2], $0x19000, $0x38;
	[tilespmem:$0x1B380] =	vst v63  }
0x256: {  	_ =	swait.ge [sflag:s9], $0x19000  }
0x257: {  	[sflag:s9] =	ssyncset.done $0x0  }
0x258: {  	[sflag:s9] =	ssyncadd.s32 $0xFFFE7000  }
0x259: {  	[spmem:s1] =	stream.indirect.scatter.add.f32 [tilespmem:s11], [sflag:$0x1], $0x80, s8, s12, $0xb8;
	[tilespmem:$0x1B380] =	vst v63  }
0x25a: {  	_ =	swait.ge [sflag:s5], $0x19000  }
0x25b: {  	[sflag:s5] =	ssyncset.done $0x0  }
0x25c: {  	[sflag:s5] =	ssyncadd.s32 $0xFFFE7000  }
0x25d: {  	[tilespmem:s8], [sflag:$0x2] =	stream.linear.gather [hbm4b:s15+s2], $0x320, $0x38;
	[tilespmem:$0x1B380] =	vst v63  }
0x25e: {  	_ =	swait.ge [sflag:s9], $0x320  }
0x25f: {  	[sflag:s9] =	ssyncset.done $0x0  }
0x260: {  	[sflag:s9] =	ssyncadd.s32 $0xFFFFFCE0  }
0x261: {  	[tilespmem:s11], [sflag:$0x2] =	stream.linear.gather [hbm4b:s16+s2], $0x19000, $0x38;
	[tilespmem:$0x1B380] =	vst v63  }
0x262: {  	_ =	swait.ge [sflag:s9], $0x19000  }
0x263: {  	[sflag:s9] =	ssyncset.done $0x0  }
0x264: {  	[sflag:s9] =	ssyncadd.s32 $0xFFFE7000  }
0x265: {  	[spmem:s1] =	stream.indirect.scatter.add.f32 [tilespmem:s11], [sflag:$0x1], $0x80, s8, s12, $0xb8;
	[tilespmem:$0x1B380] =	vst v63  }
0x266: {  	_ =	swait.ge [sflag:s5], $0x19000  }
0x267: {  	[sflag:s5] =	ssyncset.done $0x0  }
0x268: {  	[sflag:s5] =	ssyncadd.s32 $0xFFFE7000  }
0x269: {  	[tilespmem:s20], [sflag:$0x2] =	stream.linear.gather @!p0 [hbm4b:s17+s19], $0x320, $0x38;
	[tilespmem:$0x1B380] =	vst v63  }
0x26a: {  	_ =	swait.ge @!p0 [sflag:s18], $0x320  }
0x26b: {  	[sflag:s18] =	ssyncset.done @!p0 $0x0  }
0x26c: {  	[sflag:s18] =	ssyncadd.s32 @!p0 $0xFFFFFCE0  }
0x26d: {  	[tilespmem:s22], [sflag:$0x2] =	stream.linear.gather @!p0 [hbm4b:s21+s19], $0x19000, $0x38;
	[tilespmem:$0x1B380] =	vst v63  }
0x26e: {  	_ =	swait.ge @!p0 [sflag:s18], $0x19000  }
0x26f: {  	[sflag:s18] =	ssyncset.done @!p0 $0x0  }
0x270: {  	[sflag:s18] =	ssyncadd.s32 @!p0 $0xFFFE7000  }
0x271: {  	[spmem:s1] =	stream.indirect.scatter.add.f32 @!p0 [tilespmem:s22], [sflag:$0x1], $0x80, s20, s23, $0xb8;
	[tilespmem:$0x1B380] =	vst v63  }
0x272: {  	_ =	swait.ge @!p0 [sflag:s24], $0x19000  }
0x273: {  	[sflag:s24] =	ssyncset.done @!p0 $0x0  }
.Ltmp1:
0x274: {  	[sflag:s24] =	ssyncadd.s32 @!p0 $0xFFFE7000;
	(pc) =	sbr.rel @p1 .LBB2_1-.Ltmp1, $4  }
0x275: {  	[bflag:$0x0] =	sbarrier.arrive $0xFFFF  }
0x276: {  	[hbm:s25], [sflag:s26] =	dma.local [spmem:s29], $0x200  }
0x277: {  	_ =	swait.ge [sflag:s5], $0x200  }
0x278: {  	[sflag:s5] =	ssyncset.done $0x0  }
.LBB2_2:
0x279: {  	[sflag:s5] =	ssyncadd.s32 $0xFFFFFE00  }
0x27a: {  	_ =	sfence.sel $0x180000  }
0x27b: {  	[bflag:$0x0] =	sbarrier.arrive $0xFFFF  }
0x27c: {  	p0 =	sne.s32 s3, $0x0;
	_ =	strace $0x90000047  }
0x27d: {  	s0 =	sadd.s32 @!p0 $0x100000, s0;
	[bflag:$0x2] =	sbarrier.arrive $0xFFFF  }
0x27e: {  	[sflag:s0] =	ssyncadd.tile.s32 @!p0 $0x1;
	_ =	shalt  }
.Lfunc_end2:
_tile_overlayer_lowered:
.L_overlay_start_2:
0x27f: {  	(tag) =	ssettag $0x2  }
0x280: {  	s0 =	rddreg [dreg:$0x0];
	s2 =	stileid.u32  }
0x281: {  	s1 =	rddreg [dreg:$0x1];
	p0 =	sne.s32 s2, $0x0  }
0x282: {  	s3 =	rddreg [dreg:$0x2];
	[bflag:$0x3] =	sbarrier.arrive $0xFFFF;
	s2 =	simm.s32 @!p0 $0x1C01  }
0x283: {  	[timem:s3], [sflag:s2] =	dma.local @!p0 [hbm:s0], s1  }
0x284: {  	s0 =	simm.s32 @!p0 $0x1  }
0x285: {  	_ =	swait.ge @!p0 [sflag:s0], s1  }
0x286: {  	s1 =	ssub.s32 @!p0 $0x0, s1;
	[sflag:s0] =	ssyncset.done @!p0 $0x0  }
0x287: {  	[sflag:s0] =	ssyncadd.s32 @!p0 s1  }
0x288: {  	[bflag:$0x3] =	sbarrier.arrive $0xFFFF  }
0x289: {  	_ =	shalt  }

</sc_bundles>
